<compile_context>
chip_gen: v7x
topology: tpu7x:2x2x1
jax: 0.10.2.dev20260603
libtpu: 0.0.44.dev20260713+nightly
codegen_flags: <defaults>
</compile_context>

<pallas_src>
import functools

import jax
import jax.numpy as jnp
from jax import lax
from jax.experimental import pallas as pl
from jax.experimental.pallas import tpu as pltpu, tpu_sc as plsc

DIM_VOCAB = 1000000
DIM_HIDDEN = 64
BATCH = 4096
HIST_LEN = 200

NUM_CORES = 2
NUM_SUBCORES = 16
NUM_WORKERS = NUM_CORES * NUM_SUBCORES

BPW = BATCH // NUM_WORKERS
IDX_PER_W = BPW * HIST_LEN
LANES = 16

VCOLS = 7813
VOCAB_PAD = VCOLS * 128
COLS_PER_W = 245


def _detile_body(tabT_hbm, lin_hbm, b0, b1, o0, o1, rs0, rs1, ws0, ws1):
    bufs = (b0, b1)
    obufs = (o0, o1)
    rsem = (rs0, rs1)
    wsem = (ws0, ws1)
    wid = lax.axis_index("s") * NUM_CORES + lax.axis_index("c")
    iota = lax.iota(jnp.int32, LANES)

    def read_start(b, vc):
        pltpu.async_copy(tabT_hbm.at[:, pl.ds(vc * 128, 128)], bufs[b],
                         rsem[b])

    def transpose_block(bf, ob):
        def blk(i, carry):
            c0 = (i % 4) * LANES
            v0 = (i // 4) * LANES
            for k in range(LANES):
                rem = (iota + k) & (LANES - 1)
                v = plsc.load_gather(bf, [iota + c0, rem + v0])
                plsc.store_scatter(ob, [(rem + v0) * DIM_HIDDEN + c0 + iota],
                                   v)
            return carry
        lax.fori_loop(0, (DIM_HIDDEN // LANES) * (128 // LANES), blk, 0)

    def write_start(b, vc):
        pltpu.async_copy(obufs[b], lin_hbm.at[pl.ds(vc * 8192, 8192)],
                         wsem[b])

    def drain_write(b):
        pltpu.make_async_copy(obufs[b], lin_hbm.at[pl.ds(0, 8192)],
                              wsem[b]).wait()

    for b in range(2):
        read_start(b, wid + 32 * b)

    def step(g, carry):
        for b in range(2):
            i = 2 * g + b
            vc = wid + 32 * i

            @pl.when((i < COLS_PER_W) & (vc < VCOLS))
            def _():
                pltpu.make_async_copy(
                    tabT_hbm.at[:, pl.ds(vc * 128, 128)], bufs[b],
                    rsem[b]).wait()
                @pl.when(i >= 2)
                def _():
                    drain_write(b)
                transpose_block(bufs[b], obufs[b])
                write_start(b, vc)
                nvc = vc + 64
                @pl.when((i + 2 < COLS_PER_W) & (nvc < VCOLS))
                def _():
                    read_start(b, nvc)
        return carry

    lax.fori_loop(0, (COLS_PER_W + 1) // 2, step, 0)

    for b in range(2):
        drain_write(b)


def _gather_body(xf_hbm, tab_hbm, out_hbm,
                 xbuf, col0, col1, g0, g1, tb0, tb1,
                 gs0, gs1, os0, os1):
    cols = (col0, col1)
    gbufs = (g0, g1)
    tbufs = (tb0, tb1)
    gsem = (gs0, gs1)
    osem = (os0, os1)
    wid = lax.axis_index("s") * NUM_CORES + lax.axis_index("c")
    iota = lax.iota(jnp.int32, LANES)

    pltpu.sync_copy(xf_hbm.at[pl.ds(wid * IDX_PER_W, IDX_PER_W)], xbuf)

    def build_col(col, t):
        for g in range(BPW // LANES):
            v = plsc.load_gather(xbuf, [iota * HIST_LEN + (16 * g * HIST_LEN) + t])
            col[pl.ds(16 * g, LANES)] = v

    def transpose(gb, tb):
        def j_step(j, carry):
            for g in range(DIM_HIDDEN // LANES):
                v = gb[j, pl.ds(g * LANES, LANES)]
                plsc.store_scatter(tb, [iota + g * LANES, (iota & 0) + j], v)
            return carry
        lax.fori_loop(0, BPW, j_step, 0)

    def start_writes(tb, t, sem):
        for cg in range(DIM_HIDDEN // 8):
            pltpu.async_copy(tb.at[pl.ds(cg * 8, 8), pl.ds(0, BPW)],
                             out_hbm.at[t, cg, wid], sem)

    def drain_writes(tb, t, sem):
        for cg in range(DIM_HIDDEN // 8):
            pltpu.make_async_copy(tb.at[pl.ds(cg * 8, 8), pl.ds(0, BPW)],
                                  out_hbm.at[t, cg, wid], sem).wait()

    build_col(cols[0], 0)
    pltpu.async_copy(tab_hbm.at[cols[0]], gbufs[0], gsem[0])

    def step(i, carry):
        for b in range(2):
            t = 2 * i + b
            nb = 1 - b
            pltpu.make_async_copy(tab_hbm.at[cols[b]], gbufs[b],
                                  gsem[b]).wait()
            @pl.when(t + 1 < HIST_LEN)
            def _():
                build_col(cols[nb], t + 1)
                pltpu.async_copy(tab_hbm.at[cols[nb]], gbufs[nb], gsem[nb])
            @pl.when(t >= 2)
            def _():
                drain_writes(tbufs[b], t, osem[b])
            transpose(gbufs[b], tbufs[b])
            start_writes(tbufs[b], t, osem[b])
        return carry

    lax.fori_loop(0, HIST_LEN // 2, step, 0)

    for b in range(2):
        drain_writes(tbufs[b], HIST_LEN - 2 + b, osem[b])


@jax.jit
def _embed(x_flat, emb_T):
    mesh = plsc.VectorSubcoreMesh(
        core_axis_name="c", subcore_axis_name="s",
        num_cores=NUM_CORES, num_subcores=NUM_SUBCORES)
    detile = functools.partial(
        pl.kernel,
        mesh=mesh,
        compiler_params=pltpu.CompilerParams(
            use_tc_tiling_on_sc=True, needs_layout_passes=False),
        out_type=jax.ShapeDtypeStruct((VOCAB_PAD * DIM_HIDDEN,), jnp.float32),
        scratch_types=[
            pltpu.VMEM((DIM_HIDDEN, 128), jnp.float32),
            pltpu.VMEM((DIM_HIDDEN, 128), jnp.float32),
            pltpu.VMEM((128 * DIM_HIDDEN,), jnp.float32),
            pltpu.VMEM((128 * DIM_HIDDEN,), jnp.float32),
            pltpu.SemaphoreType.DMA,
            pltpu.SemaphoreType.DMA,
            pltpu.SemaphoreType.DMA,
            pltpu.SemaphoreType.DMA,
        ],
    )(_detile_body)
    emb_lin = detile(emb_T).reshape(VOCAB_PAD, DIM_HIDDEN)
    run = functools.partial(
        pl.kernel,
        mesh=mesh,
        compiler_params=pltpu.CompilerParams(
            use_tc_tiling_on_sc=False, needs_layout_passes=False),
        out_type=jax.ShapeDtypeStruct(
            (HIST_LEN, DIM_HIDDEN // 8, NUM_WORKERS, 8, BPW), jnp.float32),
        scratch_types=[
            pltpu.VMEM((IDX_PER_W,), jnp.int32),
            pltpu.VMEM((BPW,), jnp.int32),
            pltpu.VMEM((BPW,), jnp.int32),
            pltpu.VMEM((BPW, DIM_HIDDEN), jnp.float32),
            pltpu.VMEM((BPW, DIM_HIDDEN), jnp.float32),
            pltpu.VMEM((DIM_HIDDEN, BPW + 1), jnp.float32),
            pltpu.VMEM((DIM_HIDDEN, BPW + 1), jnp.float32),
            pltpu.SemaphoreType.DMA,
            pltpu.SemaphoreType.DMA,
            pltpu.SemaphoreType.DMA,
            pltpu.SemaphoreType.DMA,
        ],
    )(_gather_body)
    return run(x_flat, emb_lin)


def kernel(x, emb_t):
    x_flat = x.reshape(-1).astype(jnp.int32)
    out5 = _embed(x_flat, emb_t.T)
    y = (out5.transpose(2, 4, 0, 1, 3)
         .reshape(BATCH, HIST_LEN, DIM_HIDDEN))
    return y

# --- scband reference (transcript-rebuilt; emitter-appended) ---
"""Pipeline reference for scband-embed-42829413876320 (READ-ONLY COPY).

The authoritative reference and input builder live on the scoring server;
editing this copy changes nothing except your own understanding.
"""

import jax, jax.numpy as jnp
import numpy as np

DIM_VOCAB = 1000000
DIM_HIDDEN = 64
BATCH = 4096
HIST_LEN = 200


def setup_inputs(seed: int = 0) -> dict:
    key = jax.random.key(seed)
    k_idx, k_emb = jax.random.split(key)
    x = jax.random.randint(k_idx, (BATCH, HIST_LEN), 0, DIM_VOCAB, dtype=jnp.int64 if jax.config.read('jax_enable_x64') else jnp.int32)
    emb_t = jax.random.normal(k_emb, (DIM_VOCAB, DIM_HIDDEN), dtype=jnp.float32)
    return {"x": x, "emb_t": emb_t}


def reference(x, emb_t):
    # tf.nn.embedding_lookup(emb_t, x) -> gather rows of emb_t by x
    y = jnp.take(emb_t, x, axis=0)
    return y

if __name__ == "__main__":
    import jax
    _d = setup_inputs()
    print(jax.jit(kernel)(*tuple(_d.values())))

</pallas_src>

<mosaic_0001>
#map = affine_map<(d0, d1) -> (0, 0)>
#map1 = affine_map<(d0, d1) -> (0)>
module attributes {stable_mosaic.version = 14 : i64} {
  func.func @_detile_body(%arg0: i32, %arg1: i32, %arg2: memref<64x1000000xf32, #tpu.memory_space<hbm>>, %arg3: memref<64004096xf32, #tpu.memory_space<hbm>>, %arg4: memref<64x128xf32, #tpu.memory_space<vmem>>, %arg5: memref<64x128xf32, #tpu.memory_space<vmem>>, %arg6: memref<8192xf32, #tpu.memory_space<vmem>>, %arg7: memref<8192xf32, #tpu.memory_space<vmem>>, %arg8: memref<!tpu.dma_semaphore, #tpu.memory_space<semaphore_mem>>, %arg9: memref<!tpu.dma_semaphore, #tpu.memory_space<semaphore_mem>>, %arg10: memref<!tpu.dma_semaphore, #tpu.memory_space<semaphore_mem>>, %arg11: memref<!tpu.dma_semaphore, #tpu.memory_space<semaphore_mem>>) attributes {dimension_semantics = [#tpu.dimension_semantics<core_parallel>, #tpu.dimension_semantics<subcore_parallel>], iteration_bounds = array<i64: 2, 16>, scalar_prefetch = 0 : i64, scratch_operands = 8 : i64, tpu.core_type = #tpu.core_type<sc_vector_subcore>, window_params = [{transform_indices = #map}, {transform_indices = #map1}]} {
    %mul3A = arith.constant 2 : i32
    %mul3A_0 = arith.muli %arg1, %mul3A : i32
    %add3A = arith.addi %mul3A_0, %arg0 : i32
    %iota3A = tpu.iota {dimensions = array<i32: 0>} : vector<16xi32>
    %add3A_1 = arith.constant 0 : i32
    %add3A_2 = arith.addi %add3A, %add3A_1 : i32
    %mul3A_3 = arith.constant 128 : i32
    %mul3A_4 = arith.muli %add3A_2, %mul3A_3 : i32
    %dma_start3A = arith.constant 0 : i32
    %dma_start3A_5 = tpu.memref_slice %arg2[%dma_start3A, %mul3A_4] : memref<64x1000000xf32, #tpu.memory_space<hbm>> -> memref<64x128xf32, #tpu.memory_space<hbm>>
    %dma_start3A_6 = arith.constant 0 : i32
    %dma_start3A_7 = tpu.memref_slice %arg2[%dma_start3A_6, %mul3A_4] : memref<64x1000000xf32, #tpu.memory_space<hbm>> -> memref<64x128xf32, #tpu.memory_space<hbm>>
    tpu.enqueue_dma source(%dma_start3A_7 : memref<64x128xf32, #tpu.memory_space<hbm>>) target(%arg4 : memref<64x128xf32, #tpu.memory_space<vmem>>) target_semaphore(%arg8 : memref<!tpu.dma_semaphore, #tpu.memory_space<semaphore_mem>>)
    %add3A_8 = arith.constant 32 : i32
    %add3A_9 = arith.addi %add3A, %add3A_8 : i32
    %mul3A_10 = arith.constant 128 : i32
    %mul3A_11 = arith.muli %add3A_9, %mul3A_10 : i32
    %dma_start3A_12 = arith.constant 0 : i32
    %dma_start3A_13 = tpu.memref_slice %arg2[%dma_start3A_12, %mul3A_11] : memref<64x1000000xf32, #tpu.memory_space<hbm>> -> memref<64x128xf32, #tpu.memory_space<hbm>>
    %dma_start3A_14 = arith.constant 0 : i32
    %dma_start3A_15 = tpu.memref_slice %arg2[%dma_start3A_14, %mul3A_11] : memref<64x1000000xf32, #tpu.memory_space<hbm>> -> memref<64x128xf32, #tpu.memory_space<hbm>>
    tpu.enqueue_dma source(%dma_start3A_15 : memref<64x128xf32, #tpu.memory_space<hbm>>) target(%arg5 : memref<64x128xf32, #tpu.memory_space<vmem>>) target_semaphore(%arg9 : memref<!tpu.dma_semaphore, #tpu.memory_space<semaphore_mem>>)
    %scan3A = arith.constant 0 : i32
    %scan3A_16 = arith.constant 0 : i32
    %scan3A_17 = arith.constant 123 : i32
    %scan3A_18 = arith.addi %scan3A_16, %scan3A_17 : i32
    %scan3A_19 = arith.constant 1 : i32
    scf.for %scan3A_28 = %scan3A_16 to %scan3A_18 step %scan3A_19  : i32 {
      %mul3A_29 = arith.constant 2 : i32
      %mul3A_30 = arith.muli %mul3A_29, %scan3A_28 : i32
      %add3A_31 = arith.constant 0 : i32
      %add3A_32 = arith.addi %mul3A_30, %add3A_31 : i32
      %mul3A_33 = arith.constant 32 : i32
      %mul3A_34 = arith.muli %mul3A_33, %add3A_32 : i32
      %add3A_35 = arith.addi %add3A, %mul3A_34 : i32
      %lt3A = arith.constant 245 : i32
      %lt3A_36 = arith.cmpi slt, %add3A_32, %lt3A : i32
      %lt3A_37 = arith.constant 7813 : i32
      %lt3A_38 = arith.cmpi slt, %add3A_35, %lt3A_37 : i32
      %and3A = arith.andi %lt3A_36, %lt3A_38 : i1
      %convert_element_type3A = arith.extui %and3A : i1 to i32
      %cond3A = arith.constant 0 : i32
      %cond3A_39 = arith.cmpi ne, %convert_element_type3A, %cond3A : i32
      scf.if %cond3A_39 {
        %mul3A_55 = arith.constant 128 : i32
        %mul3A_56 = arith.muli %add3A_35, %mul3A_55 : i32
        %dma_wait3A_57 = arith.constant 0 : i32
        %dma_wait3A_58 = tpu.memref_slice %arg2[%dma_wait3A_57, %mul3A_56] : memref<64x1000000xf32, #tpu.memory_space<hbm>> -> memref<64x128xf32, #tpu.memory_space<hbm>>
        %dma_wait3A_59 = arith.constant 0 : i32
        %dma_wait3A_60 = tpu.memref_slice %arg2[%dma_wait3A_59, %mul3A_56] : memref<64x1000000xf32, #tpu.memory_space<hbm>> -> memref<64x128xf32, #tpu.memory_space<hbm>>
        tpu.wait_dma2 semaphore(%arg8 : memref<!tpu.dma_semaphore, #tpu.memory_space<semaphore_mem>>) src(%dma_wait3A_60 : memref<64x128xf32, #tpu.memory_space<hbm>>) dst(%arg4 : memref<64x128xf32, #tpu.memory_space<vmem>>)
        %ge3A = arith.constant 2 : i32
        %ge3A_61 = arith.cmpi sge, %add3A_32, %ge3A : i32
        %convert_element_type3A_62 = arith.extui %ge3A_61 : i1 to i32
        %cond3A_63 = arith.constant 0 : i32
        %cond3A_64 = arith.cmpi ne, %convert_element_type3A_62, %cond3A_63 : i32
        scf.if %cond3A_64 {
          %dma_wait3A_87 = arith.constant 0 : i32
          %dma_wait3A_88 = tpu.memref_slice %arg3[%dma_wait3A_87] : memref<64004096xf32, #tpu.memory_space<hbm>> -> memref<8192xf32, #tpu.memory_space<hbm>>
          %dma_wait3A_89 = arith.constant 0 : i32
          %dma_wait3A_90 = tpu.memref_slice %arg3[%dma_wait3A_89] : memref<64004096xf32, #tpu.memory_space<hbm>> -> memref<8192xf32, #tpu.memory_space<hbm>>
          tpu.wait_dma2 semaphore(%arg10 : memref<!tpu.dma_semaphore, #tpu.memory_space<semaphore_mem>>) src(%arg6 : memref<8192xf32, #tpu.memory_space<vmem>>) dst(%dma_wait3A_90 : memref<8192xf32, #tpu.memory_space<hbm>>)
        } else {
        }
        %scan3A_65 = arith.constant 0 : i32
        %scan3A_66 = arith.constant 0 : i32
        %scan3A_67 = arith.constant 32 : i32
        %scan3A_68 = arith.addi %scan3A_66, %scan3A_67 : i32
        %scan3A_69 = arith.constant 1 : i32
        scf.for %scan3A_87 = %scan3A_66 to %scan3A_68 step %scan3A_69  : i32 {
          %jit3A = arith.constant 4 : i32
          %eq3A = arith.constant 0 : i32
          %eq3A_88 = arith.cmpi eq, %jit3A, %eq3A : i32
          %jit3A_89 = arith.constant 1 : i32
          %select_n3A = arith.select %eq3A_88, %jit3A_89, %jit3A : i32
          %rem3A = arith.remsi %scan3A_87, %select_n3A : i32
          %ne3A = arith.constant 0 : i32
          %ne3A_90 = arith.cmpi ne, %rem3A, %ne3A : i32
          %lt3A_91 = arith.constant 0 : i32
          %lt3A_92 = arith.cmpi slt, %rem3A, %lt3A_91 : i32
          %lt3A_93 = arith.constant 0 : i32
          %lt3A_94 = arith.cmpi slt, %select_n3A, %lt3A_93 : i32
          %ne3A_95 = arith.xori %lt3A_92, %lt3A_94 : i1
          %and3A_96 = arith.andi %ne3A_95, %ne3A_90 : i1
          %add3A_97 = arith.addi %rem3A, %select_n3A : i32
          %select_n3A_98 = arith.select %and3A_96, %add3A_97, %rem3A : i32
          %mul3A_99 = arith.constant 16 : i32
          %mul3A_100 = arith.muli %select_n3A_98, %mul3A_99 : i32
          %jit3A_101 = arith.constant 4 : i32
          %div3A = arith.divsi %scan3A_87, %jit3A_101 : i32
          %sign3A = arith.constant 0 : i32
          %sign3A_102 = arith.cmpi sgt, %scan3A_87, %sign3A : i32
          %sign3A_103 = arith.extui %sign3A_102 : i1 to i32
          %sign3A_104 = arith.constant 0 : i32
          %sign3A_105 = arith.cmpi slt, %scan3A_87, %sign3A_104 : i32
          %sign3A_106 = arith.extui %sign3A_105 : i1 to i32
          %sign3A_107 = arith.subi %sign3A_103, %sign3A_106 : i32
          %sign3A_108 = arith.constant 0 : i32
          %sign3A_109 = arith.cmpi sgt, %jit3A_101, %sign3A_108 : i32
          %sign3A_110 = arith.extui %sign3A_109 : i1 to i32
          %sign3A_111 = arith.constant 0 : i32
          %sign3A_112 = arith.cmpi slt, %jit3A_101, %sign3A_111 : i32
          %sign3A_113 = arith.extui %sign3A_112 : i1 to i32
          %sign3A_114 = arith.subi %sign3A_110, %sign3A_113 : i32
          %ne3A_115 = arith.cmpi ne, %sign3A_107, %sign3A_114 : i32
          %rem3A_116 = arith.remsi %scan3A_87, %jit3A_101 : i32
          %ne3A_117 = arith.constant 0 : i32
          %ne3A_118 = arith.cmpi ne, %rem3A_116, %ne3A_117 : i32
          %and3A_119 = arith.andi %ne3A_115, %ne3A_118 : i1
          %sub3A = arith.constant 1 : i32
          %sub3A_120 = arith.subi %div3A, %sub3A : i32
          %select_n3A_121 = arith.select %and3A_119, %sub3A_120, %div3A : i32
          %mul3A_122 = arith.constant 16 : i32
          %mul3A_123 = arith.muli %select_n3A_121, %mul3A_122 : i32
          %add3A_124 = arith.constant 0 : i32
          %add3A_125 = vector.broadcast %add3A_124 : i32 to vector<16xi32>
          %add3A_126 = arith.addi %iota3A, %add3A_125 : vector<16xi32>
          %and3A_127 = arith.constant 15 : i32
          %and3A_128 = vector.broadcast %and3A_127 : i32 to vector<16xi32>
          %and3A_129 = arith.andi %add3A_126, %and3A_128 : vector<16xi32>
          %add3A_130 = vector.broadcast %mul3A_100 : i32 to vector<16xi32>
          %add3A_131 = arith.addi %iota3A, %add3A_130 : vector<16xi32>
          %add3A_132 = vector.broadcast %mul3A_123 : i32 to vector<16xi32>
          %add3A_133 = arith.addi %and3A_129, %add3A_132 : vector<16xi32>
          %gather3A = tpu.vector_load_idx %arg4[%add3A_131, %add3A_133] : memref<64x128xf32, #tpu.memory_space<vmem>>[vector<16xi32>, vector<16xi32>], vector<16xf32>,
          %add3A_134 = vector.broadcast %mul3A_123 : i32 to vector<16xi32>
          %add3A_135 = arith.addi %and3A_129, %add3A_134 : vector<16xi32>
          %mul3A_136 = arith.constant 64 : i32
          %mul3A_137 = vector.broadcast %mul3A_136 : i32 to vector<16xi32>
          %mul3A_138 = arith.muli %add3A_135, %mul3A_137 : vector<16xi32>
          %add3A_139 = vector.broadcast %mul3A_100 : i32 to vector<16xi32>
          %add3A_140 = arith.addi %mul3A_138, %add3A_139 : vector<16xi32>
          %add3A_141 = arith.addi %add3A_140, %iota3A : vector<16xi32>
          tpu.vector_store_idx %arg6[%add3A_141], %gather3A : memref<8192xf32, #tpu.memory_space<vmem>>[vector<16xi32>], vector<16xf32>,
          %add3A_142 = arith.constant 1 : i32
          %add3A_143 = vector.broadcast %add3A_142 : i32 to vector<16xi32>
          %add3A_144 = arith.addi %iota3A, %add3A_143 : vector<16xi32>
          %and3A_145 = arith.constant 15 : i32
          %and3A_146 = vector.broadcast %and3A_145 : i32 to vector<16xi32>
          %and3A_147 = arith.andi %add3A_144, %and3A_146 : vector<16xi32>
          %add3A_148 = vector.broadcast %mul3A_100 : i32 to vector<16xi32>
          %add3A_149 = arith.addi %iota3A, %add3A_148 : vector<16xi32>
          %add3A_150 = vector.broadcast %mul3A_123 : i32 to vector<16xi32>
          %add3A_151 = arith.addi %and3A_147, %add3A_150 : vector<16xi32>
          %gather3A_152 = tpu.vector_load_idx %arg4[%add3A_149, %add3A_151] : memref<64x128xf32, #tpu.memory_space<vmem>>[vector<16xi32>, vector<16xi32>], vector<16xf32>,
          %add3A_153 = vector.broadcast %mul3A_123 : i32 to vector<16xi32>
          %add3A_154 = arith.addi %and3A_147, %add3A_153 : vector<16xi32>
          %mul3A_155 = arith.constant 64 : i32
          %mul3A_156 = vector.broadcast %mul3A_155 : i32 to vector<16xi32>
          %mul3A_157 = arith.muli %add3A_154, %mul3A_156 : vector<16xi32>
          %add3A_158 = vector.broadcast %mul3A_100 : i32 to vector<16xi32>
          %add3A_159 = arith.addi %mul3A_157, %add3A_158 : vector<16xi32>
          %add3A_160 = arith.addi %add3A_159, %iota3A : vector<16xi32>
          tpu.vector_store_idx %arg6[%add3A_160], %gather3A_152 : memref<8192xf32, #tpu.memory_space<vmem>>[vector<16xi32>], vector<16xf32>,
          %add3A_161 = arith.constant 2 : i32
          %add3A_162 = vector.broadcast %add3A_161 : i32 to vector<16xi32>
          %add3A_163 = arith.addi %iota3A, %add3A_162 : vector<16xi32>
          %and3A_164 = arith.constant 15 : i32
          %and3A_165 = vector.broadcast %and3A_164 : i32 to vector<16xi32>
          %and3A_166 = arith.andi %add3A_163, %and3A_165 : vector<16xi32>
          %add3A_167 = vector.broadcast %mul3A_100 : i32 to vector<16xi32>
          %add3A_168 = arith.addi %iota3A, %add3A_167 : vector<16xi32>
          %add3A_169 = vector.broadcast %mul3A_123 : i32 to vector<16xi32>
          %add3A_170 = arith.addi %and3A_166, %add3A_169 : vector<16xi32>
          %gather3A_171 = tpu.vector_load_idx %arg4[%add3A_168, %add3A_170] : memref<64x128xf32, #tpu.memory_space<vmem>>[vector<16xi32>, vector<16xi32>], vector<16xf32>,
          %add3A_172 = vector.broadcast %mul3A_123 : i32 to vector<16xi32>
          %add3A_173 = arith.addi %and3A_166, %add3A_172 : vector<16xi32>
          %mul3A_174 = arith.constant 64 : i32
          %mul3A_175 = vector.broadcast %mul3A_174 : i32 to vector<16xi32>
          %mul3A_176 = arith.muli %add3A_173, %mul3A_175 : vector<16xi32>
          %add3A_177 = vector.broadcast %mul3A_100 : i32 to vector<16xi32>
          %add3A_178 = arith.addi %mul3A_176, %add3A_177 : vector<16xi32>
          %add3A_179 = arith.addi %add3A_178, %iota3A : vector<16xi32>
          tpu.vector_store_idx %arg6[%add3A_179], %gather3A_171 : memref<8192xf32, #tpu.memory_space<vmem>>[vector<16xi32>], vector<16xf32>,
          %add3A_180 = arith.constant 3 : i32
          %add3A_181 = vector.broadcast %add3A_180 : i32 to vector<16xi32>
          %add3A_182 = arith.addi %iota3A, %add3A_181 : vector<16xi32>
          %and3A_183 = arith.constant 15 : i32
          %and3A_184 = vector.broadcast %and3A_183 : i32 to vector<16xi32>
          %and3A_185 = arith.andi %add3A_182, %and3A_184 : vector<16xi32>
          %add3A_186 = vector.broadcast %mul3A_100 : i32 to vector<16xi32>
          %add3A_187 = arith.addi %iota3A, %add3A_186 : vector<16xi32>
          %add3A_188 = vector.broadcast %mul3A_123 : i32 to vector<16xi32>
          %add3A_189 = arith.addi %and3A_185, %add3A_188 : vector<16xi32>
          %gather3A_190 = tpu.vector_load_idx %arg4[%add3A_187, %add3A_189] : memref<64x128xf32, #tpu.memory_space<vmem>>[vector<16xi32>, vector<16xi32>], vector<16xf32>,
          %add3A_191 = vector.broadcast %mul3A_123 : i32 to vector<16xi32>
          %add3A_192 = arith.addi %and3A_185, %add3A_191 : vector<16xi32>
          %mul3A_193 = arith.constant 64 : i32
          %mul3A_194 = vector.broadcast %mul3A_193 : i32 to vector<16xi32>
          %mul3A_195 = arith.muli %add3A_192, %mul3A_194 : vector<16xi32>
          %add3A_196 = vector.broadcast %mul3A_100 : i32 to vector<16xi32>
          %add3A_197 = arith.addi %mul3A_195, %add3A_196 : vector<16xi32>
          %add3A_198 = arith.addi %add3A_197, %iota3A : vector<16xi32>
          tpu.vector_store_idx %arg6[%add3A_198], %gather3A_190 : memref<8192xf32, #tpu.memory_space<vmem>>[vector<16xi32>], vector<16xf32>,
          %add3A_199 = arith.constant 4 : i32
          %add3A_200 = vector.broadcast %add3A_199 : i32 to vector<16xi32>
          %add3A_201 = arith.addi %iota3A, %add3A_200 : vector<16xi32>
          %and3A_202 = arith.constant 15 : i32
          %and3A_203 = vector.broadcast %and3A_202 : i32 to vector<16xi32>
          %and3A_204 = arith.andi %add3A_201, %and3A_203 : vector<16xi32>
          %add3A_205 = vector.broadcast %mul3A_100 : i32 to vector<16xi32>
          %add3A_206 = arith.addi %iota3A, %add3A_205 : vector<16xi32>
          %add3A_207 = vector.broadcast %mul3A_123 : i32 to vector<16xi32>
          %add3A_208 = arith.addi %and3A_204, %add3A_207 : vector<16xi32>
          %gather3A_209 = tpu.vector_load_idx %arg4[%add3A_206, %add3A_208] : memref<64x128xf32, #tpu.memory_space<vmem>>[vector<16xi32>, vector<16xi32>], vector<16xf32>,
          %add3A_210 = vector.broadcast %mul3A_123 : i32 to vector<16xi32>
          %add3A_211 = arith.addi %and3A_204, %add3A_210 : vector<16xi32>
          %mul3A_212 = arith.constant 64 : i32
          %mul3A_213 = vector.broadcast %mul3A_212 : i32 to vector<16xi32>
          %mul3A_214 = arith.muli %add3A_211, %mul3A_213 : vector<16xi32>
          %add3A_215 = vector.broadcast %mul3A_100 : i32 to vector<16xi32>
          %add3A_216 = arith.addi %mul3A_214, %add3A_215 : vector<16xi32>
          %add3A_217 = arith.addi %add3A_216, %iota3A : vector<16xi32>
          tpu.vector_store_idx %arg6[%add3A_217], %gather3A_209 : memref<8192xf32, #tpu.memory_space<vmem>>[vector<16xi32>], vector<16xf32>,
          %add3A_218 = arith.constant 5 : i32
          %add3A_219 = vector.broadcast %add3A_218 : i32 to vector<16xi32>
          %add3A_220 = arith.addi %iota3A, %add3A_219 : vector<16xi32>
          %and3A_221 = arith.constant 15 : i32
          %and3A_222 = vector.broadcast %and3A_221 : i32 to vector<16xi32>
          %and3A_223 = arith.andi %add3A_220, %and3A_222 : vector<16xi32>
          %add3A_224 = vector.broadcast %mul3A_100 : i32 to vector<16xi32>
          %add3A_225 = arith.addi %iota3A, %add3A_224 : vector<16xi32>
          %add3A_226 = vector.broadcast %mul3A_123 : i32 to vector<16xi32>
          %add3A_227 = arith.addi %and3A_223, %add3A_226 : vector<16xi32>
          %gather3A_228 = tpu.vector_load_idx %arg4[%add3A_225, %add3A_227] : memref<64x128xf32, #tpu.memory_space<vmem>>[vector<16xi32>, vector<16xi32>], vector<16xf32>,
          %add3A_229 = vector.broadcast %mul3A_123 : i32 to vector<16xi32>
          %add3A_230 = arith.addi %and3A_223, %add3A_229 : vector<16xi32>
          %mul3A_231 = arith.constant 64 : i32
          %mul3A_232 = vector.broadcast %mul3A_231 : i32 to vector<16xi32>
          %mul3A_233 = arith.muli %add3A_230, %mul3A_232 : vector<16xi32>
          %add3A_234 = vector.broadcast %mul3A_100 : i32 to vector<16xi32>
          %add3A_235 = arith.addi %mul3A_233, %add3A_234 : vector<16xi32>
          %add3A_236 = arith.addi %add3A_235, %iota3A : vector<16xi32>
          tpu.vector_store_idx %arg6[%add3A_236], %gather3A_228 : memref<8192xf32, #tpu.memory_space<vmem>>[vector<16xi32>], vector<16xf32>,
          %add3A_237 = arith.constant 6 : i32
          %add3A_238 = vector.broadcast %add3A_237 : i32 to vector<16xi32>
          %add3A_239 = arith.addi %iota3A, %add3A_238 : vector<16xi32>
          %and3A_240 = arith.constant 15 : i32
          %and3A_241 = vector.broadcast %and3A_240 : i32 to vector<16xi32>
          %and3A_242 = arith.andi %add3A_239, %and3A_241 : vector<16xi32>
          %add3A_243 = vector.broadcast %mul3A_100 : i32 to vector<16xi32>
          %add3A_244 = arith.addi %iota3A, %add3A_243 : vector<16xi32>
          %add3A_245 = vector.broadcast %mul3A_123 : i32 to vector<16xi32>
          %add3A_246 = arith.addi %and3A_242, %add3A_245 : vector<16xi32>
          %gather3A_247 = tpu.vector_load_idx %arg4[%add3A_244, %add3A_246] : memref<64x128xf32, #tpu.memory_space<vmem>>[vector<16xi32>, vector<16xi32>], vector<16xf32>,
          %add3A_248 = vector.broadcast %mul3A_123 : i32 to vector<16xi32>
          %add3A_249 = arith.addi %and3A_242, %add3A_248 : vector<16xi32>
          %mul3A_250 = arith.constant 64 : i32
          %mul3A_251 = vector.broadcast %mul3A_250 : i32 to vector<16xi32>
          %mul3A_252 = arith.muli %add3A_249, %mul3A_251 : vector<16xi32>
          %add3A_253 = vector.broadcast %mul3A_100 : i32 to vector<16xi32>
          %add3A_254 = arith.addi %mul3A_252, %add3A_253 : vector<16xi32>
          %add3A_255 = arith.addi %add3A_254, %iota3A : vector<16xi32>
          tpu.vector_store_idx %arg6[%add3A_255], %gather3A_247 : memref<8192xf32, #tpu.memory_space<vmem>>[vector<16xi32>], vector<16xf32>,
          %add3A_256 = arith.constant 7 : i32
          %add3A_257 = vector.broadcast %add3A_256 : i32 to vector<16xi32>
          %add3A_258 = arith.addi %iota3A, %add3A_257 : vector<16xi32>
          %and3A_259 = arith.constant 15 : i32
          %and3A_260 = vector.broadcast %and3A_259 : i32 to vector<16xi32>
          %and3A_261 = arith.andi %add3A_258, %and3A_260 : vector<16xi32>
          %add3A_262 = vector.broadcast %mul3A_100 : i32 to vector<16xi32>
          %add3A_263 = arith.addi %iota3A, %add3A_262 : vector<16xi32>
          %add3A_264 = vector.broadcast %mul3A_123 : i32 to vector<16xi32>
          %add3A_265 = arith.addi %and3A_261, %add3A_264 : vector<16xi32>
          %gather3A_266 = tpu.vector_load_idx %arg4[%add3A_263, %add3A_265] : memref<64x128xf32, #tpu.memory_space<vmem>>[vector<16xi32>, vector<16xi32>], vector<16xf32>,
          %add3A_267 = vector.broadcast %mul3A_123 : i32 to vector<16xi32>
          %add3A_268 = arith.addi %and3A_261, %add3A_267 : vector<16xi32>
          %mul3A_269 = arith.constant 64 : i32
          %mul3A_270 = vector.broadcast %mul3A_269 : i32 to vector<16xi32>
          %mul3A_271 = arith.muli %add3A_268, %mul3A_270 : vector<16xi32>
          %add3A_272 = vector.broadcast %mul3A_100 : i32 to vector<16xi32>
          %add3A_273 = arith.addi %mul3A_271, %add3A_272 : vector<16xi32>
          %add3A_274 = arith.addi %add3A_273, %iota3A : vector<16xi32>
          tpu.vector_store_idx %arg6[%add3A_274], %gather3A_266 : memref<8192xf32, #tpu.memory_space<vmem>>[vector<16xi32>], vector<16xf32>,
          %add3A_275 = arith.constant 8 : i32
          %add3A_276 = vector.broadcast %add3A_275 : i32 to vector<16xi32>
          %add3A_277 = arith.addi %iota3A, %add3A_276 : vector<16xi32>
          %and3A_278 = arith.constant 15 : i32
          %and3A_279 = vector.broadcast %and3A_278 : i32 to vector<16xi32>
          %and3A_280 = arith.andi %add3A_277, %and3A_279 : vector<16xi32>
          %add3A_281 = vector.broadcast %mul3A_100 : i32 to vector<16xi32>
          %add3A_282 = arith.addi %iota3A, %add3A_281 : vector<16xi32>
          %add3A_283 = vector.broadcast %mul3A_123 : i32 to vector<16xi32>
          %add3A_284 = arith.addi %and3A_280, %add3A_283 : vector<16xi32>
          %gather3A_285 = tpu.vector_load_idx %arg4[%add3A_282, %add3A_284] : memref<64x128xf32, #tpu.memory_space<vmem>>[vector<16xi32>, vector<16xi32>], vector<16xf32>,
          %add3A_286 = vector.broadcast %mul3A_123 : i32 to vector<16xi32>
          %add3A_287 = arith.addi %and3A_280, %add3A_286 : vector<16xi32>
          %mul3A_288 = arith.constant 64 : i32
          %mul3A_289 = vector.broadcast %mul3A_288 : i32 to vector<16xi32>
          %mul3A_290 = arith.muli %add3A_287, %mul3A_289 : vector<16xi32>
          %add3A_291 = vector.broadcast %mul3A_100 : i32 to vector<16xi32>
          %add3A_292 = arith.addi %mul3A_290, %add3A_291 : vector<16xi32>
          %add3A_293 = arith.addi %add3A_292, %iota3A : vector<16xi32>
          tpu.vector_store_idx %arg6[%add3A_293], %gather3A_285 : memref<8192xf32, #tpu.memory_space<vmem>>[vector<16xi32>], vector<16xf32>,
          %add3A_294 = arith.constant 9 : i32
          %add3A_295 = vector.broadcast %add3A_294 : i32 to vector<16xi32>
          %add3A_296 = arith.addi %iota3A, %add3A_295 : vector<16xi32>
          %and3A_297 = arith.constant 15 : i32
          %and3A_298 = vector.broadcast %and3A_297 : i32 to vector<16xi32>
          %and3A_299 = arith.andi %add3A_296, %and3A_298 : vector<16xi32>
          %add3A_300 = vector.broadcast %mul3A_100 : i32 to vector<16xi32>
          %add3A_301 = arith.addi %iota3A, %add3A_300 : vector<16xi32>
          %add3A_302 = vector.broadcast %mul3A_123 : i32 to vector<16xi32>
          %add3A_303 = arith.addi %and3A_299, %add3A_302 : vector<16xi32>
          %gather3A_304 = tpu.vector_load_idx %arg4[%add3A_301, %add3A_303] : memref<64x128xf32, #tpu.memory_space<vmem>>[vector<16xi32>, vector<16xi32>], vector<16xf32>,
          %add3A_305 = vector.broadcast %mul3A_123 : i32 to vector<16xi32>
          %add3A_306 = arith.addi %and3A_299, %add3A_305 : vector<16xi32>
          %mul3A_307 = arith.constant 64 : i32
          %mul3A_308 = vector.broadcast %mul3A_307 : i32 to vector<16xi32>
          %mul3A_309 = arith.muli %add3A_306, %mul3A_308 : vector<16xi32>
          %add3A_310 = vector.broadcast %mul3A_100 : i32 to vector<16xi32>
          %add3A_311 = arith.addi %mul3A_309, %add3A_310 : vector<16xi32>
          %add3A_312 = arith.addi %add3A_311, %iota3A : vector<16xi32>
          tpu.vector_store_idx %arg6[%add3A_312], %gather3A_304 : memref<8192xf32, #tpu.memory_space<vmem>>[vector<16xi32>], vector<16xf32>,
          %add3A_313 = arith.constant 10 : i32
          %add3A_314 = vector.broadcast %add3A_313 : i32 to vector<16xi32>
          %add3A_315 = arith.addi %iota3A, %add3A_314 : vector<16xi32>
          %and3A_316 = arith.constant 15 : i32
          %and3A_317 = vector.broadcast %and3A_316 : i32 to vector<16xi32>
          %and3A_318 = arith.andi %add3A_315, %and3A_317 : vector<16xi32>
          %add3A_319 = vector.broadcast %mul3A_100 : i32 to vector<16xi32>
          %add3A_320 = arith.addi %iota3A, %add3A_319 : vector<16xi32>
          %add3A_321 = vector.broadcast %mul3A_123 : i32 to vector<16xi32>
          %add3A_322 = arith.addi %and3A_318, %add3A_321 : vector<16xi32>
          %gather3A_323 = tpu.vector_load_idx %arg4[%add3A_320, %add3A_322] : memref<64x128xf32, #tpu.memory_space<vmem>>[vector<16xi32>, vector<16xi32>], vector<16xf32>,
          %add3A_324 = vector.broadcast %mul3A_123 : i32 to vector<16xi32>
          %add3A_325 = arith.addi %and3A_318, %add3A_324 : vector<16xi32>
          %mul3A_326 = arith.constant 64 : i32
          %mul3A_327 = vector.broadcast %mul3A_326 : i32 to vector<16xi32>
          %mul3A_328 = arith.muli %add3A_325, %mul3A_327 : vector<16xi32>
          %add3A_329 = vector.broadcast %mul3A_100 : i32 to vector<16xi32>
          %add3A_330 = arith.addi %mul3A_328, %add3A_329 : vector<16xi32>
          %add3A_331 = arith.addi %add3A_330, %iota3A : vector<16xi32>
          tpu.vector_store_idx %arg6[%add3A_331], %gather3A_323 : memref<8192xf32, #tpu.memory_space<vmem>>[vector<16xi32>], vector<16xf32>,
          %add3A_332 = arith.constant 11 : i32
          %add3A_333 = vector.broadcast %add3A_332 : i32 to vector<16xi32>
          %add3A_334 = arith.addi %iota3A, %add3A_333 : vector<16xi32>
          %and3A_335 = arith.constant 15 : i32
          %and3A_336 = vector.broadcast %and3A_335 : i32 to vector<16xi32>
          %and3A_337 = arith.andi %add3A_334, %and3A_336 : vector<16xi32>
          %add3A_338 = vector.broadcast %mul3A_100 : i32 to vector<16xi32>
          %add3A_339 = arith.addi %iota3A, %add3A_338 : vector<16xi32>
          %add3A_340 = vector.broadcast %mul3A_123 : i32 to vector<16xi32>
          %add3A_341 = arith.addi %and3A_337, %add3A_340 : vector<16xi32>
          %gather3A_342 = tpu.vector_load_idx %arg4[%add3A_339, %add3A_341] : memref<64x128xf32, #tpu.memory_space<vmem>>[vector<16xi32>, vector<16xi32>], vector<16xf32>,
          %add3A_343 = vector.broadcast %mul3A_123 : i32 to vector<16xi32>
          %add3A_344 = arith.addi %and3A_337, %add3A_343 : vector<16xi32>
          %mul3A_345 = arith.constant 64 : i32
          %mul3A_346 = vector.broadcast %mul3A_345 : i32 to vector<16xi32>
          %mul3A_347 = arith.muli %add3A_344, %mul3A_346 : vector<16xi32>
          %add3A_348 = vector.broadcast %mul3A_100 : i32 to vector<16xi32>
          %add3A_349 = arith.addi %mul3A_347, %add3A_348 : vector<16xi32>
          %add3A_350 = arith.addi %add3A_349, %iota3A : vector<16xi32>
          tpu.vector_store_idx %arg6[%add3A_350], %gather3A_342 : memref<8192xf32, #tpu.memory_space<vmem>>[vector<16xi32>], vector<16xf32>,
          %add3A_351 = arith.constant 12 : i32
          %add3A_352 = vector.broadcast %add3A_351 : i32 to vector<16xi32>
          %add3A_353 = arith.addi %iota3A, %add3A_352 : vector<16xi32>
          %and3A_354 = arith.constant 15 : i32
          %and3A_355 = vector.broadcast %and3A_354 : i32 to vector<16xi32>
          %and3A_356 = arith.andi %add3A_353, %and3A_355 : vector<16xi32>
          %add3A_357 = vector.broadcast %mul3A_100 : i32 to vector<16xi32>
          %add3A_358 = arith.addi %iota3A, %add3A_357 : vector<16xi32>
          %add3A_359 = vector.broadcast %mul3A_123 : i32 to vector<16xi32>
          %add3A_360 = arith.addi %and3A_356, %add3A_359 : vector<16xi32>
          %gather3A_361 = tpu.vector_load_idx %arg4[%add3A_358, %add3A_360] : memref<64x128xf32, #tpu.memory_space<vmem>>[vector<16xi32>, vector<16xi32>], vector<16xf32>,
          %add3A_362 = vector.broadcast %mul3A_123 : i32 to vector<16xi32>
          %add3A_363 = arith.addi %and3A_356, %add3A_362 : vector<16xi32>
          %mul3A_364 = arith.constant 64 : i32
          %mul3A_365 = vector.broadcast %mul3A_364 : i32 to vector<16xi32>
          %mul3A_366 = arith.muli %add3A_363, %mul3A_365 : vector<16xi32>
          %add3A_367 = vector.broadcast %mul3A_100 : i32 to vector<16xi32>
          %add3A_368 = arith.addi %mul3A_366, %add3A_367 : vector<16xi32>
          %add3A_369 = arith.addi %add3A_368, %iota3A : vector<16xi32>
          tpu.vector_store_idx %arg6[%add3A_369], %gather3A_361 : memref<8192xf32, #tpu.memory_space<vmem>>[vector<16xi32>], vector<16xf32>,
          %add3A_370 = arith.constant 13 : i32
          %add3A_371 = vector.broadcast %add3A_370 : i32 to vector<16xi32>
          %add3A_372 = arith.addi %iota3A, %add3A_371 : vector<16xi32>
          %and3A_373 = arith.constant 15 : i32
          %and3A_374 = vector.broadcast %and3A_373 : i32 to vector<16xi32>
          %and3A_375 = arith.andi %add3A_372, %and3A_374 : vector<16xi32>
          %add3A_376 = vector.broadcast %mul3A_100 : i32 to vector<16xi32>
          %add3A_377 = arith.addi %iota3A, %add3A_376 : vector<16xi32>
          %add3A_378 = vector.broadcast %mul3A_123 : i32 to vector<16xi32>
          %add3A_379 = arith.addi %and3A_375, %add3A_378 : vector<16xi32>
          %gather3A_380 = tpu.vector_load_idx %arg4[%add3A_377, %add3A_379] : memref<64x128xf32, #tpu.memory_space<vmem>>[vector<16xi32>, vector<16xi32>], vector<16xf32>,
          %add3A_381 = vector.broadcast %mul3A_123 : i32 to vector<16xi32>
          %add3A_382 = arith.addi %and3A_375, %add3A_381 : vector<16xi32>
          %mul3A_383 = arith.constant 64 : i32
          %mul3A_384 = vector.broadcast %mul3A_383 : i32 to vector<16xi32>
          %mul3A_385 = arith.muli %add3A_382, %mul3A_384 : vector<16xi32>
          %add3A_386 = vector.broadcast %mul3A_100 : i32 to vector<16xi32>
          %add3A_387 = arith.addi %mul3A_385, %add3A_386 : vector<16xi32>
          %add3A_388 = arith.addi %add3A_387, %iota3A : vector<16xi32>
          tpu.vector_store_idx %arg6[%add3A_388], %gather3A_380 : memref<8192xf32, #tpu.memory_space<vmem>>[vector<16xi32>], vector<16xf32>,
          %add3A_389 = arith.constant 14 : i32
          %add3A_390 = vector.broadcast %add3A_389 : i32 to vector<16xi32>
          %add3A_391 = arith.addi %iota3A, %add3A_390 : vector<16xi32>
          %and3A_392 = arith.constant 15 : i32
          %and3A_393 = vector.broadcast %and3A_392 : i32 to vector<16xi32>
          %and3A_394 = arith.andi %add3A_391, %and3A_393 : vector<16xi32>
          %add3A_395 = vector.broadcast %mul3A_100 : i32 to vector<16xi32>
          %add3A_396 = arith.addi %iota3A, %add3A_395 : vector<16xi32>
          %add3A_397 = vector.broadcast %mul3A_123 : i32 to vector<16xi32>
          %add3A_398 = arith.addi %and3A_394, %add3A_397 : vector<16xi32>
          %gather3A_399 = tpu.vector_load_idx %arg4[%add3A_396, %add3A_398] : memref<64x128xf32, #tpu.memory_space<vmem>>[vector<16xi32>, vector<16xi32>], vector<16xf32>,
          %add3A_400 = vector.broadcast %mul3A_123 : i32 to vector<16xi32>
          %add3A_401 = arith.addi %and3A_394, %add3A_400 : vector<16xi32>
          %mul3A_402 = arith.constant 64 : i32
          %mul3A_403 = vector.broadcast %mul3A_402 : i32 to vector<16xi32>
          %mul3A_404 = arith.muli %add3A_401, %mul3A_403 : vector<16xi32>
          %add3A_405 = vector.broadcast %mul3A_100 : i32 to vector<16xi32>
          %add3A_406 = arith.addi %mul3A_404, %add3A_405 : vector<16xi32>
          %add3A_407 = arith.addi %add3A_406, %iota3A : vector<16xi32>
          tpu.vector_store_idx %arg6[%add3A_407], %gather3A_399 : memref<8192xf32, #tpu.memory_space<vmem>>[vector<16xi32>], vector<16xf32>,
          %add3A_408 = arith.constant 15 : i32
          %add3A_409 = vector.broadcast %add3A_408 : i32 to vector<16xi32>
          %add3A_410 = arith.addi %iota3A, %add3A_409 : vector<16xi32>
          %and3A_411 = arith.constant 15 : i32
          %and3A_412 = vector.broadcast %and3A_411 : i32 to vector<16xi32>
          %and3A_413 = arith.andi %add3A_410, %and3A_412 : vector<16xi32>
          %add3A_414 = vector.broadcast %mul3A_100 : i32 to vector<16xi32>
          %add3A_415 = arith.addi %iota3A, %add3A_414 : vector<16xi32>
          %add3A_416 = vector.broadcast %mul3A_123 : i32 to vector<16xi32>
          %add3A_417 = arith.addi %and3A_413, %add3A_416 : vector<16xi32>
          %gather3A_418 = tpu.vector_load_idx %arg4[%add3A_415, %add3A_417] : memref<64x128xf32, #tpu.memory_space<vmem>>[vector<16xi32>, vector<16xi32>], vector<16xf32>,
          %add3A_419 = vector.broadcast %mul3A_123 : i32 to vector<16xi32>
          %add3A_420 = arith.addi %and3A_413, %add3A_419 : vector<16xi32>
          %mul3A_421 = arith.constant 64 : i32
          %mul3A_422 = vector.broadcast %mul3A_421 : i32 to vector<16xi32>
          %mul3A_423 = arith.muli %add3A_420, %mul3A_422 : vector<16xi32>
          %add3A_424 = vector.broadcast %mul3A_100 : i32 to vector<16xi32>
          %add3A_425 = arith.addi %mul3A_423, %add3A_424 : vector<16xi32>
          %add3A_426 = arith.addi %add3A_425, %iota3A : vector<16xi32>
          tpu.vector_store_idx %arg6[%add3A_426], %gather3A_418 : memref<8192xf32, #tpu.memory_space<vmem>>[vector<16xi32>], vector<16xf32>,
        }
        %scan3A_70 = arith.constant 32 : i32
        %mul3A_71 = arith.constant 8192 : i32
        %mul3A_72 = arith.muli %add3A_35, %mul3A_71 : i32
        %dma_start3A_73 = tpu.memref_slice %arg3[%mul3A_72] : memref<64004096xf32, #tpu.memory_space<hbm>> -> memref<8192xf32, #tpu.memory_space<hbm>>
        %dma_start3A_74 = tpu.memref_slice %arg3[%mul3A_72] : memref<64004096xf32, #tpu.memory_space<hbm>> -> memref<8192xf32, #tpu.memory_space<hbm>>
        tpu.enqueue_dma source(%arg6 : memref<8192xf32, #tpu.memory_space<vmem>>) target(%dma_start3A_74 : memref<8192xf32, #tpu.memory_space<hbm>>) target_semaphore(%arg10 : memref<!tpu.dma_semaphore, #tpu.memory_space<semaphore_mem>>)
        %add3A_75 = arith.constant 64 : i32
        %add3A_76 = arith.addi %add3A_35, %add3A_75 : i32
        %add3A_77 = arith.constant 2 : i32
        %add3A_78 = arith.addi %add3A_32, %add3A_77 : i32
        %lt3A_79 = arith.constant 245 : i32
        %lt3A_80 = arith.cmpi slt, %add3A_78, %lt3A_79 : i32
        %lt3A_81 = arith.constant 7813 : i32
        %lt3A_82 = arith.cmpi slt, %add3A_76, %lt3A_81 : i32
        %and3A_83 = arith.andi %lt3A_80, %lt3A_82 : i1
        %convert_element_type3A_84 = arith.extui %and3A_83 : i1 to i32
        %cond3A_85 = arith.constant 0 : i32
        %cond3A_86 = arith.cmpi ne, %convert_element_type3A_84, %cond3A_85 : i32
        scf.if %cond3A_86 {
          %mul3A_87 = arith.constant 128 : i32
          %mul3A_88 = arith.muli %add3A_76, %mul3A_87 : i32
          %dma_start3A_89 = arith.constant 0 : i32
          %dma_start3A_90 = tpu.memref_slice %arg2[%dma_start3A_89, %mul3A_88] : memref<64x1000000xf32, #tpu.memory_space<hbm>> -> memref<64x128xf32, #tpu.memory_space<hbm>>
          %dma_start3A_91 = arith.constant 0 : i32
          %dma_start3A_92 = tpu.memref_slice %arg2[%dma_start3A_91, %mul3A_88] : memref<64x1000000xf32, #tpu.memory_space<hbm>> -> memref<64x128xf32, #tpu.memory_space<hbm>>
          tpu.enqueue_dma source(%dma_start3A_92 : memref<64x128xf32, #tpu.memory_space<hbm>>) target(%arg4 : memref<64x128xf32, #tpu.memory_space<vmem>>) target_semaphore(%arg8 : memref<!tpu.dma_semaphore, #tpu.memory_space<semaphore_mem>>)
        } else {
        }
      } else {
      }
      %mul3A_40 = arith.constant 2 : i32
      %mul3A_41 = arith.muli %mul3A_40, %scan3A_28 : i32
      %add3A_42 = arith.constant 1 : i32
      %add3A_43 = arith.addi %mul3A_41, %add3A_42 : i32
      %mul3A_44 = arith.constant 32 : i32
      %mul3A_45 = arith.muli %mul3A_44, %add3A_43 : i32
      %add3A_46 = arith.addi %add3A, %mul3A_45 : i32
      %lt3A_47 = arith.constant 245 : i32
      %lt3A_48 = arith.cmpi slt, %add3A_43, %lt3A_47 : i32
      %lt3A_49 = arith.constant 7813 : i32
      %lt3A_50 = arith.cmpi slt, %add3A_46, %lt3A_49 : i32
      %and3A_51 = arith.andi %lt3A_48, %lt3A_50 : i1
      %convert_element_type3A_52 = arith.extui %and3A_51 : i1 to i32
      %cond3A_53 = arith.constant 0 : i32
      %cond3A_54 = arith.cmpi ne, %convert_element_type3A_52, %cond3A_53 : i32
      scf.if %cond3A_54 {
        %mul3A_55 = arith.constant 128 : i32
        %mul3A_56 = arith.muli %add3A_46, %mul3A_55 : i32
        %dma_wait3A_57 = arith.constant 0 : i32
        %dma_wait3A_58 = tpu.memref_slice %arg2[%dma_wait3A_57, %mul3A_56] : memref<64x1000000xf32, #tpu.memory_space<hbm>> -> memref<64x128xf32, #tpu.memory_space<hbm>>
        %dma_wait3A_59 = arith.constant 0 : i32
        %dma_wait3A_60 = tpu.memref_slice %arg2[%dma_wait3A_59, %mul3A_56] : memref<64x1000000xf32, #tpu.memory_space<hbm>> -> memref<64x128xf32, #tpu.memory_space<hbm>>
        tpu.wait_dma2 semaphore(%arg9 : memref<!tpu.dma_semaphore, #tpu.memory_space<semaphore_mem>>) src(%dma_wait3A_60 : memref<64x128xf32, #tpu.memory_space<hbm>>) dst(%arg5 : memref<64x128xf32, #tpu.memory_space<vmem>>)
        %ge3A = arith.constant 2 : i32
        %ge3A_61 = arith.cmpi sge, %add3A_43, %ge3A : i32
        %convert_element_type3A_62 = arith.extui %ge3A_61 : i1 to i32
        %cond3A_63 = arith.constant 0 : i32
        %cond3A_64 = arith.cmpi ne, %convert_element_type3A_62, %cond3A_63 : i32
        scf.if %cond3A_64 {
          %dma_wait3A_87 = arith.constant 0 : i32
          %dma_wait3A_88 = tpu.memref_slice %arg3[%dma_wait3A_87] : memref<64004096xf32, #tpu.memory_space<hbm>> -> memref<8192xf32, #tpu.memory_space<hbm>>
          %dma_wait3A_89 = arith.constant 0 : i32
          %dma_wait3A_90 = tpu.memref_slice %arg3[%dma_wait3A_89] : memref<64004096xf32, #tpu.memory_space<hbm>> -> memref<8192xf32, #tpu.memory_space<hbm>>
          tpu.wait_dma2 semaphore(%arg11 : memref<!tpu.dma_semaphore, #tpu.memory_space<semaphore_mem>>) src(%arg7 : memref<8192xf32, #tpu.memory_space<vmem>>) dst(%dma_wait3A_90 : memref<8192xf32, #tpu.memory_space<hbm>>)
        } else {
        }
        %scan3A_65 = arith.constant 0 : i32
        %scan3A_66 = arith.constant 0 : i32
        %scan3A_67 = arith.constant 32 : i32
        %scan3A_68 = arith.addi %scan3A_66, %scan3A_67 : i32
        %scan3A_69 = arith.constant 1 : i32
        scf.for %scan3A_87 = %scan3A_66 to %scan3A_68 step %scan3A_69  : i32 {
          %jit3A = arith.constant 4 : i32
          %eq3A = arith.constant 0 : i32
          %eq3A_88 = arith.cmpi eq, %jit3A, %eq3A : i32
          %jit3A_89 = arith.constant 1 : i32
          %select_n3A = arith.select %eq3A_88, %jit3A_89, %jit3A : i32
          %rem3A = arith.remsi %scan3A_87, %select_n3A : i32
          %ne3A = arith.constant 0 : i32
          %ne3A_90 = arith.cmpi ne, %rem3A, %ne3A : i32
          %lt3A_91 = arith.constant 0 : i32
          %lt3A_92 = arith.cmpi slt, %rem3A, %lt3A_91 : i32
          %lt3A_93 = arith.constant 0 : i32
          %lt3A_94 = arith.cmpi slt, %select_n3A, %lt3A_93 : i32
          %ne3A_95 = arith.xori %lt3A_92, %lt3A_94 : i1
          %and3A_96 = arith.andi %ne3A_95, %ne3A_90 : i1
          %add3A_97 = arith.addi %rem3A, %select_n3A : i32
          %select_n3A_98 = arith.select %and3A_96, %add3A_97, %rem3A : i32
          %mul3A_99 = arith.constant 16 : i32
          %mul3A_100 = arith.muli %select_n3A_98, %mul3A_99 : i32
          %jit3A_101 = arith.constant 4 : i32
          %div3A = arith.divsi %scan3A_87, %jit3A_101 : i32
          %sign3A = arith.constant 0 : i32
          %sign3A_102 = arith.cmpi sgt, %scan3A_87, %sign3A : i32
          %sign3A_103 = arith.extui %sign3A_102 : i1 to i32
          %sign3A_104 = arith.constant 0 : i32
          %sign3A_105 = arith.cmpi slt, %scan3A_87, %sign3A_104 : i32
          %sign3A_106 = arith.extui %sign3A_105 : i1 to i32
          %sign3A_107 = arith.subi %sign3A_103, %sign3A_106 : i32
          %sign3A_108 = arith.constant 0 : i32
          %sign3A_109 = arith.cmpi sgt, %jit3A_101, %sign3A_108 : i32
          %sign3A_110 = arith.extui %sign3A_109 : i1 to i32
          %sign3A_111 = arith.constant 0 : i32
          %sign3A_112 = arith.cmpi slt, %jit3A_101, %sign3A_111 : i32
          %sign3A_113 = arith.extui %sign3A_112 : i1 to i32
          %sign3A_114 = arith.subi %sign3A_110, %sign3A_113 : i32
          %ne3A_115 = arith.cmpi ne, %sign3A_107, %sign3A_114 : i32
          %rem3A_116 = arith.remsi %scan3A_87, %jit3A_101 : i32
          %ne3A_117 = arith.constant 0 : i32
          %ne3A_118 = arith.cmpi ne, %rem3A_116, %ne3A_117 : i32
          %and3A_119 = arith.andi %ne3A_115, %ne3A_118 : i1
          %sub3A = arith.constant 1 : i32
          %sub3A_120 = arith.subi %div3A, %sub3A : i32
          %select_n3A_121 = arith.select %and3A_119, %sub3A_120, %div3A : i32
          %mul3A_122 = arith.constant 16 : i32
          %mul3A_123 = arith.muli %select_n3A_121, %mul3A_122 : i32
          %add3A_124 = arith.constant 0 : i32
          %add3A_125 = vector.broadcast %add3A_124 : i32 to vector<16xi32>
          %add3A_126 = arith.addi %iota3A, %add3A_125 : vector<16xi32>
          %and3A_127 = arith.constant 15 : i32
          %and3A_128 = vector.broadcast %and3A_127 : i32 to vector<16xi32>
          %and3A_129 = arith.andi %add3A_126, %and3A_128 : vector<16xi32>
          %add3A_130 = vector.broadcast %mul3A_100 : i32 to vector<16xi32>
          %add3A_131 = arith.addi %iota3A, %add3A_130 : vector<16xi32>
          %add3A_132 = vector.broadcast %mul3A_123 : i32 to vector<16xi32>
          %add3A_133 = arith.addi %and3A_129, %add3A_132 : vector<16xi32>
          %gather3A = tpu.vector_load_idx %arg5[%add3A_131, %add3A_133] : memref<64x128xf32, #tpu.memory_space<vmem>>[vector<16xi32>, vector<16xi32>], vector<16xf32>,
          %add3A_134 = vector.broadcast %mul3A_123 : i32 to vector<16xi32>
          %add3A_135 = arith.addi %and3A_129, %add3A_134 : vector<16xi32>
          %mul3A_136 = arith.constant 64 : i32
          %mul3A_137 = vector.broadcast %mul3A_136 : i32 to vector<16xi32>
          %mul3A_138 = arith.muli %add3A_135, %mul3A_137 : vector<16xi32>
          %add3A_139 = vector.broadcast %mul3A_100 : i32 to vector<16xi32>
          %add3A_140 = arith.addi %mul3A_138, %add3A_139 : vector<16xi32>
          %add3A_141 = arith.addi %add3A_140, %iota3A : vector<16xi32>
          tpu.vector_store_idx %arg7[%add3A_141], %gather3A : memref<8192xf32, #tpu.memory_space<vmem>>[vector<16xi32>], vector<16xf32>,
          %add3A_142 = arith.constant 1 : i32
          %add3A_143 = vector.broadcast %add3A_142 : i32 to vector<16xi32>
          %add3A_144 = arith.addi %iota3A, %add3A_143 : vector<16xi32>
          %and3A_145 = arith.constant 15 : i32
          %and3A_146 = vector.broadcast %and3A_145 : i32 to vector<16xi32>
          %and3A_147 = arith.andi %add3A_144, %and3A_146 : vector<16xi32>
          %add3A_148 = vector.broadcast %mul3A_100 : i32 to vector<16xi32>
          %add3A_149 = arith.addi %iota3A, %add3A_148 : vector<16xi32>
          %add3A_150 = vector.broadcast %mul3A_123 : i32 to vector<16xi32>
          %add3A_151 = arith.addi %and3A_147, %add3A_150 : vector<16xi32>
          %gather3A_152 = tpu.vector_load_idx %arg5[%add3A_149, %add3A_151] : memref<64x128xf32, #tpu.memory_space<vmem>>[vector<16xi32>, vector<16xi32>], vector<16xf32>,
          %add3A_153 = vector.broadcast %mul3A_123 : i32 to vector<16xi32>
          %add3A_154 = arith.addi %and3A_147, %add3A_153 : vector<16xi32>
          %mul3A_155 = arith.constant 64 : i32
          %mul3A_156 = vector.broadcast %mul3A_155 : i32 to vector<16xi32>
          %mul3A_157 = arith.muli %add3A_154, %mul3A_156 : vector<16xi32>
          %add3A_158 = vector.broadcast %mul3A_100 : i32 to vector<16xi32>
          %add3A_159 = arith.addi %mul3A_157, %add3A_158 : vector<16xi32>
          %add3A_160 = arith.addi %add3A_159, %iota3A : vector<16xi32>
          tpu.vector_store_idx %arg7[%add3A_160], %gather3A_152 : memref<8192xf32, #tpu.memory_space<vmem>>[vector<16xi32>], vector<16xf32>,
          %add3A_161 = arith.constant 2 : i32
          %add3A_162 = vector.broadcast %add3A_161 : i32 to vector<16xi32>
          %add3A_163 = arith.addi %iota3A, %add3A_162 : vector<16xi32>
          %and3A_164 = arith.constant 15 : i32
          %and3A_165 = vector.broadcast %and3A_164 : i32 to vector<16xi32>
          %and3A_166 = arith.andi %add3A_163, %and3A_165 : vector<16xi32>
          %add3A_167 = vector.broadcast %mul3A_100 : i32 to vector<16xi32>
          %add3A_168 = arith.addi %iota3A, %add3A_167 : vector<16xi32>
          %add3A_169 = vector.broadcast %mul3A_123 : i32 to vector<16xi32>
          %add3A_170 = arith.addi %and3A_166, %add3A_169 : vector<16xi32>
          %gather3A_171 = tpu.vector_load_idx %arg5[%add3A_168, %add3A_170] : memref<64x128xf32, #tpu.memory_space<vmem>>[vector<16xi32>, vector<16xi32>], vector<16xf32>,
          %add3A_172 = vector.broadcast %mul3A_123 : i32 to vector<16xi32>
          %add3A_173 = arith.addi %and3A_166, %add3A_172 : vector<16xi32>
          %mul3A_174 = arith.constant 64 : i32
          %mul3A_175 = vector.broadcast %mul3A_174 : i32 to vector<16xi32>
          %mul3A_176 = arith.muli %add3A_173, %mul3A_175 : vector<16xi32>
          %add3A_177 = vector.broadcast %mul3A_100 : i32 to vector<16xi32>
          %add3A_178 = arith.addi %mul3A_176, %add3A_177 : vector<16xi32>
          %add3A_179 = arith.addi %add3A_178, %iota3A : vector<16xi32>
          tpu.vector_store_idx %arg7[%add3A_179], %gather3A_171 : memref<8192xf32, #tpu.memory_space<vmem>>[vector<16xi32>], vector<16xf32>,
          %add3A_180 = arith.constant 3 : i32
          %add3A_181 = vector.broadcast %add3A_180 : i32 to vector<16xi32>
          %add3A_182 = arith.addi %iota3A, %add3A_181 : vector<16xi32>
          %and3A_183 = arith.constant 15 : i32
          %and3A_184 = vector.broadcast %and3A_183 : i32 to vector<16xi32>
          %and3A_185 = arith.andi %add3A_182, %and3A_184 : vector<16xi32>
          %add3A_186 = vector.broadcast %mul3A_100 : i32 to vector<16xi32>
          %add3A_187 = arith.addi %iota3A, %add3A_186 : vector<16xi32>
          %add3A_188 = vector.broadcast %mul3A_123 : i32 to vector<16xi32>
          %add3A_189 = arith.addi %and3A_185, %add3A_188 : vector<16xi32>
          %gather3A_190 = tpu.vector_load_idx %arg5[%add3A_187, %add3A_189] : memref<64x128xf32, #tpu.memory_space<vmem>>[vector<16xi32>, vector<16xi32>], vector<16xf32>,
          %add3A_191 = vector.broadcast %mul3A_123 : i32 to vector<16xi32>
          %add3A_192 = arith.addi %and3A_185, %add3A_191 : vector<16xi32>
          %mul3A_193 = arith.constant 64 : i32
          %mul3A_194 = vector.broadcast %mul3A_193 : i32 to vector<16xi32>
          %mul3A_195 = arith.muli %add3A_192, %mul3A_194 : vector<16xi32>
          %add3A_196 = vector.broadcast %mul3A_100 : i32 to vector<16xi32>
          %add3A_197 = arith.addi %mul3A_195, %add3A_196 : vector<16xi32>
          %add3A_198 = arith.addi %add3A_197, %iota3A : vector<16xi32>
          tpu.vector_store_idx %arg7[%add3A_198], %gather3A_190 : memref<8192xf32, #tpu.memory_space<vmem>>[vector<16xi32>], vector<16xf32>,
          %add3A_199 = arith.constant 4 : i32
          %add3A_200 = vector.broadcast %add3A_199 : i32 to vector<16xi32>
          %add3A_201 = arith.addi %iota3A, %add3A_200 : vector<16xi32>
          %and3A_202 = arith.constant 15 : i32
          %and3A_203 = vector.broadcast %and3A_202 : i32 to vector<16xi32>
          %and3A_204 = arith.andi %add3A_201, %and3A_203 : vector<16xi32>
          %add3A_205 = vector.broadcast %mul3A_100 : i32 to vector<16xi32>
          %add3A_206 = arith.addi %iota3A, %add3A_205 : vector<16xi32>
          %add3A_207 = vector.broadcast %mul3A_123 : i32 to vector<16xi32>
          %add3A_208 = arith.addi %and3A_204, %add3A_207 : vector<16xi32>
          %gather3A_209 = tpu.vector_load_idx %arg5[%add3A_206, %add3A_208] : memref<64x128xf32, #tpu.memory_space<vmem>>[vector<16xi32>, vector<16xi32>], vector<16xf32>,
          %add3A_210 = vector.broadcast %mul3A_123 : i32 to vector<16xi32>
          %add3A_211 = arith.addi %and3A_204, %add3A_210 : vector<16xi32>
          %mul3A_212 = arith.constant 64 : i32
          %mul3A_213 = vector.broadcast %mul3A_212 : i32 to vector<16xi32>
          %mul3A_214 = arith.muli %add3A_211, %mul3A_213 : vector<16xi32>
          %add3A_215 = vector.broadcast %mul3A_100 : i32 to vector<16xi32>
          %add3A_216 = arith.addi %mul3A_214, %add3A_215 : vector<16xi32>
          %add3A_217 = arith.addi %add3A_216, %iota3A : vector<16xi32>
          tpu.vector_store_idx %arg7[%add3A_217], %gather3A_209 : memref<8192xf32, #tpu.memory_space<vmem>>[vector<16xi32>], vector<16xf32>,
          %add3A_218 = arith.constant 5 : i32
          %add3A_219 = vector.broadcast %add3A_218 : i32 to vector<16xi32>
          %add3A_220 = arith.addi %iota3A, %add3A_219 : vector<16xi32>
          %and3A_221 = arith.constant 15 : i32
          %and3A_222 = vector.broadcast %and3A_221 : i32 to vector<16xi32>
          %and3A_223 = arith.andi %add3A_220, %and3A_222 : vector<16xi32>
          %add3A_224 = vector.broadcast %mul3A_100 : i32 to vector<16xi32>
          %add3A_225 = arith.addi %iota3A, %add3A_224 : vector<16xi32>
          %add3A_226 = vector.broadcast %mul3A_123 : i32 to vector<16xi32>
          %add3A_227 = arith.addi %and3A_223, %add3A_226 : vector<16xi32>
          %gather3A_228 = tpu.vector_load_idx %arg5[%add3A_225, %add3A_227] : memref<64x128xf32, #tpu.memory_space<vmem>>[vector<16xi32>, vector<16xi32>], vector<16xf32>,
          %add3A_229 = vector.broadcast %mul3A_123 : i32 to vector<16xi32>
          %add3A_230 = arith.addi %and3A_223, %add3A_229 : vector<16xi32>
          %mul3A_231 = arith.constant 64 : i32
          %mul3A_232 = vector.broadcast %mul3A_231 : i32 to vector<16xi32>
          %mul3A_233 = arith.muli %add3A_230, %mul3A_232 : vector<16xi32>
          %add3A_234 = vector.broadcast %mul3A_100 : i32 to vector<16xi32>
          %add3A_235 = arith.addi %mul3A_233, %add3A_234 : vector<16xi32>
          %add3A_236 = arith.addi %add3A_235, %iota3A : vector<16xi32>
          tpu.vector_store_idx %arg7[%add3A_236], %gather3A_228 : memref<8192xf32, #tpu.memory_space<vmem>>[vector<16xi32>], vector<16xf32>,
          %add3A_237 = arith.constant 6 : i32
          %add3A_238 = vector.broadcast %add3A_237 : i32 to vector<16xi32>
          %add3A_239 = arith.addi %iota3A, %add3A_238 : vector<16xi32>
          %and3A_240 = arith.constant 15 : i32
          %and3A_241 = vector.broadcast %and3A_240 : i32 to vector<16xi32>
          %and3A_242 = arith.andi %add3A_239, %and3A_241 : vector<16xi32>
          %add3A_243 = vector.broadcast %mul3A_100 : i32 to vector<16xi32>
          %add3A_244 = arith.addi %iota3A, %add3A_243 : vector<16xi32>
          %add3A_245 = vector.broadcast %mul3A_123 : i32 to vector<16xi32>
          %add3A_246 = arith.addi %and3A_242, %add3A_245 : vector<16xi32>
          %gather3A_247 = tpu.vector_load_idx %arg5[%add3A_244, %add3A_246] : memref<64x128xf32, #tpu.memory_space<vmem>>[vector<16xi32>, vector<16xi32>], vector<16xf32>,
          %add3A_248 = vector.broadcast %mul3A_123 : i32 to vector<16xi32>
          %add3A_249 = arith.addi %and3A_242, %add3A_248 : vector<16xi32>
          %mul3A_250 = arith.constant 64 : i32
          %mul3A_251 = vector.broadcast %mul3A_250 : i32 to vector<16xi32>
          %mul3A_252 = arith.muli %add3A_249, %mul3A_251 : vector<16xi32>
          %add3A_253 = vector.broadcast %mul3A_100 : i32 to vector<16xi32>
          %add3A_254 = arith.addi %mul3A_252, %add3A_253 : vector<16xi32>
          %add3A_255 = arith.addi %add3A_254, %iota3A : vector<16xi32>
          tpu.vector_store_idx %arg7[%add3A_255], %gather3A_247 : memref<8192xf32, #tpu.memory_space<vmem>>[vector<16xi32>], vector<16xf32>,
          %add3A_256 = arith.constant 7 : i32
          %add3A_257 = vector.broadcast %add3A_256 : i32 to vector<16xi32>
          %add3A_258 = arith.addi %iota3A, %add3A_257 : vector<16xi32>
          %and3A_259 = arith.constant 15 : i32
          %and3A_260 = vector.broadcast %and3A_259 : i32 to vector<16xi32>
          %and3A_261 = arith.andi %add3A_258, %and3A_260 : vector<16xi32>
          %add3A_262 = vector.broadcast %mul3A_100 : i32 to vector<16xi32>
          %add3A_263 = arith.addi %iota3A, %add3A_262 : vector<16xi32>
          %add3A_264 = vector.broadcast %mul3A_123 : i32 to vector<16xi32>
          %add3A_265 = arith.addi %and3A_261, %add3A_264 : vector<16xi32>
          %gather3A_266 = tpu.vector_load_idx %arg5[%add3A_263, %add3A_265] : memref<64x128xf32, #tpu.memory_space<vmem>>[vector<16xi32>, vector<16xi32>], vector<16xf32>,
          %add3A_267 = vector.broadcast %mul3A_123 : i32 to vector<16xi32>
          %add3A_268 = arith.addi %and3A_261, %add3A_267 : vector<16xi32>
          %mul3A_269 = arith.constant 64 : i32
          %mul3A_270 = vector.broadcast %mul3A_269 : i32 to vector<16xi32>
          %mul3A_271 = arith.muli %add3A_268, %mul3A_270 : vector<16xi32>
          %add3A_272 = vector.broadcast %mul3A_100 : i32 to vector<16xi32>
          %add3A_273 = arith.addi %mul3A_271, %add3A_272 : vector<16xi32>
          %add3A_274 = arith.addi %add3A_273, %iota3A : vector<16xi32>
          tpu.vector_store_idx %arg7[%add3A_274], %gather3A_266 : memref<8192xf32, #tpu.memory_space<vmem>>[vector<16xi32>], vector<16xf32>,
          %add3A_275 = arith.constant 8 : i32
          %add3A_276 = vector.broadcast %add3A_275 : i32 to vector<16xi32>
          %add3A_277 = arith.addi %iota3A, %add3A_276 : vector<16xi32>
          %and3A_278 = arith.constant 15 : i32
          %and3A_279 = vector.broadcast %and3A_278 : i32 to vector<16xi32>
          %and3A_280 = arith.andi %add3A_277, %and3A_279 : vector<16xi32>
          %add3A_281 = vector.broadcast %mul3A_100 : i32 to vector<16xi32>
          %add3A_282 = arith.addi %iota3A, %add3A_281 : vector<16xi32>
          %add3A_283 = vector.broadcast %mul3A_123 : i32 to vector<16xi32>
          %add3A_284 = arith.addi %and3A_280, %add3A_283 : vector<16xi32>
          %gather3A_285 = tpu.vector_load_idx %arg5[%add3A_282, %add3A_284] : memref<64x128xf32, #tpu.memory_space<vmem>>[vector<16xi32>, vector<16xi32>], vector<16xf32>,
          %add3A_286 = vector.broadcast %mul3A_123 : i32 to vector<16xi32>
          %add3A_287 = arith.addi %and3A_280, %add3A_286 : vector<16xi32>
          %mul3A_288 = arith.constant 64 : i32
          %mul3A_289 = vector.broadcast %mul3A_288 : i32 to vector<16xi32>
          %mul3A_290 = arith.muli %add3A_287, %mul3A_289 : vector<16xi32>
          %add3A_291 = vector.broadcast %mul3A_100 : i32 to vector<16xi32>
          %add3A_292 = arith.addi %mul3A_290, %add3A_291 : vector<16xi32>
          %add3A_293 = arith.addi %add3A_292, %iota3A : vector<16xi32>
          tpu.vector_store_idx %arg7[%add3A_293], %gather3A_285 : memref<8192xf32, #tpu.memory_space<vmem>>[vector<16xi32>], vector<16xf32>,
          %add3A_294 = arith.constant 9 : i32
          %add3A_295 = vector.broadcast %add3A_294 : i32 to vector<16xi32>
          %add3A_296 = arith.addi %iota3A, %add3A_295 : vector<16xi32>
          %and3A_297 = arith.constant 15 : i32
          %and3A_298 = vector.broadcast %and3A_297 : i32 to vector<16xi32>
          %and3A_299 = arith.andi %add3A_296, %and3A_298 : vector<16xi32>
          %add3A_300 = vector.broadcast %mul3A_100 : i32 to vector<16xi32>
          %add3A_301 = arith.addi %iota3A, %add3A_300 : vector<16xi32>
          %add3A_302 = vector.broadcast %mul3A_123 : i32 to vector<16xi32>
          %add3A_303 = arith.addi %and3A_299, %add3A_302 : vector<16xi32>
          %gather3A_304 = tpu.vector_load_idx %arg5[%add3A_301, %add3A_303] : memref<64x128xf32, #tpu.memory_space<vmem>>[vector<16xi32>, vector<16xi32>], vector<16xf32>,
          %add3A_305 = vector.broadcast %mul3A_123 : i32 to vector<16xi32>
          %add3A_306 = arith.addi %and3A_299, %add3A_305 : vector<16xi32>
          %mul3A_307 = arith.constant 64 : i32
          %mul3A_308 = vector.broadcast %mul3A_307 : i32 to vector<16xi32>
          %mul3A_309 = arith.muli %add3A_306, %mul3A_308 : vector<16xi32>
          %add3A_310 = vector.broadcast %mul3A_100 : i32 to vector<16xi32>
          %add3A_311 = arith.addi %mul3A_309, %add3A_310 : vector<16xi32>
          %add3A_312 = arith.addi %add3A_311, %iota3A : vector<16xi32>
          tpu.vector_store_idx %arg7[%add3A_312], %gather3A_304 : memref<8192xf32, #tpu.memory_space<vmem>>[vector<16xi32>], vector<16xf32>,
          %add3A_313 = arith.constant 10 : i32
          %add3A_314 = vector.broadcast %add3A_313 : i32 to vector<16xi32>
          %add3A_315 = arith.addi %iota3A, %add3A_314 : vector<16xi32>
          %and3A_316 = arith.constant 15 : i32
          %and3A_317 = vector.broadcast %and3A_316 : i32 to vector<16xi32>
          %and3A_318 = arith.andi %add3A_315, %and3A_317 : vector<16xi32>
          %add3A_319 = vector.broadcast %mul3A_100 : i32 to vector<16xi32>
          %add3A_320 = arith.addi %iota3A, %add3A_319 : vector<16xi32>
          %add3A_321 = vector.broadcast %mul3A_123 : i32 to vector<16xi32>
          %add3A_322 = arith.addi %and3A_318, %add3A_321 : vector<16xi32>
          %gather3A_323 = tpu.vector_load_idx %arg5[%add3A_320, %add3A_322] : memref<64x128xf32, #tpu.memory_space<vmem>>[vector<16xi32>, vector<16xi32>], vector<16xf32>,
          %add3A_324 = vector.broadcast %mul3A_123 : i32 to vector<16xi32>
          %add3A_325 = arith.addi %and3A_318, %add3A_324 : vector<16xi32>
          %mul3A_326 = arith.constant 64 : i32
          %mul3A_327 = vector.broadcast %mul3A_326 : i32 to vector<16xi32>
          %mul3A_328 = arith.muli %add3A_325, %mul3A_327 : vector<16xi32>
          %add3A_329 = vector.broadcast %mul3A_100 : i32 to vector<16xi32>
          %add3A_330 = arith.addi %mul3A_328, %add3A_329 : vector<16xi32>
          %add3A_331 = arith.addi %add3A_330, %iota3A : vector<16xi32>
          tpu.vector_store_idx %arg7[%add3A_331], %gather3A_323 : memref<8192xf32, #tpu.memory_space<vmem>>[vector<16xi32>], vector<16xf32>,
          %add3A_332 = arith.constant 11 : i32
          %add3A_333 = vector.broadcast %add3A_332 : i32 to vector<16xi32>
          %add3A_334 = arith.addi %iota3A, %add3A_333 : vector<16xi32>
          %and3A_335 = arith.constant 15 : i32
          %and3A_336 = vector.broadcast %and3A_335 : i32 to vector<16xi32>
          %and3A_337 = arith.andi %add3A_334, %and3A_336 : vector<16xi32>
          %add3A_338 = vector.broadcast %mul3A_100 : i32 to vector<16xi32>
          %add3A_339 = arith.addi %iota3A, %add3A_338 : vector<16xi32>
          %add3A_340 = vector.broadcast %mul3A_123 : i32 to vector<16xi32>
          %add3A_341 = arith.addi %and3A_337, %add3A_340 : vector<16xi32>
          %gather3A_342 = tpu.vector_load_idx %arg5[%add3A_339, %add3A_341] : memref<64x128xf32, #tpu.memory_space<vmem>>[vector<16xi32>, vector<16xi32>], vector<16xf32>,
          %add3A_343 = vector.broadcast %mul3A_123 : i32 to vector<16xi32>
          %add3A_344 = arith.addi %and3A_337, %add3A_343 : vector<16xi32>
          %mul3A_345 = arith.constant 64 : i32
          %mul3A_346 = vector.broadcast %mul3A_345 : i32 to vector<16xi32>
          %mul3A_347 = arith.muli %add3A_344, %mul3A_346 : vector<16xi32>
          %add3A_348 = vector.broadcast %mul3A_100 : i32 to vector<16xi32>
          %add3A_349 = arith.addi %mul3A_347, %add3A_348 : vector<16xi32>
          %add3A_350 = arith.addi %add3A_349, %iota3A : vector<16xi32>
          tpu.vector_store_idx %arg7[%add3A_350], %gather3A_342 : memref<8192xf32, #tpu.memory_space<vmem>>[vector<16xi32>], vector<16xf32>,
          %add3A_351 = arith.constant 12 : i32
          %add3A_352 = vector.broadcast %add3A_351 : i32 to vector<16xi32>
          %add3A_353 = arith.addi %iota3A, %add3A_352 : vector<16xi32>
          %and3A_354 = arith.constant 15 : i32
          %and3A_355 = vector.broadcast %and3A_354 : i32 to vector<16xi32>
          %and3A_356 = arith.andi %add3A_353, %and3A_355 : vector<16xi32>
          %add3A_357 = vector.broadcast %mul3A_100 : i32 to vector<16xi32>
          %add3A_358 = arith.addi %iota3A, %add3A_357 : vector<16xi32>
          %add3A_359 = vector.broadcast %mul3A_123 : i32 to vector<16xi32>
          %add3A_360 = arith.addi %and3A_356, %add3A_359 : vector<16xi32>
          %gather3A_361 = tpu.vector_load_idx %arg5[%add3A_358, %add3A_360] : memref<64x128xf32, #tpu.memory_space<vmem>>[vector<16xi32>, vector<16xi32>], vector<16xf32>,
          %add3A_362 = vector.broadcast %mul3A_123 : i32 to vector<16xi32>
          %add3A_363 = arith.addi %and3A_356, %add3A_362 : vector<16xi32>
          %mul3A_364 = arith.constant 64 : i32
          %mul3A_365 = vector.broadcast %mul3A_364 : i32 to vector<16xi32>
          %mul3A_366 = arith.muli %add3A_363, %mul3A_365 : vector<16xi32>
          %add3A_367 = vector.broadcast %mul3A_100 : i32 to vector<16xi32>
          %add3A_368 = arith.addi %mul3A_366, %add3A_367 : vector<16xi32>
          %add3A_369 = arith.addi %add3A_368, %iota3A : vector<16xi32>
          tpu.vector_store_idx %arg7[%add3A_369], %gather3A_361 : memref<8192xf32, #tpu.memory_space<vmem>>[vector<16xi32>], vector<16xf32>,
          %add3A_370 = arith.constant 13 : i32
          %add3A_371 = vector.broadcast %add3A_370 : i32 to vector<16xi32>
          %add3A_372 = arith.addi %iota3A, %add3A_371 : vector<16xi32>
          %and3A_373 = arith.constant 15 : i32
          %and3A_374 = vector.broadcast %and3A_373 : i32 to vector<16xi32>
          %and3A_375 = arith.andi %add3A_372, %and3A_374 : vector<16xi32>
          %add3A_376 = vector.broadcast %mul3A_100 : i32 to vector<16xi32>
          %add3A_377 = arith.addi %iota3A, %add3A_376 : vector<16xi32>
          %add3A_378 = vector.broadcast %mul3A_123 : i32 to vector<16xi32>
          %add3A_379 = arith.addi %and3A_375, %add3A_378 : vector<16xi32>
          %gather3A_380 = tpu.vector_load_idx %arg5[%add3A_377, %add3A_379] : memref<64x128xf32, #tpu.memory_space<vmem>>[vector<16xi32>, vector<16xi32>], vector<16xf32>,
          %add3A_381 = vector.broadcast %mul3A_123 : i32 to vector<16xi32>
          %add3A_382 = arith.addi %and3A_375, %add3A_381 : vector<16xi32>
          %mul3A_383 = arith.constant 64 : i32
          %mul3A_384 = vector.broadcast %mul3A_383 : i32 to vector<16xi32>
          %mul3A_385 = arith.muli %add3A_382, %mul3A_384 : vector<16xi32>
          %add3A_386 = vector.broadcast %mul3A_100 : i32 to vector<16xi32>
          %add3A_387 = arith.addi %mul3A_385, %add3A_386 : vector<16xi32>
          %add3A_388 = arith.addi %add3A_387, %iota3A : vector<16xi32>
          tpu.vector_store_idx %arg7[%add3A_388], %gather3A_380 : memref<8192xf32, #tpu.memory_space<vmem>>[vector<16xi32>], vector<16xf32>,
          %add3A_389 = arith.constant 14 : i32
          %add3A_390 = vector.broadcast %add3A_389 : i32 to vector<16xi32>
          %add3A_391 = arith.addi %iota3A, %add3A_390 : vector<16xi32>
          %and3A_392 = arith.constant 15 : i32
          %and3A_393 = vector.broadcast %and3A_392 : i32 to vector<16xi32>
          %and3A_394 = arith.andi %add3A_391, %and3A_393 : vector<16xi32>
          %add3A_395 = vector.broadcast %mul3A_100 : i32 to vector<16xi32>
          %add3A_396 = arith.addi %iota3A, %add3A_395 : vector<16xi32>
          %add3A_397 = vector.broadcast %mul3A_123 : i32 to vector<16xi32>
          %add3A_398 = arith.addi %and3A_394, %add3A_397 : vector<16xi32>
          %gather3A_399 = tpu.vector_load_idx %arg5[%add3A_396, %add3A_398] : memref<64x128xf32, #tpu.memory_space<vmem>>[vector<16xi32>, vector<16xi32>], vector<16xf32>,
          %add3A_400 = vector.broadcast %mul3A_123 : i32 to vector<16xi32>
          %add3A_401 = arith.addi %and3A_394, %add3A_400 : vector<16xi32>
          %mul3A_402 = arith.constant 64 : i32
          %mul3A_403 = vector.broadcast %mul3A_402 : i32 to vector<16xi32>
          %mul3A_404 = arith.muli %add3A_401, %mul3A_403 : vector<16xi32>
          %add3A_405 = vector.broadcast %mul3A_100 : i32 to vector<16xi32>
          %add3A_406 = arith.addi %mul3A_404, %add3A_405 : vector<16xi32>
          %add3A_407 = arith.addi %add3A_406, %iota3A : vector<16xi32>
          tpu.vector_store_idx %arg7[%add3A_407], %gather3A_399 : memref<8192xf32, #tpu.memory_space<vmem>>[vector<16xi32>], vector<16xf32>,
          %add3A_408 = arith.constant 15 : i32
          %add3A_409 = vector.broadcast %add3A_408 : i32 to vector<16xi32>
          %add3A_410 = arith.addi %iota3A, %add3A_409 : vector<16xi32>
          %and3A_411 = arith.constant 15 : i32
          %and3A_412 = vector.broadcast %and3A_411 : i32 to vector<16xi32>
          %and3A_413 = arith.andi %add3A_410, %and3A_412 : vector<16xi32>
          %add3A_414 = vector.broadcast %mul3A_100 : i32 to vector<16xi32>
          %add3A_415 = arith.addi %iota3A, %add3A_414 : vector<16xi32>
          %add3A_416 = vector.broadcast %mul3A_123 : i32 to vector<16xi32>
          %add3A_417 = arith.addi %and3A_413, %add3A_416 : vector<16xi32>
          %gather3A_418 = tpu.vector_load_idx %arg5[%add3A_415, %add3A_417] : memref<64x128xf32, #tpu.memory_space<vmem>>[vector<16xi32>, vector<16xi32>], vector<16xf32>,
          %add3A_419 = vector.broadcast %mul3A_123 : i32 to vector<16xi32>
          %add3A_420 = arith.addi %and3A_413, %add3A_419 : vector<16xi32>
          %mul3A_421 = arith.constant 64 : i32
          %mul3A_422 = vector.broadcast %mul3A_421 : i32 to vector<16xi32>
          %mul3A_423 = arith.muli %add3A_420, %mul3A_422 : vector<16xi32>
          %add3A_424 = vector.broadcast %mul3A_100 : i32 to vector<16xi32>
          %add3A_425 = arith.addi %mul3A_423, %add3A_424 : vector<16xi32>
          %add3A_426 = arith.addi %add3A_425, %iota3A : vector<16xi32>
          tpu.vector_store_idx %arg7[%add3A_426], %gather3A_418 : memref<8192xf32, #tpu.memory_space<vmem>>[vector<16xi32>], vector<16xf32>,
        }
        %scan3A_70 = arith.constant 32 : i32
        %mul3A_71 = arith.constant 8192 : i32
        %mul3A_72 = arith.muli %add3A_46, %mul3A_71 : i32
        %dma_start3A_73 = tpu.memref_slice %arg3[%mul3A_72] : memref<64004096xf32, #tpu.memory_space<hbm>> -> memref<8192xf32, #tpu.memory_space<hbm>>
        %dma_start3A_74 = tpu.memref_slice %arg3[%mul3A_72] : memref<64004096xf32, #tpu.memory_space<hbm>> -> memref<8192xf32, #tpu.memory_space<hbm>>
        tpu.enqueue_dma source(%arg7 : memref<8192xf32, #tpu.memory_space<vmem>>) target(%dma_start3A_74 : memref<8192xf32, #tpu.memory_space<hbm>>) target_semaphore(%arg11 : memref<!tpu.dma_semaphore, #tpu.memory_space<semaphore_mem>>)
        %add3A_75 = arith.constant 64 : i32
        %add3A_76 = arith.addi %add3A_46, %add3A_75 : i32
        %add3A_77 = arith.constant 2 : i32
        %add3A_78 = arith.addi %add3A_43, %add3A_77 : i32
        %lt3A_79 = arith.constant 245 : i32
        %lt3A_80 = arith.cmpi slt, %add3A_78, %lt3A_79 : i32
        %lt3A_81 = arith.constant 7813 : i32
        %lt3A_82 = arith.cmpi slt, %add3A_76, %lt3A_81 : i32
        %and3A_83 = arith.andi %lt3A_80, %lt3A_82 : i1
        %convert_element_type3A_84 = arith.extui %and3A_83 : i1 to i32
        %cond3A_85 = arith.constant 0 : i32
        %cond3A_86 = arith.cmpi ne, %convert_element_type3A_84, %cond3A_85 : i32
        scf.if %cond3A_86 {
          %mul3A_87 = arith.constant 128 : i32
          %mul3A_88 = arith.muli %add3A_76, %mul3A_87 : i32
          %dma_start3A_89 = arith.constant 0 : i32
          %dma_start3A_90 = tpu.memref_slice %arg2[%dma_start3A_89, %mul3A_88] : memref<64x1000000xf32, #tpu.memory_space<hbm>> -> memref<64x128xf32, #tpu.memory_space<hbm>>
          %dma_start3A_91 = arith.constant 0 : i32
          %dma_start3A_92 = tpu.memref_slice %arg2[%dma_start3A_91, %mul3A_88] : memref<64x1000000xf32, #tpu.memory_space<hbm>> -> memref<64x128xf32, #tpu.memory_space<hbm>>
          tpu.enqueue_dma source(%dma_start3A_92 : memref<64x128xf32, #tpu.memory_space<hbm>>) target(%arg5 : memref<64x128xf32, #tpu.memory_space<vmem>>) target_semaphore(%arg9 : memref<!tpu.dma_semaphore, #tpu.memory_space<semaphore_mem>>)
        } else {
        }
      } else {
      }
    }
    %scan3A_20 = arith.constant 123 : i32
    %dma_wait3A = arith.constant 0 : i32
    %dma_wait3A_21 = tpu.memref_slice %arg3[%dma_wait3A] : memref<64004096xf32, #tpu.memory_space<hbm>> -> memref<8192xf32, #tpu.memory_space<hbm>>
    %dma_wait3A_22 = arith.constant 0 : i32
    %dma_wait3A_23 = tpu.memref_slice %arg3[%dma_wait3A_22] : memref<64004096xf32, #tpu.memory_space<hbm>> -> memref<8192xf32, #tpu.memory_space<hbm>>
    tpu.wait_dma2 semaphore(%arg10 : memref<!tpu.dma_semaphore, #tpu.memory_space<semaphore_mem>>) src(%arg6 : memref<8192xf32, #tpu.memory_space<vmem>>) dst(%dma_wait3A_23 : memref<8192xf32, #tpu.memory_space<hbm>>)
    %dma_wait3A_24 = arith.constant 0 : i32
    %dma_wait3A_25 = tpu.memref_slice %arg3[%dma_wait3A_24] : memref<64004096xf32, #tpu.memory_space<hbm>> -> memref<8192xf32, #tpu.memory_space<hbm>>
    %dma_wait3A_26 = arith.constant 0 : i32
    %dma_wait3A_27 = tpu.memref_slice %arg3[%dma_wait3A_26] : memref<64004096xf32, #tpu.memory_space<hbm>> -> memref<8192xf32, #tpu.memory_space<hbm>>
    tpu.wait_dma2 semaphore(%arg11 : memref<!tpu.dma_semaphore, #tpu.memory_space<semaphore_mem>>) src(%arg7 : memref<8192xf32, #tpu.memory_space<vmem>>) dst(%dma_wait3A_27 : memref<8192xf32, #tpu.memory_space<hbm>>)
    return
  }
}

#map = affine_map<(d0, d1) -> (0)>
#map1 = affine_map<(d0, d1) -> (0, 0)>
#map2 = affine_map<(d0, d1) -> (0, 0, 0, 0, 0)>
module attributes {stable_mosaic.version = 14 : i64} {
  func.func @_gather_body(%arg0: i32, %arg1: i32, %arg2: memref<819200xi32, #tpu.memory_space<hbm>>, %arg3: memref<1000064x64xf32, #tpu.memory_space<hbm>>, %arg4: memref<200x8x32x8x128xf32, #tpu.memory_space<hbm>>, %arg5: memref<25600xi32, #tpu.memory_space<vmem>>, %arg6: memref<128xi32, #tpu.memory_space<vmem>>, %arg7: memref<128xi32, #tpu.memory_space<vmem>>, %arg8: memref<128x64xf32, #tpu.memory_space<vmem>>, %arg9: memref<128x64xf32, #tpu.memory_space<vmem>>, %arg10: memref<64x129xf32, #tpu.memory_space<vmem>>, %arg11: memref<64x129xf32, #tpu.memory_space<vmem>>, %arg12: memref<!tpu.dma_semaphore, #tpu.memory_space<semaphore_mem>>, %arg13: memref<!tpu.dma_semaphore, #tpu.memory_space<semaphore_mem>>, %arg14: memref<!tpu.dma_semaphore, #tpu.memory_space<semaphore_mem>>, %arg15: memref<!tpu.dma_semaphore, #tpu.memory_space<semaphore_mem>>) attributes {dimension_semantics = [#tpu.dimension_semantics<core_parallel>, #tpu.dimension_semantics<subcore_parallel>], iteration_bounds = array<i64: 2, 16>, scalar_prefetch = 0 : i64, scratch_operands = 11 : i64, tpu.core_type = #tpu.core_type<sc_vector_subcore>, window_params = [{transform_indices = #map}, {transform_indices = #map1}, {transform_indices = #map2}]} {
    %mul3A = arith.constant 2 : i32
    %mul3A_0 = arith.muli %arg1, %mul3A : i32
    %add3A = arith.addi %mul3A_0, %arg0 : i32
    %iota3A = tpu.iota {dimensions = array<i32: 0>} : vector<16xi32>
    %mul3A_1 = arith.constant 25600 : i32
    %mul3A_2 = arith.muli %add3A, %mul3A_1 : i32
    "tpu.region"() ({
      %run_scoped3A = tpu.sem_alloc : memref<!tpu.dma_semaphore, #tpu.memory_space<semaphore_mem>>
      %dma_start3A_359 = tpu.memref_slice %arg2[%mul3A_2] : memref<819200xi32, #tpu.memory_space<hbm>> -> memref<25600xi32, #tpu.memory_space<hbm>>
      %dma_start3A_360 = tpu.memref_slice %arg2[%mul3A_2] : memref<819200xi32, #tpu.memory_space<hbm>> -> memref<25600xi32, #tpu.memory_space<hbm>>
      tpu.enqueue_dma source(%dma_start3A_360 : memref<25600xi32, #tpu.memory_space<hbm>>) target(%arg5 : memref<25600xi32, #tpu.memory_space<vmem>>) target_semaphore(%run_scoped3A : memref<!tpu.dma_semaphore, #tpu.memory_space<semaphore_mem>>)
      %dma_wait3A_361 = tpu.memref_slice %arg2[%mul3A_2] : memref<819200xi32, #tpu.memory_space<hbm>> -> memref<25600xi32, #tpu.memory_space<hbm>>
      %dma_wait3A_362 = tpu.memref_slice %arg2[%mul3A_2] : memref<819200xi32, #tpu.memory_space<hbm>> -> memref<25600xi32, #tpu.memory_space<hbm>>
      tpu.wait_dma2 semaphore(%run_scoped3A : memref<!tpu.dma_semaphore, #tpu.memory_space<semaphore_mem>>) src(%dma_wait3A_362 : memref<25600xi32, #tpu.memory_space<hbm>>) dst(%arg5 : memref<25600xi32, #tpu.memory_space<vmem>>)
      tpu.yield
    }) : () -> ()
    %mul3A_3 = arith.constant 200 : i32
    %mul3A_4 = vector.broadcast %mul3A_3 : i32 to vector<16xi32>
    %mul3A_5 = arith.muli %iota3A, %mul3A_4 : vector<16xi32>
    %add3A_6 = arith.constant 0 : i32
    %add3A_7 = vector.broadcast %add3A_6 : i32 to vector<16xi32>
    %add3A_8 = arith.addi %mul3A_5, %add3A_7 : vector<16xi32>
    %add3A_9 = arith.constant 0 : i32
    %add3A_10 = vector.broadcast %add3A_9 : i32 to vector<16xi32>
    %add3A_11 = arith.addi %add3A_8, %add3A_10 : vector<16xi32>
    %gather3A = tpu.vector_load_idx %arg5[%add3A_11] : memref<25600xi32, #tpu.memory_space<vmem>>[vector<16xi32>], vector<16xi32>,
    %swap3A = arith.constant 0 : index
    %swap3A_12 = tpu.vector_load %arg6[%swap3A] {strides = array<i32>} : memref<128xi32, #tpu.memory_space<vmem>>, vector<16xi32>,
    tpu.vector_store %arg6[%swap3A], %gather3A {strides = array<i32>} : memref<128xi32, #tpu.memory_space<vmem>>, vector<16xi32>,
    %mul3A_13 = arith.constant 200 : i32
    %mul3A_14 = vector.broadcast %mul3A_13 : i32 to vector<16xi32>
    %mul3A_15 = arith.muli %iota3A, %mul3A_14 : vector<16xi32>
    %add3A_16 = arith.constant 3200 : i32
    %add3A_17 = vector.broadcast %add3A_16 : i32 to vector<16xi32>
    %add3A_18 = arith.addi %mul3A_15, %add3A_17 : vector<16xi32>
    %add3A_19 = arith.constant 0 : i32
    %add3A_20 = vector.broadcast %add3A_19 : i32 to vector<16xi32>
    %add3A_21 = arith.addi %add3A_18, %add3A_20 : vector<16xi32>
    %gather3A_22 = tpu.vector_load_idx %arg5[%add3A_21] : memref<25600xi32, #tpu.memory_space<vmem>>[vector<16xi32>], vector<16xi32>,
    %swap3A_23 = arith.constant 16 : index
    %swap3A_24 = tpu.vector_load %arg6[%swap3A_23] {strides = array<i32>} : memref<128xi32, #tpu.memory_space<vmem>>, vector<16xi32>,
    tpu.vector_store %arg6[%swap3A_23], %gather3A_22 {strides = array<i32>} : memref<128xi32, #tpu.memory_space<vmem>>, vector<16xi32>,
    %mul3A_25 = arith.constant 200 : i32
    %mul3A_26 = vector.broadcast %mul3A_25 : i32 to vector<16xi32>
    %mul3A_27 = arith.muli %iota3A, %mul3A_26 : vector<16xi32>
    %add3A_28 = arith.constant 6400 : i32
    %add3A_29 = vector.broadcast %add3A_28 : i32 to vector<16xi32>
    %add3A_30 = arith.addi %mul3A_27, %add3A_29 : vector<16xi32>
    %add3A_31 = arith.constant 0 : i32
    %add3A_32 = vector.broadcast %add3A_31 : i32 to vector<16xi32>
    %add3A_33 = arith.addi %add3A_30, %add3A_32 : vector<16xi32>
    %gather3A_34 = tpu.vector_load_idx %arg5[%add3A_33] : memref<25600xi32, #tpu.memory_space<vmem>>[vector<16xi32>], vector<16xi32>,
    %swap3A_35 = arith.constant 32 : index
    %swap3A_36 = tpu.vector_load %arg6[%swap3A_35] {strides = array<i32>} : memref<128xi32, #tpu.memory_space<vmem>>, vector<16xi32>,
    tpu.vector_store %arg6[%swap3A_35], %gather3A_34 {strides = array<i32>} : memref<128xi32, #tpu.memory_space<vmem>>, vector<16xi32>,
    %mul3A_37 = arith.constant 200 : i32
    %mul3A_38 = vector.broadcast %mul3A_37 : i32 to vector<16xi32>
    %mul3A_39 = arith.muli %iota3A, %mul3A_38 : vector<16xi32>
    %add3A_40 = arith.constant 9600 : i32
    %add3A_41 = vector.broadcast %add3A_40 : i32 to vector<16xi32>
    %add3A_42 = arith.addi %mul3A_39, %add3A_41 : vector<16xi32>
    %add3A_43 = arith.constant 0 : i32
    %add3A_44 = vector.broadcast %add3A_43 : i32 to vector<16xi32>
    %add3A_45 = arith.addi %add3A_42, %add3A_44 : vector<16xi32>
    %gather3A_46 = tpu.vector_load_idx %arg5[%add3A_45] : memref<25600xi32, #tpu.memory_space<vmem>>[vector<16xi32>], vector<16xi32>,
    %swap3A_47 = arith.constant 48 : index
    %swap3A_48 = tpu.vector_load %arg6[%swap3A_47] {strides = array<i32>} : memref<128xi32, #tpu.memory_space<vmem>>, vector<16xi32>,
    tpu.vector_store %arg6[%swap3A_47], %gather3A_46 {strides = array<i32>} : memref<128xi32, #tpu.memory_space<vmem>>, vector<16xi32>,
    %mul3A_49 = arith.constant 200 : i32
    %mul3A_50 = vector.broadcast %mul3A_49 : i32 to vector<16xi32>
    %mul3A_51 = arith.muli %iota3A, %mul3A_50 : vector<16xi32>
    %add3A_52 = arith.constant 12800 : i32
    %add3A_53 = vector.broadcast %add3A_52 : i32 to vector<16xi32>
    %add3A_54 = arith.addi %mul3A_51, %add3A_53 : vector<16xi32>
    %add3A_55 = arith.constant 0 : i32
    %add3A_56 = vector.broadcast %add3A_55 : i32 to vector<16xi32>
    %add3A_57 = arith.addi %add3A_54, %add3A_56 : vector<16xi32>
    %gather3A_58 = tpu.vector_load_idx %arg5[%add3A_57] : memref<25600xi32, #tpu.memory_space<vmem>>[vector<16xi32>], vector<16xi32>,
    %swap3A_59 = arith.constant 64 : index
    %swap3A_60 = tpu.vector_load %arg6[%swap3A_59] {strides = array<i32>} : memref<128xi32, #tpu.memory_space<vmem>>, vector<16xi32>,
    tpu.vector_store %arg6[%swap3A_59], %gather3A_58 {strides = array<i32>} : memref<128xi32, #tpu.memory_space<vmem>>, vector<16xi32>,
    %mul3A_61 = arith.constant 200 : i32
    %mul3A_62 = vector.broadcast %mul3A_61 : i32 to vector<16xi32>
    %mul3A_63 = arith.muli %iota3A, %mul3A_62 : vector<16xi32>
    %add3A_64 = arith.constant 16000 : i32
    %add3A_65 = vector.broadcast %add3A_64 : i32 to vector<16xi32>
    %add3A_66 = arith.addi %mul3A_63, %add3A_65 : vector<16xi32>
    %add3A_67 = arith.constant 0 : i32
    %add3A_68 = vector.broadcast %add3A_67 : i32 to vector<16xi32>
    %add3A_69 = arith.addi %add3A_66, %add3A_68 : vector<16xi32>
    %gather3A_70 = tpu.vector_load_idx %arg5[%add3A_69] : memref<25600xi32, #tpu.memory_space<vmem>>[vector<16xi32>], vector<16xi32>,
    %swap3A_71 = arith.constant 80 : index
    %swap3A_72 = tpu.vector_load %arg6[%swap3A_71] {strides = array<i32>} : memref<128xi32, #tpu.memory_space<vmem>>, vector<16xi32>,
    tpu.vector_store %arg6[%swap3A_71], %gather3A_70 {strides = array<i32>} : memref<128xi32, #tpu.memory_space<vmem>>, vector<16xi32>,
    %mul3A_73 = arith.constant 200 : i32
    %mul3A_74 = vector.broadcast %mul3A_73 : i32 to vector<16xi32>
    %mul3A_75 = arith.muli %iota3A, %mul3A_74 : vector<16xi32>
    %add3A_76 = arith.constant 19200 : i32
    %add3A_77 = vector.broadcast %add3A_76 : i32 to vector<16xi32>
    %add3A_78 = arith.addi %mul3A_75, %add3A_77 : vector<16xi32>
    %add3A_79 = arith.constant 0 : i32
    %add3A_80 = vector.broadcast %add3A_79 : i32 to vector<16xi32>
    %add3A_81 = arith.addi %add3A_78, %add3A_80 : vector<16xi32>
    %gather3A_82 = tpu.vector_load_idx %arg5[%add3A_81] : memref<25600xi32, #tpu.memory_space<vmem>>[vector<16xi32>], vector<16xi32>,
    %swap3A_83 = arith.constant 96 : index
    %swap3A_84 = tpu.vector_load %arg6[%swap3A_83] {strides = array<i32>} : memref<128xi32, #tpu.memory_space<vmem>>, vector<16xi32>,
    tpu.vector_store %arg6[%swap3A_83], %gather3A_82 {strides = array<i32>} : memref<128xi32, #tpu.memory_space<vmem>>, vector<16xi32>,
    %mul3A_85 = arith.constant 200 : i32
    %mul3A_86 = vector.broadcast %mul3A_85 : i32 to vector<16xi32>
    %mul3A_87 = arith.muli %iota3A, %mul3A_86 : vector<16xi32>
    %add3A_88 = arith.constant 22400 : i32
    %add3A_89 = vector.broadcast %add3A_88 : i32 to vector<16xi32>
    %add3A_90 = arith.addi %mul3A_87, %add3A_89 : vector<16xi32>
    %add3A_91 = arith.constant 0 : i32
    %add3A_92 = vector.broadcast %add3A_91 : i32 to vector<16xi32>
    %add3A_93 = arith.addi %add3A_90, %add3A_92 : vector<16xi32>
    %gather3A_94 = tpu.vector_load_idx %arg5[%add3A_93] : memref<25600xi32, #tpu.memory_space<vmem>>[vector<16xi32>], vector<16xi32>,
    %swap3A_95 = arith.constant 112 : index
    %swap3A_96 = tpu.vector_load %arg6[%swap3A_95] {strides = array<i32>} : memref<128xi32, #tpu.memory_space<vmem>>, vector<16xi32>,
    tpu.vector_store %arg6[%swap3A_95], %gather3A_94 {strides = array<i32>} : memref<128xi32, #tpu.memory_space<vmem>>, vector<16xi32>,
    %dma_start3A = arith.constant 0 : i32
    %dma_start3A_97 = arith.constant 0 : i32
    %dma_start3A_98 = tpu.memref_slice %arg3[%dma_start3A, %dma_start3A_97] : memref<1000064x64xf32, #tpu.memory_space<hbm>> -> memref<1000064x64xf32, #tpu.memory_space<hbm>>
    tpu.enqueue_indirect_dma source(%dma_start3A_98 : memref<1000064x64xf32, #tpu.memory_space<hbm>>) target(%arg8 : memref<128x64xf32, #tpu.memory_space<vmem>>) offsets(%arg6 : memref<128xi32, #tpu.memory_space<vmem>>) semaphore(%arg12 : memref<!tpu.dma_semaphore, #tpu.memory_space<semaphore_mem>>)
    %scan3A = arith.constant 0 : i32
    %scan3A_99 = arith.constant 0 : i32
    %scan3A_100 = arith.constant 100 : i32
    %scan3A_101 = arith.addi %scan3A_99, %scan3A_100 : i32
    %scan3A_102 = arith.constant 1 : i32
    scf.for %scan3A_359 = %scan3A_99 to %scan3A_101 step %scan3A_102  : i32 {
      %mul3A_360 = arith.constant 2 : i32
      %mul3A_361 = arith.muli %mul3A_360, %scan3A_359 : i32
      %add3A_362 = arith.constant 0 : i32
      %add3A_363 = arith.addi %mul3A_361, %add3A_362 : i32
      %dma_wait3A_364 = arith.constant 0 : i32
      %dma_wait3A_365 = arith.constant 0 : i32
      %dma_wait3A_366 = tpu.memref_slice %arg3[%dma_wait3A_364, %dma_wait3A_365] : memref<1000064x64xf32, #tpu.memory_space<hbm>> -> memref<1000064x64xf32, #tpu.memory_space<hbm>>
      tpu.wait_indirect_dma semaphore(%arg12 : memref<!tpu.dma_semaphore, #tpu.memory_space<semaphore_mem>>) src(%dma_wait3A_366 : memref<1000064x64xf32, #tpu.memory_space<hbm>>) dst(%arg8 : memref<128x64xf32, #tpu.memory_space<vmem>>)
      %add3A_367 = arith.constant 1 : i32
      %add3A_368 = arith.addi %add3A_363, %add3A_367 : i32
      %lt3A = arith.constant 200 : i32
      %lt3A_369 = arith.cmpi slt, %add3A_368, %lt3A : i32
      %convert_element_type3A = arith.extui %lt3A_369 : i1 to i32
      %cond3A = arith.constant 0 : i32
      %cond3A_370 = arith.cmpi ne, %convert_element_type3A, %cond3A : i32
      scf.if %cond3A_370 {
        %add3A_646 = arith.constant 1 : i32
        %add3A_647 = arith.addi %add3A_363, %add3A_646 : i32
        %mul3A_648 = arith.constant 200 : i32
        %mul3A_649 = vector.broadcast %mul3A_648 : i32 to vector<16xi32>
        %mul3A_650 = arith.muli %iota3A, %mul3A_649 : vector<16xi32>
        %add3A_651 = arith.constant 0 : i32
        %add3A_652 = vector.broadcast %add3A_651 : i32 to vector<16xi32>
        %add3A_653 = arith.addi %mul3A_650, %add3A_652 : vector<16xi32>
        %add3A_654 = vector.broadcast %add3A_647 : i32 to vector<16xi32>
        %add3A_655 = arith.addi %add3A_653, %add3A_654 : vector<16xi32>
        %gather3A_656 = tpu.vector_load_idx %arg5[%add3A_655] : memref<25600xi32, #tpu.memory_space<vmem>>[vector<16xi32>], vector<16xi32>,
        %swap3A_657 = arith.constant 0 : index
        %swap3A_658 = tpu.vector_load %arg7[%swap3A_657] {strides = array<i32>} : memref<128xi32, #tpu.memory_space<vmem>>, vector<16xi32>,
        tpu.vector_store %arg7[%swap3A_657], %gather3A_656 {strides = array<i32>} : memref<128xi32, #tpu.memory_space<vmem>>, vector<16xi32>,
        %mul3A_659 = arith.constant 200 : i32
        %mul3A_660 = vector.broadcast %mul3A_659 : i32 to vector<16xi32>
        %mul3A_661 = arith.muli %iota3A, %mul3A_660 : vector<16xi32>
        %add3A_662 = arith.constant 3200 : i32
        %add3A_663 = vector.broadcast %add3A_662 : i32 to vector<16xi32>
        %add3A_664 = arith.addi %mul3A_661, %add3A_663 : vector<16xi32>
        %add3A_665 = vector.broadcast %add3A_647 : i32 to vector<16xi32>
        %add3A_666 = arith.addi %add3A_664, %add3A_665 : vector<16xi32>
        %gather3A_667 = tpu.vector_load_idx %arg5[%add3A_666] : memref<25600xi32, #tpu.memory_space<vmem>>[vector<16xi32>], vector<16xi32>,
        %swap3A_668 = arith.constant 16 : index
        %swap3A_669 = tpu.vector_load %arg7[%swap3A_668] {strides = array<i32>} : memref<128xi32, #tpu.memory_space<vmem>>, vector<16xi32>,
        tpu.vector_store %arg7[%swap3A_668], %gather3A_667 {strides = array<i32>} : memref<128xi32, #tpu.memory_space<vmem>>, vector<16xi32>,
        %mul3A_670 = arith.constant 200 : i32
        %mul3A_671 = vector.broadcast %mul3A_670 : i32 to vector<16xi32>
        %mul3A_672 = arith.muli %iota3A, %mul3A_671 : vector<16xi32>
        %add3A_673 = arith.constant 6400 : i32
        %add3A_674 = vector.broadcast %add3A_673 : i32 to vector<16xi32>
        %add3A_675 = arith.addi %mul3A_672, %add3A_674 : vector<16xi32>
        %add3A_676 = vector.broadcast %add3A_647 : i32 to vector<16xi32>
        %add3A_677 = arith.addi %add3A_675, %add3A_676 : vector<16xi32>
        %gather3A_678 = tpu.vector_load_idx %arg5[%add3A_677] : memref<25600xi32, #tpu.memory_space<vmem>>[vector<16xi32>], vector<16xi32>,
        %swap3A_679 = arith.constant 32 : index
        %swap3A_680 = tpu.vector_load %arg7[%swap3A_679] {strides = array<i32>} : memref<128xi32, #tpu.memory_space<vmem>>, vector<16xi32>,
        tpu.vector_store %arg7[%swap3A_679], %gather3A_678 {strides = array<i32>} : memref<128xi32, #tpu.memory_space<vmem>>, vector<16xi32>,
        %mul3A_681 = arith.constant 200 : i32
        %mul3A_682 = vector.broadcast %mul3A_681 : i32 to vector<16xi32>
        %mul3A_683 = arith.muli %iota3A, %mul3A_682 : vector<16xi32>
        %add3A_684 = arith.constant 9600 : i32
        %add3A_685 = vector.broadcast %add3A_684 : i32 to vector<16xi32>
        %add3A_686 = arith.addi %mul3A_683, %add3A_685 : vector<16xi32>
        %add3A_687 = vector.broadcast %add3A_647 : i32 to vector<16xi32>
        %add3A_688 = arith.addi %add3A_686, %add3A_687 : vector<16xi32>
        %gather3A_689 = tpu.vector_load_idx %arg5[%add3A_688] : memref<25600xi32, #tpu.memory_space<vmem>>[vector<16xi32>], vector<16xi32>,
        %swap3A_690 = arith.constant 48 : index
        %swap3A_691 = tpu.vector_load %arg7[%swap3A_690] {strides = array<i32>} : memref<128xi32, #tpu.memory_space<vmem>>, vector<16xi32>,
        tpu.vector_store %arg7[%swap3A_690], %gather3A_689 {strides = array<i32>} : memref<128xi32, #tpu.memory_space<vmem>>, vector<16xi32>,
        %mul3A_692 = arith.constant 200 : i32
        %mul3A_693 = vector.broadcast %mul3A_692 : i32 to vector<16xi32>
        %mul3A_694 = arith.muli %iota3A, %mul3A_693 : vector<16xi32>
        %add3A_695 = arith.constant 12800 : i32
        %add3A_696 = vector.broadcast %add3A_695 : i32 to vector<16xi32>
        %add3A_697 = arith.addi %mul3A_694, %add3A_696 : vector<16xi32>
        %add3A_698 = vector.broadcast %add3A_647 : i32 to vector<16xi32>
        %add3A_699 = arith.addi %add3A_697, %add3A_698 : vector<16xi32>
        %gather3A_700 = tpu.vector_load_idx %arg5[%add3A_699] : memref<25600xi32, #tpu.memory_space<vmem>>[vector<16xi32>], vector<16xi32>,
        %swap3A_701 = arith.constant 64 : index
        %swap3A_702 = tpu.vector_load %arg7[%swap3A_701] {strides = array<i32>} : memref<128xi32, #tpu.memory_space<vmem>>, vector<16xi32>,
        tpu.vector_store %arg7[%swap3A_701], %gather3A_700 {strides = array<i32>} : memref<128xi32, #tpu.memory_space<vmem>>, vector<16xi32>,
        %mul3A_703 = arith.constant 200 : i32
        %mul3A_704 = vector.broadcast %mul3A_703 : i32 to vector<16xi32>
        %mul3A_705 = arith.muli %iota3A, %mul3A_704 : vector<16xi32>
        %add3A_706 = arith.constant 16000 : i32
        %add3A_707 = vector.broadcast %add3A_706 : i32 to vector<16xi32>
        %add3A_708 = arith.addi %mul3A_705, %add3A_707 : vector<16xi32>
        %add3A_709 = vector.broadcast %add3A_647 : i32 to vector<16xi32>
        %add3A_710 = arith.addi %add3A_708, %add3A_709 : vector<16xi32>
        %gather3A_711 = tpu.vector_load_idx %arg5[%add3A_710] : memref<25600xi32, #tpu.memory_space<vmem>>[vector<16xi32>], vector<16xi32>,
        %swap3A_712 = arith.constant 80 : index
        %swap3A_713 = tpu.vector_load %arg7[%swap3A_712] {strides = array<i32>} : memref<128xi32, #tpu.memory_space<vmem>>, vector<16xi32>,
        tpu.vector_store %arg7[%swap3A_712], %gather3A_711 {strides = array<i32>} : memref<128xi32, #tpu.memory_space<vmem>>, vector<16xi32>,
        %mul3A_714 = arith.constant 200 : i32
        %mul3A_715 = vector.broadcast %mul3A_714 : i32 to vector<16xi32>
        %mul3A_716 = arith.muli %iota3A, %mul3A_715 : vector<16xi32>
        %add3A_717 = arith.constant 19200 : i32
        %add3A_718 = vector.broadcast %add3A_717 : i32 to vector<16xi32>
        %add3A_719 = arith.addi %mul3A_716, %add3A_718 : vector<16xi32>
        %add3A_720 = vector.broadcast %add3A_647 : i32 to vector<16xi32>
        %add3A_721 = arith.addi %add3A_719, %add3A_720 : vector<16xi32>
        %gather3A_722 = tpu.vector_load_idx %arg5[%add3A_721] : memref<25600xi32, #tpu.memory_space<vmem>>[vector<16xi32>], vector<16xi32>,
        %swap3A_723 = arith.constant 96 : index
        %swap3A_724 = tpu.vector_load %arg7[%swap3A_723] {strides = array<i32>} : memref<128xi32, #tpu.memory_space<vmem>>, vector<16xi32>,
        tpu.vector_store %arg7[%swap3A_723], %gather3A_722 {strides = array<i32>} : memref<128xi32, #tpu.memory_space<vmem>>, vector<16xi32>,
        %mul3A_725 = arith.constant 200 : i32
        %mul3A_726 = vector.broadcast %mul3A_725 : i32 to vector<16xi32>
        %mul3A_727 = arith.muli %iota3A, %mul3A_726 : vector<16xi32>
        %add3A_728 = arith.constant 22400 : i32
        %add3A_729 = vector.broadcast %add3A_728 : i32 to vector<16xi32>
        %add3A_730 = arith.addi %mul3A_727, %add3A_729 : vector<16xi32>
        %add3A_731 = vector.broadcast %add3A_647 : i32 to vector<16xi32>
        %add3A_732 = arith.addi %add3A_730, %add3A_731 : vector<16xi32>
        %gather3A_733 = tpu.vector_load_idx %arg5[%add3A_732] : memref<25600xi32, #tpu.memory_space<vmem>>[vector<16xi32>], vector<16xi32>,
        %swap3A_734 = arith.constant 112 : index
        %swap3A_735 = tpu.vector_load %arg7[%swap3A_734] {strides = array<i32>} : memref<128xi32, #tpu.memory_space<vmem>>, vector<16xi32>,
        tpu.vector_store %arg7[%swap3A_734], %gather3A_733 {strides = array<i32>} : memref<128xi32, #tpu.memory_space<vmem>>, vector<16xi32>,
        %dma_start3A_736 = arith.constant 0 : i32
        %dma_start3A_737 = arith.constant 0 : i32
        %dma_start3A_738 = tpu.memref_slice %arg3[%dma_start3A_736, %dma_start3A_737] : memref<1000064x64xf32, #tpu.memory_space<hbm>> -> memref<1000064x64xf32, #tpu.memory_space<hbm>>
        tpu.enqueue_indirect_dma source(%dma_start3A_738 : memref<1000064x64xf32, #tpu.memory_space<hbm>>) target(%arg9 : memref<128x64xf32, #tpu.memory_space<vmem>>) offsets(%arg7 : memref<128xi32, #tpu.memory_space<vmem>>) semaphore(%arg13 : memref<!tpu.dma_semaphore, #tpu.memory_space<semaphore_mem>>)
      } else {
      }
      %ge3A = arith.constant 2 : i32
      %ge3A_371 = arith.cmpi sge, %add3A_363, %ge3A : i32
      %convert_element_type3A_372 = arith.extui %ge3A_371 : i1 to i32
      %cond3A_373 = arith.constant 0 : i32
      %cond3A_374 = arith.cmpi ne, %convert_element_type3A_372, %cond3A_373 : i32
      scf.if %cond3A_374 {
        %dma_wait3A_646 = arith.constant 0 : i32
        %dma_wait3A_647 = arith.constant 0 : i32
        %dma_wait3A_648 = arith.constant 0 : i32
        %dma_wait3A_649 = tpu.memref_slice %arg10[%dma_wait3A_647, %dma_wait3A_648] : memref<64x129xf32, #tpu.memory_space<vmem>> -> memref<8x128xf32, #tpu.memory_space<vmem>>
        %dma_wait3A_650 = arith.constant 0 : i32
        %dma_wait3A_651 = arith.constant 0 : i32
        %dma_wait3A_652 = tpu.memref_slice %arg4[%add3A_363, %dma_wait3A_646, %add3A, %dma_wait3A_650, %dma_wait3A_651] : memref<200x8x32x8x128xf32, #tpu.memory_space<hbm>> -> memref<1x1x1x8x128xf32, #tpu.memory_space<hbm>>
        %dma_wait3A_653 = tpu.memref_squeeze %dma_wait3A_652 : memref<1x1x1x8x128xf32, #tpu.memory_space<hbm>> -> memref<8x128xf32, #tpu.memory_space<hbm>>
        %dma_wait3A_654 = arith.constant 0 : i32
        %dma_wait3A_655 = arith.constant 0 : i32
        %dma_wait3A_656 = tpu.memref_slice %arg4[%add3A_363, %dma_wait3A_646, %add3A, %dma_wait3A_654, %dma_wait3A_655] : memref<200x8x32x8x128xf32, #tpu.memory_space<hbm>> -> memref<1x1x1x8x128xf32, #tpu.memory_space<hbm>>
        %dma_wait3A_657 = tpu.memref_squeeze %dma_wait3A_656 : memref<1x1x1x8x128xf32, #tpu.memory_space<hbm>> -> memref<8x128xf32, #tpu.memory_space<hbm>>
        %dma_wait3A_658 = arith.constant 0 : i32
        %dma_wait3A_659 = arith.constant 0 : i32
        %dma_wait3A_660 = tpu.memref_slice %arg10[%dma_wait3A_658, %dma_wait3A_659] : memref<64x129xf32, #tpu.memory_space<vmem>> -> memref<8x128xf32, #tpu.memory_space<vmem>>
        tpu.wait_dma2 semaphore(%arg14 : memref<!tpu.dma_semaphore, #tpu.memory_space<semaphore_mem>>) src(%dma_wait3A_660 : memref<8x128xf32, #tpu.memory_space<vmem>>) dst(%dma_wait3A_657 : memref<8x128xf32, #tpu.memory_space<hbm>>)
        %dma_wait3A_661 = arith.constant 1 : i32
        %dma_wait3A_662 = arith.constant 8 : i32
        %dma_wait3A_663 = arith.constant 0 : i32
        %dma_wait3A_664 = tpu.memref_slice %arg10[%dma_wait3A_662, %dma_wait3A_663] : memref<64x129xf32, #tpu.memory_space<vmem>> -> memref<8x128xf32, #tpu.memory_space<vmem>>
        %dma_wait3A_665 = arith.constant 0 : i32
        %dma_wait3A_666 = arith.constant 0 : i32
        %dma_wait3A_667 = tpu.memref_slice %arg4[%add3A_363, %dma_wait3A_661, %add3A, %dma_wait3A_665, %dma_wait3A_666] : memref<200x8x32x8x128xf32, #tpu.memory_space<hbm>> -> memref<1x1x1x8x128xf32, #tpu.memory_space<hbm>>
        %dma_wait3A_668 = tpu.memref_squeeze %dma_wait3A_667 : memref<1x1x1x8x128xf32, #tpu.memory_space<hbm>> -> memref<8x128xf32, #tpu.memory_space<hbm>>
        %dma_wait3A_669 = arith.constant 0 : i32
        %dma_wait3A_670 = arith.constant 0 : i32
        %dma_wait3A_671 = tpu.memref_slice %arg4[%add3A_363, %dma_wait3A_661, %add3A, %dma_wait3A_669, %dma_wait3A_670] : memref<200x8x32x8x128xf32, #tpu.memory_space<hbm>> -> memref<1x1x1x8x128xf32, #tpu.memory_space<hbm>>
        %dma_wait3A_672 = tpu.memref_squeeze %dma_wait3A_671 : memref<1x1x1x8x128xf32, #tpu.memory_space<hbm>> -> memref<8x128xf32, #tpu.memory_space<hbm>>
        %dma_wait3A_673 = arith.constant 8 : i32
        %dma_wait3A_674 = arith.constant 0 : i32
        %dma_wait3A_675 = tpu.memref_slice %arg10[%dma_wait3A_673, %dma_wait3A_674] : memref<64x129xf32, #tpu.memory_space<vmem>> -> memref<8x128xf32, #tpu.memory_space<vmem>>
        tpu.wait_dma2 semaphore(%arg14 : memref<!tpu.dma_semaphore, #tpu.memory_space<semaphore_mem>>) src(%dma_wait3A_675 : memref<8x128xf32, #tpu.memory_space<vmem>>) dst(%dma_wait3A_672 : memref<8x128xf32, #tpu.memory_space<hbm>>)
        %dma_wait3A_676 = arith.constant 2 : i32
        %dma_wait3A_677 = arith.constant 16 : i32
        %dma_wait3A_678 = arith.constant 0 : i32
        %dma_wait3A_679 = tpu.memref_slice %arg10[%dma_wait3A_677, %dma_wait3A_678] : memref<64x129xf32, #tpu.memory_space<vmem>> -> memref<8x128xf32, #tpu.memory_space<vmem>>
        %dma_wait3A_680 = arith.constant 0 : i32
        %dma_wait3A_681 = arith.constant 0 : i32
        %dma_wait3A_682 = tpu.memref_slice %arg4[%add3A_363, %dma_wait3A_676, %add3A, %dma_wait3A_680, %dma_wait3A_681] : memref<200x8x32x8x128xf32, #tpu.memory_space<hbm>> -> memref<1x1x1x8x128xf32, #tpu.memory_space<hbm>>
        %dma_wait3A_683 = tpu.memref_squeeze %dma_wait3A_682 : memref<1x1x1x8x128xf32, #tpu.memory_space<hbm>> -> memref<8x128xf32, #tpu.memory_space<hbm>>
        %dma_wait3A_684 = arith.constant 0 : i32
        %dma_wait3A_685 = arith.constant 0 : i32
        %dma_wait3A_686 = tpu.memref_slice %arg4[%add3A_363, %dma_wait3A_676, %add3A, %dma_wait3A_684, %dma_wait3A_685] : memref<200x8x32x8x128xf32, #tpu.memory_space<hbm>> -> memref<1x1x1x8x128xf32, #tpu.memory_space<hbm>>
        %dma_wait3A_687 = tpu.memref_squeeze %dma_wait3A_686 : memref<1x1x1x8x128xf32, #tpu.memory_space<hbm>> -> memref<8x128xf32, #tpu.memory_space<hbm>>
        %dma_wait3A_688 = arith.constant 16 : i32
        %dma_wait3A_689 = arith.constant 0 : i32
        %dma_wait3A_690 = tpu.memref_slice %arg10[%dma_wait3A_688, %dma_wait3A_689] : memref<64x129xf32, #tpu.memory_space<vmem>> -> memref<8x128xf32, #tpu.memory_space<vmem>>
        tpu.wait_dma2 semaphore(%arg14 : memref<!tpu.dma_semaphore, #tpu.memory_space<semaphore_mem>>) src(%dma_wait3A_690 : memref<8x128xf32, #tpu.memory_space<vmem>>) dst(%dma_wait3A_687 : memref<8x128xf32, #tpu.memory_space<hbm>>)
        %dma_wait3A_691 = arith.constant 3 : i32
        %dma_wait3A_692 = arith.constant 24 : i32
        %dma_wait3A_693 = arith.constant 0 : i32
        %dma_wait3A_694 = tpu.memref_slice %arg10[%dma_wait3A_692, %dma_wait3A_693] : memref<64x129xf32, #tpu.memory_space<vmem>> -> memref<8x128xf32, #tpu.memory_space<vmem>>
        %dma_wait3A_695 = arith.constant 0 : i32
        %dma_wait3A_696 = arith.constant 0 : i32
        %dma_wait3A_697 = tpu.memref_slice %arg4[%add3A_363, %dma_wait3A_691, %add3A, %dma_wait3A_695, %dma_wait3A_696] : memref<200x8x32x8x128xf32, #tpu.memory_space<hbm>> -> memref<1x1x1x8x128xf32, #tpu.memory_space<hbm>>
        %dma_wait3A_698 = tpu.memref_squeeze %dma_wait3A_697 : memref<1x1x1x8x128xf32, #tpu.memory_space<hbm>> -> memref<8x128xf32, #tpu.memory_space<hbm>>
        %dma_wait3A_699 = arith.constant 0 : i32
        %dma_wait3A_700 = arith.constant 0 : i32
        %dma_wait3A_701 = tpu.memref_slice %arg4[%add3A_363, %dma_wait3A_691, %add3A, %dma_wait3A_699, %dma_wait3A_700] : memref<200x8x32x8x128xf32, #tpu.memory_space<hbm>> -> memref<1x1x1x8x128xf32, #tpu.memory_space<hbm>>
        %dma_wait3A_702 = tpu.memref_squeeze %dma_wait3A_701 : memref<1x1x1x8x128xf32, #tpu.memory_space<hbm>> -> memref<8x128xf32, #tpu.memory_space<hbm>>
        %dma_wait3A_703 = arith.constant 24 : i32
        %dma_wait3A_704 = arith.constant 0 : i32
        %dma_wait3A_705 = tpu.memref_slice %arg10[%dma_wait3A_703, %dma_wait3A_704] : memref<64x129xf32, #tpu.memory_space<vmem>> -> memref<8x128xf32, #tpu.memory_space<vmem>>
        tpu.wait_dma2 semaphore(%arg14 : memref<!tpu.dma_semaphore, #tpu.memory_space<semaphore_mem>>) src(%dma_wait3A_705 : memref<8x128xf32, #tpu.memory_space<vmem>>) dst(%dma_wait3A_702 : memref<8x128xf32, #tpu.memory_space<hbm>>)
        %dma_wait3A_706 = arith.constant 4 : i32
        %dma_wait3A_707 = arith.constant 32 : i32
        %dma_wait3A_708 = arith.constant 0 : i32
        %dma_wait3A_709 = tpu.memref_slice %arg10[%dma_wait3A_707, %dma_wait3A_708] : memref<64x129xf32, #tpu.memory_space<vmem>> -> memref<8x128xf32, #tpu.memory_space<vmem>>
        %dma_wait3A_710 = arith.constant 0 : i32
        %dma_wait3A_711 = arith.constant 0 : i32
        %dma_wait3A_712 = tpu.memref_slice %arg4[%add3A_363, %dma_wait3A_706, %add3A, %dma_wait3A_710, %dma_wait3A_711] : memref<200x8x32x8x128xf32, #tpu.memory_space<hbm>> -> memref<1x1x1x8x128xf32, #tpu.memory_space<hbm>>
        %dma_wait3A_713 = tpu.memref_squeeze %dma_wait3A_712 : memref<1x1x1x8x128xf32, #tpu.memory_space<hbm>> -> memref<8x128xf32, #tpu.memory_space<hbm>>
        %dma_wait3A_714 = arith.constant 0 : i32
        %dma_wait3A_715 = arith.constant 0 : i32
        %dma_wait3A_716 = tpu.memref_slice %arg4[%add3A_363, %dma_wait3A_706, %add3A, %dma_wait3A_714, %dma_wait3A_715] : memref<200x8x32x8x128xf32, #tpu.memory_space<hbm>> -> memref<1x1x1x8x128xf32, #tpu.memory_space<hbm>>
        %dma_wait3A_717 = tpu.memref_squeeze %dma_wait3A_716 : memref<1x1x1x8x128xf32, #tpu.memory_space<hbm>> -> memref<8x128xf32, #tpu.memory_space<hbm>>
        %dma_wait3A_718 = arith.constant 32 : i32
        %dma_wait3A_719 = arith.constant 0 : i32
        %dma_wait3A_720 = tpu.memref_slice %arg10[%dma_wait3A_718, %dma_wait3A_719] : memref<64x129xf32, #tpu.memory_space<vmem>> -> memref<8x128xf32, #tpu.memory_space<vmem>>
        tpu.wait_dma2 semaphore(%arg14 : memref<!tpu.dma_semaphore, #tpu.memory_space<semaphore_mem>>) src(%dma_wait3A_720 : memref<8x128xf32, #tpu.memory_space<vmem>>) dst(%dma_wait3A_717 : memref<8x128xf32, #tpu.memory_space<hbm>>)
        %dma_wait3A_721 = arith.constant 5 : i32
        %dma_wait3A_722 = arith.constant 40 : i32
        %dma_wait3A_723 = arith.constant 0 : i32
        %dma_wait3A_724 = tpu.memref_slice %arg10[%dma_wait3A_722, %dma_wait3A_723] : memref<64x129xf32, #tpu.memory_space<vmem>> -> memref<8x128xf32, #tpu.memory_space<vmem>>
        %dma_wait3A_725 = arith.constant 0 : i32
        %dma_wait3A_726 = arith.constant 0 : i32
        %dma_wait3A_727 = tpu.memref_slice %arg4[%add3A_363, %dma_wait3A_721, %add3A, %dma_wait3A_725, %dma_wait3A_726] : memref<200x8x32x8x128xf32, #tpu.memory_space<hbm>> -> memref<1x1x1x8x128xf32, #tpu.memory_space<hbm>>
        %dma_wait3A_728 = tpu.memref_squeeze %dma_wait3A_727 : memref<1x1x1x8x128xf32, #tpu.memory_space<hbm>> -> memref<8x128xf32, #tpu.memory_space<hbm>>
        %dma_wait3A_729 = arith.constant 0 : i32
        %dma_wait3A_730 = arith.constant 0 : i32
        %dma_wait3A_731 = tpu.memref_slice %arg4[%add3A_363, %dma_wait3A_721, %add3A, %dma_wait3A_729, %dma_wait3A_730] : memref<200x8x32x8x128xf32, #tpu.memory_space<hbm>> -> memref<1x1x1x8x128xf32, #tpu.memory_space<hbm>>
        %dma_wait3A_732 = tpu.memref_squeeze %dma_wait3A_731 : memref<1x1x1x8x128xf32, #tpu.memory_space<hbm>> -> memref<8x128xf32, #tpu.memory_space<hbm>>
        %dma_wait3A_733 = arith.constant 40 : i32
        %dma_wait3A_734 = arith.constant 0 : i32
        %dma_wait3A_735 = tpu.memref_slice %arg10[%dma_wait3A_733, %dma_wait3A_734] : memref<64x129xf32, #tpu.memory_space<vmem>> -> memref<8x128xf32, #tpu.memory_space<vmem>>
        tpu.wait_dma2 semaphore(%arg14 : memref<!tpu.dma_semaphore, #tpu.memory_space<semaphore_mem>>) src(%dma_wait3A_735 : memref<8x128xf32, #tpu.memory_space<vmem>>) dst(%dma_wait3A_732 : memref<8x128xf32, #tpu.memory_space<hbm>>)
        %dma_wait3A_736 = arith.constant 6 : i32
        %dma_wait3A_737 = arith.constant 48 : i32
        %dma_wait3A_738 = arith.constant 0 : i32
        %dma_wait3A_739 = tpu.memref_slice %arg10[%dma_wait3A_737, %dma_wait3A_738] : memref<64x129xf32, #tpu.memory_space<vmem>> -> memref<8x128xf32, #tpu.memory_space<vmem>>
        %dma_wait3A_740 = arith.constant 0 : i32
        %dma_wait3A_741 = arith.constant 0 : i32
        %dma_wait3A_742 = tpu.memref_slice %arg4[%add3A_363, %dma_wait3A_736, %add3A, %dma_wait3A_740, %dma_wait3A_741] : memref<200x8x32x8x128xf32, #tpu.memory_space<hbm>> -> memref<1x1x1x8x128xf32, #tpu.memory_space<hbm>>
        %dma_wait3A_743 = tpu.memref_squeeze %dma_wait3A_742 : memref<1x1x1x8x128xf32, #tpu.memory_space<hbm>> -> memref<8x128xf32, #tpu.memory_space<hbm>>
        %dma_wait3A_744 = arith.constant 0 : i32
        %dma_wait3A_745 = arith.constant 0 : i32
        %dma_wait3A_746 = tpu.memref_slice %arg4[%add3A_363, %dma_wait3A_736, %add3A, %dma_wait3A_744, %dma_wait3A_745] : memref<200x8x32x8x128xf32, #tpu.memory_space<hbm>> -> memref<1x1x1x8x128xf32, #tpu.memory_space<hbm>>
        %dma_wait3A_747 = tpu.memref_squeeze %dma_wait3A_746 : memref<1x1x1x8x128xf32, #tpu.memory_space<hbm>> -> memref<8x128xf32, #tpu.memory_space<hbm>>
        %dma_wait3A_748 = arith.constant 48 : i32
        %dma_wait3A_749 = arith.constant 0 : i32
        %dma_wait3A_750 = tpu.memref_slice %arg10[%dma_wait3A_748, %dma_wait3A_749] : memref<64x129xf32, #tpu.memory_space<vmem>> -> memref<8x128xf32, #tpu.memory_space<vmem>>
        tpu.wait_dma2 semaphore(%arg14 : memref<!tpu.dma_semaphore, #tpu.memory_space<semaphore_mem>>) src(%dma_wait3A_750 : memref<8x128xf32, #tpu.memory_space<vmem>>) dst(%dma_wait3A_747 : memref<8x128xf32, #tpu.memory_space<hbm>>)
        %dma_wait3A_751 = arith.constant 7 : i32
        %dma_wait3A_752 = arith.constant 56 : i32
        %dma_wait3A_753 = arith.constant 0 : i32
        %dma_wait3A_754 = tpu.memref_slice %arg10[%dma_wait3A_752, %dma_wait3A_753] : memref<64x129xf32, #tpu.memory_space<vmem>> -> memref<8x128xf32, #tpu.memory_space<vmem>>
        %dma_wait3A_755 = arith.constant 0 : i32
        %dma_wait3A_756 = arith.constant 0 : i32
        %dma_wait3A_757 = tpu.memref_slice %arg4[%add3A_363, %dma_wait3A_751, %add3A, %dma_wait3A_755, %dma_wait3A_756] : memref<200x8x32x8x128xf32, #tpu.memory_space<hbm>> -> memref<1x1x1x8x128xf32, #tpu.memory_space<hbm>>
        %dma_wait3A_758 = tpu.memref_squeeze %dma_wait3A_757 : memref<1x1x1x8x128xf32, #tpu.memory_space<hbm>> -> memref<8x128xf32, #tpu.memory_space<hbm>>
        %dma_wait3A_759 = arith.constant 0 : i32
        %dma_wait3A_760 = arith.constant 0 : i32
        %dma_wait3A_761 = tpu.memref_slice %arg4[%add3A_363, %dma_wait3A_751, %add3A, %dma_wait3A_759, %dma_wait3A_760] : memref<200x8x32x8x128xf32, #tpu.memory_space<hbm>> -> memref<1x1x1x8x128xf32, #tpu.memory_space<hbm>>
        %dma_wait3A_762 = tpu.memref_squeeze %dma_wait3A_761 : memref<1x1x1x8x128xf32, #tpu.memory_space<hbm>> -> memref<8x128xf32, #tpu.memory_space<hbm>>
        %dma_wait3A_763 = arith.constant 56 : i32
        %dma_wait3A_764 = arith.constant 0 : i32
        %dma_wait3A_765 = tpu.memref_slice %arg10[%dma_wait3A_763, %dma_wait3A_764] : memref<64x129xf32, #tpu.memory_space<vmem>> -> memref<8x128xf32, #tpu.memory_space<vmem>>
        tpu.wait_dma2 semaphore(%arg14 : memref<!tpu.dma_semaphore, #tpu.memory_space<semaphore_mem>>) src(%dma_wait3A_765 : memref<8x128xf32, #tpu.memory_space<vmem>>) dst(%dma_wait3A_762 : memref<8x128xf32, #tpu.memory_space<hbm>>)
      } else {
      }
      %scan3A_375 = arith.constant 0 : i32
      %scan3A_376 = arith.constant 0 : i32
      %scan3A_377 = arith.constant 128 : i32
      %scan3A_378 = arith.addi %scan3A_376, %scan3A_377 : i32
      %scan3A_379 = arith.constant 1 : i32
      scf.for %scan3A_646 = %scan3A_376 to %scan3A_378 step %scan3A_379  : i32 {
        %get3A = arith.index_cast %scan3A_646 : i32 to index
        %get3A_647 = arith.constant 0 : index
        %get3A_648 = tpu.vector_load %arg8[%get3A, %get3A_647] {strides = array<i32>} : memref<128x64xf32, #tpu.memory_space<vmem>>, vector<16xf32>,
        %add3A_649 = arith.constant 0 : i32
        %add3A_650 = vector.broadcast %add3A_649 : i32 to vector<16xi32>
        %add3A_651 = arith.addi %iota3A, %add3A_650 : vector<16xi32>
        %and3A = arith.constant 0 : i32
        %and3A_652 = vector.broadcast %and3A : i32 to vector<16xi32>
        %and3A_653 = arith.andi %iota3A, %and3A_652 : vector<16xi32>
        %add3A_654 = vector.broadcast %scan3A_646 : i32 to vector<16xi32>
        %add3A_655 = arith.addi %and3A_653, %add3A_654 : vector<16xi32>
        tpu.vector_store_idx %arg10[%add3A_651, %add3A_655], %get3A_648 : memref<64x129xf32, #tpu.memory_space<vmem>>[vector<16xi32>, vector<16xi32>], vector<16xf32>,
        %get3A_656 = arith.index_cast %scan3A_646 : i32 to index
        %get3A_657 = arith.constant 16 : index
        %get3A_658 = tpu.vector_load %arg8[%get3A_656, %get3A_657] {strides = array<i32>} : memref<128x64xf32, #tpu.memory_space<vmem>>, vector<16xf32>,
        %add3A_659 = arith.constant 16 : i32
        %add3A_660 = vector.broadcast %add3A_659 : i32 to vector<16xi32>
        %add3A_661 = arith.addi %iota3A, %add3A_660 : vector<16xi32>
        %and3A_662 = arith.constant 0 : i32
        %and3A_663 = vector.broadcast %and3A_662 : i32 to vector<16xi32>
        %and3A_664 = arith.andi %iota3A, %and3A_663 : vector<16xi32>
        %add3A_665 = vector.broadcast %scan3A_646 : i32 to vector<16xi32>
        %add3A_666 = arith.addi %and3A_664, %add3A_665 : vector<16xi32>
        tpu.vector_store_idx %arg10[%add3A_661, %add3A_666], %get3A_658 : memref<64x129xf32, #tpu.memory_space<vmem>>[vector<16xi32>, vector<16xi32>], vector<16xf32>,
        %get3A_667 = arith.index_cast %scan3A_646 : i32 to index
        %get3A_668 = arith.constant 32 : index
        %get3A_669 = tpu.vector_load %arg8[%get3A_667, %get3A_668] {strides = array<i32>} : memref<128x64xf32, #tpu.memory_space<vmem>>, vector<16xf32>,
        %add3A_670 = arith.constant 32 : i32
        %add3A_671 = vector.broadcast %add3A_670 : i32 to vector<16xi32>
        %add3A_672 = arith.addi %iota3A, %add3A_671 : vector<16xi32>
        %and3A_673 = arith.constant 0 : i32
        %and3A_674 = vector.broadcast %and3A_673 : i32 to vector<16xi32>
        %and3A_675 = arith.andi %iota3A, %and3A_674 : vector<16xi32>
        %add3A_676 = vector.broadcast %scan3A_646 : i32 to vector<16xi32>
        %add3A_677 = arith.addi %and3A_675, %add3A_676 : vector<16xi32>
        tpu.vector_store_idx %arg10[%add3A_672, %add3A_677], %get3A_669 : memref<64x129xf32, #tpu.memory_space<vmem>>[vector<16xi32>, vector<16xi32>], vector<16xf32>,
        %get3A_678 = arith.index_cast %scan3A_646 : i32 to index
        %get3A_679 = arith.constant 48 : index
        %get3A_680 = tpu.vector_load %arg8[%get3A_678, %get3A_679] {strides = array<i32>} : memref<128x64xf32, #tpu.memory_space<vmem>>, vector<16xf32>,
        %add3A_681 = arith.constant 48 : i32
        %add3A_682 = vector.broadcast %add3A_681 : i32 to vector<16xi32>
        %add3A_683 = arith.addi %iota3A, %add3A_682 : vector<16xi32>
        %and3A_684 = arith.constant 0 : i32
        %and3A_685 = vector.broadcast %and3A_684 : i32 to vector<16xi32>
        %and3A_686 = arith.andi %iota3A, %and3A_685 : vector<16xi32>
        %add3A_687 = vector.broadcast %scan3A_646 : i32 to vector<16xi32>
        %add3A_688 = arith.addi %and3A_686, %add3A_687 : vector<16xi32>
        tpu.vector_store_idx %arg10[%add3A_683, %add3A_688], %get3A_680 : memref<64x129xf32, #tpu.memory_space<vmem>>[vector<16xi32>, vector<16xi32>], vector<16xf32>,
      }
      %scan3A_380 = arith.constant 128 : i32
      %dma_start3A_381 = arith.constant 0 : i32
      %dma_start3A_382 = arith.constant 0 : i32
      %dma_start3A_383 = arith.constant 0 : i32
      %dma_start3A_384 = tpu.memref_slice %arg10[%dma_start3A_382, %dma_start3A_383] : memref<64x129xf32, #tpu.memory_space<vmem>> -> memref<8x128xf32, #tpu.memory_space<vmem>>
      %dma_start3A_385 = arith.constant 0 : i32
      %dma_start3A_386 = arith.constant 0 : i32
      %dma_start3A_387 = tpu.memref_slice %arg4[%add3A_363, %dma_start3A_381, %add3A, %dma_start3A_385, %dma_start3A_386] : memref<200x8x32x8x128xf32, #tpu.memory_space<hbm>> -> memref<1x1x1x8x128xf32, #tpu.memory_space<hbm>>
      %dma_start3A_388 = tpu.memref_squeeze %dma_start3A_387 : memref<1x1x1x8x128xf32, #tpu.memory_space<hbm>> -> memref<8x128xf32, #tpu.memory_space<hbm>>
      %dma_start3A_389 = arith.constant 0 : i32
      %dma_start3A_390 = arith.constant 0 : i32
      %dma_start3A_391 = tpu.memref_slice %arg4[%add3A_363, %dma_start3A_381, %add3A, %dma_start3A_389, %dma_start3A_390] : memref<200x8x32x8x128xf32, #tpu.memory_space<hbm>> -> memref<1x1x1x8x128xf32, #tpu.memory_space<hbm>>
      %dma_start3A_392 = tpu.memref_squeeze %dma_start3A_391 : memref<1x1x1x8x128xf32, #tpu.memory_space<hbm>> -> memref<8x128xf32, #tpu.memory_space<hbm>>
      %dma_start3A_393 = arith.constant 0 : i32
      %dma_start3A_394 = arith.constant 0 : i32
      %dma_start3A_395 = tpu.memref_slice %arg10[%dma_start3A_393, %dma_start3A_394] : memref<64x129xf32, #tpu.memory_space<vmem>> -> memref<8x128xf32, #tpu.memory_space<vmem>>
      tpu.enqueue_dma source(%dma_start3A_395 : memref<8x128xf32, #tpu.memory_space<vmem>>) target(%dma_start3A_392 : memref<8x128xf32, #tpu.memory_space<hbm>>) target_semaphore(%arg14 : memref<!tpu.dma_semaphore, #tpu.memory_space<semaphore_mem>>)
      %dma_start3A_396 = arith.constant 1 : i32
      %dma_start3A_397 = arith.constant 8 : i32
      %dma_start3A_398 = arith.constant 0 : i32
      %dma_start3A_399 = tpu.memref_slice %arg10[%dma_start3A_397, %dma_start3A_398] : memref<64x129xf32, #tpu.memory_space<vmem>> -> memref<8x128xf32, #tpu.memory_space<vmem>>
      %dma_start3A_400 = arith.constant 0 : i32
      %dma_start3A_401 = arith.constant 0 : i32
      %dma_start3A_402 = tpu.memref_slice %arg4[%add3A_363, %dma_start3A_396, %add3A, %dma_start3A_400, %dma_start3A_401] : memref<200x8x32x8x128xf32, #tpu.memory_space<hbm>> -> memref<1x1x1x8x128xf32, #tpu.memory_space<hbm>>
      %dma_start3A_403 = tpu.memref_squeeze %dma_start3A_402 : memref<1x1x1x8x128xf32, #tpu.memory_space<hbm>> -> memref<8x128xf32, #tpu.memory_space<hbm>>
      %dma_start3A_404 = arith.constant 0 : i32
      %dma_start3A_405 = arith.constant 0 : i32
      %dma_start3A_406 = tpu.memref_slice %arg4[%add3A_363, %dma_start3A_396, %add3A, %dma_start3A_404, %dma_start3A_405] : memref<200x8x32x8x128xf32, #tpu.memory_space<hbm>> -> memref<1x1x1x8x128xf32, #tpu.memory_space<hbm>>
      %dma_start3A_407 = tpu.memref_squeeze %dma_start3A_406 : memref<1x1x1x8x128xf32, #tpu.memory_space<hbm>> -> memref<8x128xf32, #tpu.memory_space<hbm>>
      %dma_start3A_408 = arith.constant 8 : i32
      %dma_start3A_409 = arith.constant 0 : i32
      %dma_start3A_410 = tpu.memref_slice %arg10[%dma_start3A_408, %dma_start3A_409] : memref<64x129xf32, #tpu.memory_space<vmem>> -> memref<8x128xf32, #tpu.memory_space<vmem>>
      tpu.enqueue_dma source(%dma_start3A_410 : memref<8x128xf32, #tpu.memory_space<vmem>>) target(%dma_start3A_407 : memref<8x128xf32, #tpu.memory_space<hbm>>) target_semaphore(%arg14 : memref<!tpu.dma_semaphore, #tpu.memory_space<semaphore_mem>>)
      %dma_start3A_411 = arith.constant 2 : i32
      %dma_start3A_412 = arith.constant 16 : i32
      %dma_start3A_413 = arith.constant 0 : i32
      %dma_start3A_414 = tpu.memref_slice %arg10[%dma_start3A_412, %dma_start3A_413] : memref<64x129xf32, #tpu.memory_space<vmem>> -> memref<8x128xf32, #tpu.memory_space<vmem>>
      %dma_start3A_415 = arith.constant 0 : i32
      %dma_start3A_416 = arith.constant 0 : i32
      %dma_start3A_417 = tpu.memref_slice %arg4[%add3A_363, %dma_start3A_411, %add3A, %dma_start3A_415, %dma_start3A_416] : memref<200x8x32x8x128xf32, #tpu.memory_space<hbm>> -> memref<1x1x1x8x128xf32, #tpu.memory_space<hbm>>
      %dma_start3A_418 = tpu.memref_squeeze %dma_start3A_417 : memref<1x1x1x8x128xf32, #tpu.memory_space<hbm>> -> memref<8x128xf32, #tpu.memory_space<hbm>>
      %dma_start3A_419 = arith.constant 0 : i32
      %dma_start3A_420 = arith.constant 0 : i32
      %dma_start3A_421 = tpu.memref_slice %arg4[%add3A_363, %dma_start3A_411, %add3A, %dma_start3A_419, %dma_start3A_420] : memref<200x8x32x8x128xf32, #tpu.memory_space<hbm>> -> memref<1x1x1x8x128xf32, #tpu.memory_space<hbm>>
      %dma_start3A_422 = tpu.memref_squeeze %dma_start3A_421 : memref<1x1x1x8x128xf32, #tpu.memory_space<hbm>> -> memref<8x128xf32, #tpu.memory_space<hbm>>
      %dma_start3A_423 = arith.constant 16 : i32
      %dma_start3A_424 = arith.constant 0 : i32
      %dma_start3A_425 = tpu.memref_slice %arg10[%dma_start3A_423, %dma_start3A_424] : memref<64x129xf32, #tpu.memory_space<vmem>> -> memref<8x128xf32, #tpu.memory_space<vmem>>
      tpu.enqueue_dma source(%dma_start3A_425 : memref<8x128xf32, #tpu.memory_space<vmem>>) target(%dma_start3A_422 : memref<8x128xf32, #tpu.memory_space<hbm>>) target_semaphore(%arg14 : memref<!tpu.dma_semaphore, #tpu.memory_space<semaphore_mem>>)
      %dma_start3A_426 = arith.constant 3 : i32
      %dma_start3A_427 = arith.constant 24 : i32
      %dma_start3A_428 = arith.constant 0 : i32
      %dma_start3A_429 = tpu.memref_slice %arg10[%dma_start3A_427, %dma_start3A_428] : memref<64x129xf32, #tpu.memory_space<vmem>> -> memref<8x128xf32, #tpu.memory_space<vmem>>
      %dma_start3A_430 = arith.constant 0 : i32
      %dma_start3A_431 = arith.constant 0 : i32
      %dma_start3A_432 = tpu.memref_slice %arg4[%add3A_363, %dma_start3A_426, %add3A, %dma_start3A_430, %dma_start3A_431] : memref<200x8x32x8x128xf32, #tpu.memory_space<hbm>> -> memref<1x1x1x8x128xf32, #tpu.memory_space<hbm>>
      %dma_start3A_433 = tpu.memref_squeeze %dma_start3A_432 : memref<1x1x1x8x128xf32, #tpu.memory_space<hbm>> -> memref<8x128xf32, #tpu.memory_space<hbm>>
      %dma_start3A_434 = arith.constant 0 : i32
      %dma_start3A_435 = arith.constant 0 : i32
      %dma_start3A_436 = tpu.memref_slice %arg4[%add3A_363, %dma_start3A_426, %add3A, %dma_start3A_434, %dma_start3A_435] : memref<200x8x32x8x128xf32, #tpu.memory_space<hbm>> -> memref<1x1x1x8x128xf32, #tpu.memory_space<hbm>>
      %dma_start3A_437 = tpu.memref_squeeze %dma_start3A_436 : memref<1x1x1x8x128xf32, #tpu.memory_space<hbm>> -> memref<8x128xf32, #tpu.memory_space<hbm>>
      %dma_start3A_438 = arith.constant 24 : i32
      %dma_start3A_439 = arith.constant 0 : i32
      %dma_start3A_440 = tpu.memref_slice %arg10[%dma_start3A_438, %dma_start3A_439] : memref<64x129xf32, #tpu.memory_space<vmem>> -> memref<8x128xf32, #tpu.memory_space<vmem>>
      tpu.enqueue_dma source(%dma_start3A_440 : memref<8x128xf32, #tpu.memory_space<vmem>>) target(%dma_start3A_437 : memref<8x128xf32, #tpu.memory_space<hbm>>) target_semaphore(%arg14 : memref<!tpu.dma_semaphore, #tpu.memory_space<semaphore_mem>>)
      %dma_start3A_441 = arith.constant 4 : i32
      %dma_start3A_442 = arith.constant 32 : i32
      %dma_start3A_443 = arith.constant 0 : i32
      %dma_start3A_444 = tpu.memref_slice %arg10[%dma_start3A_442, %dma_start3A_443] : memref<64x129xf32, #tpu.memory_space<vmem>> -> memref<8x128xf32, #tpu.memory_space<vmem>>
      %dma_start3A_445 = arith.constant 0 : i32
      %dma_start3A_446 = arith.constant 0 : i32
      %dma_start3A_447 = tpu.memref_slice %arg4[%add3A_363, %dma_start3A_441, %add3A, %dma_start3A_445, %dma_start3A_446] : memref<200x8x32x8x128xf32, #tpu.memory_space<hbm>> -> memref<1x1x1x8x128xf32, #tpu.memory_space<hbm>>
      %dma_start3A_448 = tpu.memref_squeeze %dma_start3A_447 : memref<1x1x1x8x128xf32, #tpu.memory_space<hbm>> -> memref<8x128xf32, #tpu.memory_space<hbm>>
      %dma_start3A_449 = arith.constant 0 : i32
      %dma_start3A_450 = arith.constant 0 : i32
      %dma_start3A_451 = tpu.memref_slice %arg4[%add3A_363, %dma_start3A_441, %add3A, %dma_start3A_449, %dma_start3A_450] : memref<200x8x32x8x128xf32, #tpu.memory_space<hbm>> -> memref<1x1x1x8x128xf32, #tpu.memory_space<hbm>>
      %dma_start3A_452 = tpu.memref_squeeze %dma_start3A_451 : memref<1x1x1x8x128xf32, #tpu.memory_space<hbm>> -> memref<8x128xf32, #tpu.memory_space<hbm>>
      %dma_start3A_453 = arith.constant 32 : i32
      %dma_start3A_454 = arith.constant 0 : i32
      %dma_start3A_455 = tpu.memref_slice %arg10[%dma_start3A_453, %dma_start3A_454] : memref<64x129xf32, #tpu.memory_space<vmem>> -> memref<8x128xf32, #tpu.memory_space<vmem>>
      tpu.enqueue_dma source(%dma_start3A_455 : memref<8x128xf32, #tpu.memory_space<vmem>>) target(%dma_start3A_452 : memref<8x128xf32, #tpu.memory_space<hbm>>) target_semaphore(%arg14 : memref<!tpu.dma_semaphore, #tpu.memory_space<semaphore_mem>>)
      %dma_start3A_456 = arith.constant 5 : i32
      %dma_start3A_457 = arith.constant 40 : i32
      %dma_start3A_458 = arith.constant 0 : i32
      %dma_start3A_459 = tpu.memref_slice %arg10[%dma_start3A_457, %dma_start3A_458] : memref<64x129xf32, #tpu.memory_space<vmem>> -> memref<8x128xf32, #tpu.memory_space<vmem>>
      %dma_start3A_460 = arith.constant 0 : i32
      %dma_start3A_461 = arith.constant 0 : i32
      %dma_start3A_462 = tpu.memref_slice %arg4[%add3A_363, %dma_start3A_456, %add3A, %dma_start3A_460, %dma_start3A_461] : memref<200x8x32x8x128xf32, #tpu.memory_space<hbm>> -> memref<1x1x1x8x128xf32, #tpu.memory_space<hbm>>
      %dma_start3A_463 = tpu.memref_squeeze %dma_start3A_462 : memref<1x1x1x8x128xf32, #tpu.memory_space<hbm>> -> memref<8x128xf32, #tpu.memory_space<hbm>>
      %dma_start3A_464 = arith.constant 0 : i32
      %dma_start3A_465 = arith.constant 0 : i32
      %dma_start3A_466 = tpu.memref_slice %arg4[%add3A_363, %dma_start3A_456, %add3A, %dma_start3A_464, %dma_start3A_465] : memref<200x8x32x8x128xf32, #tpu.memory_space<hbm>> -> memref<1x1x1x8x128xf32, #tpu.memory_space<hbm>>
      %dma_start3A_467 = tpu.memref_squeeze %dma_start3A_466 : memref<1x1x1x8x128xf32, #tpu.memory_space<hbm>> -> memref<8x128xf32, #tpu.memory_space<hbm>>
      %dma_start3A_468 = arith.constant 40 : i32
      %dma_start3A_469 = arith.constant 0 : i32
      %dma_start3A_470 = tpu.memref_slice %arg10[%dma_start3A_468, %dma_start3A_469] : memref<64x129xf32, #tpu.memory_space<vmem>> -> memref<8x128xf32, #tpu.memory_space<vmem>>
      tpu.enqueue_dma source(%dma_start3A_470 : memref<8x128xf32, #tpu.memory_space<vmem>>) target(%dma_start3A_467 : memref<8x128xf32, #tpu.memory_space<hbm>>) target_semaphore(%arg14 : memref<!tpu.dma_semaphore, #tpu.memory_space<semaphore_mem>>)
      %dma_start3A_471 = arith.constant 6 : i32
      %dma_start3A_472 = arith.constant 48 : i32
      %dma_start3A_473 = arith.constant 0 : i32
      %dma_start3A_474 = tpu.memref_slice %arg10[%dma_start3A_472, %dma_start3A_473] : memref<64x129xf32, #tpu.memory_space<vmem>> -> memref<8x128xf32, #tpu.memory_space<vmem>>
      %dma_start3A_475 = arith.constant 0 : i32
      %dma_start3A_476 = arith.constant 0 : i32
      %dma_start3A_477 = tpu.memref_slice %arg4[%add3A_363, %dma_start3A_471, %add3A, %dma_start3A_475, %dma_start3A_476] : memref<200x8x32x8x128xf32, #tpu.memory_space<hbm>> -> memref<1x1x1x8x128xf32, #tpu.memory_space<hbm>>
      %dma_start3A_478 = tpu.memref_squeeze %dma_start3A_477 : memref<1x1x1x8x128xf32, #tpu.memory_space<hbm>> -> memref<8x128xf32, #tpu.memory_space<hbm>>
      %dma_start3A_479 = arith.constant 0 : i32
      %dma_start3A_480 = arith.constant 0 : i32
      %dma_start3A_481 = tpu.memref_slice %arg4[%add3A_363, %dma_start3A_471, %add3A, %dma_start3A_479, %dma_start3A_480] : memref<200x8x32x8x128xf32, #tpu.memory_space<hbm>> -> memref<1x1x1x8x128xf32, #tpu.memory_space<hbm>>
      %dma_start3A_482 = tpu.memref_squeeze %dma_start3A_481 : memref<1x1x1x8x128xf32, #tpu.memory_space<hbm>> -> memref<8x128xf32, #tpu.memory_space<hbm>>
      %dma_start3A_483 = arith.constant 48 : i32
      %dma_start3A_484 = arith.constant 0 : i32
      %dma_start3A_485 = tpu.memref_slice %arg10[%dma_start3A_483, %dma_start3A_484] : memref<64x129xf32, #tpu.memory_space<vmem>> -> memref<8x128xf32, #tpu.memory_space<vmem>>
      tpu.enqueue_dma source(%dma_start3A_485 : memref<8x128xf32, #tpu.memory_space<vmem>>) target(%dma_start3A_482 : memref<8x128xf32, #tpu.memory_space<hbm>>) target_semaphore(%arg14 : memref<!tpu.dma_semaphore, #tpu.memory_space<semaphore_mem>>)
      %dma_start3A_486 = arith.constant 7 : i32
      %dma_start3A_487 = arith.constant 56 : i32
      %dma_start3A_488 = arith.constant 0 : i32
      %dma_start3A_489 = tpu.memref_slice %arg10[%dma_start3A_487, %dma_start3A_488] : memref<64x129xf32, #tpu.memory_space<vmem>> -> memref<8x128xf32, #tpu.memory_space<vmem>>
      %dma_start3A_490 = arith.constant 0 : i32
      %dma_start3A_491 = arith.constant 0 : i32
      %dma_start3A_492 = tpu.memref_slice %arg4[%add3A_363, %dma_start3A_486, %add3A, %dma_start3A_490, %dma_start3A_491] : memref<200x8x32x8x128xf32, #tpu.memory_space<hbm>> -> memref<1x1x1x8x128xf32, #tpu.memory_space<hbm>>
      %dma_start3A_493 = tpu.memref_squeeze %dma_start3A_492 : memref<1x1x1x8x128xf32, #tpu.memory_space<hbm>> -> memref<8x128xf32, #tpu.memory_space<hbm>>
      %dma_start3A_494 = arith.constant 0 : i32
      %dma_start3A_495 = arith.constant 0 : i32
      %dma_start3A_496 = tpu.memref_slice %arg4[%add3A_363, %dma_start3A_486, %add3A, %dma_start3A_494, %dma_start3A_495] : memref<200x8x32x8x128xf32, #tpu.memory_space<hbm>> -> memref<1x1x1x8x128xf32, #tpu.memory_space<hbm>>
      %dma_start3A_497 = tpu.memref_squeeze %dma_start3A_496 : memref<1x1x1x8x128xf32, #tpu.memory_space<hbm>> -> memref<8x128xf32, #tpu.memory_space<hbm>>
      %dma_start3A_498 = arith.constant 56 : i32
      %dma_start3A_499 = arith.constant 0 : i32
      %dma_start3A_500 = tpu.memref_slice %arg10[%dma_start3A_498, %dma_start3A_499] : memref<64x129xf32, #tpu.memory_space<vmem>> -> memref<8x128xf32, #tpu.memory_space<vmem>>
      tpu.enqueue_dma source(%dma_start3A_500 : memref<8x128xf32, #tpu.memory_space<vmem>>) target(%dma_start3A_497 : memref<8x128xf32, #tpu.memory_space<hbm>>) target_semaphore(%arg14 : memref<!tpu.dma_semaphore, #tpu.memory_space<semaphore_mem>>)
      %mul3A_501 = arith.constant 2 : i32
      %mul3A_502 = arith.muli %mul3A_501, %scan3A_359 : i32
      %add3A_503 = arith.constant 1 : i32
      %add3A_504 = arith.addi %mul3A_502, %add3A_503 : i32
      %dma_wait3A_505 = arith.constant 0 : i32
      %dma_wait3A_506 = arith.constant 0 : i32
      %dma_wait3A_507 = tpu.memref_slice %arg3[%dma_wait3A_505, %dma_wait3A_506] : memref<1000064x64xf32, #tpu.memory_space<hbm>> -> memref<1000064x64xf32, #tpu.memory_space<hbm>>
      tpu.wait_indirect_dma semaphore(%arg13 : memref<!tpu.dma_semaphore, #tpu.memory_space<semaphore_mem>>) src(%dma_wait3A_507 : memref<1000064x64xf32, #tpu.memory_space<hbm>>) dst(%arg9 : memref<128x64xf32, #tpu.memory_space<vmem>>)
      %add3A_508 = arith.constant 1 : i32
      %add3A_509 = arith.addi %add3A_504, %add3A_508 : i32
      %lt3A_510 = arith.constant 200 : i32
      %lt3A_511 = arith.cmpi slt, %add3A_509, %lt3A_510 : i32
      %convert_element_type3A_512 = arith.extui %lt3A_511 : i1 to i32
      %cond3A_513 = arith.constant 0 : i32
      %cond3A_514 = arith.cmpi ne, %convert_element_type3A_512, %cond3A_513 : i32
      scf.if %cond3A_514 {
        %add3A_646 = arith.constant 1 : i32
        %add3A_647 = arith.addi %add3A_504, %add3A_646 : i32
        %mul3A_648 = arith.constant 200 : i32
        %mul3A_649 = vector.broadcast %mul3A_648 : i32 to vector<16xi32>
        %mul3A_650 = arith.muli %iota3A, %mul3A_649 : vector<16xi32>
        %add3A_651 = arith.constant 0 : i32
        %add3A_652 = vector.broadcast %add3A_651 : i32 to vector<16xi32>
        %add3A_653 = arith.addi %mul3A_650, %add3A_652 : vector<16xi32>
        %add3A_654 = vector.broadcast %add3A_647 : i32 to vector<16xi32>
        %add3A_655 = arith.addi %add3A_653, %add3A_654 : vector<16xi32>
        %gather3A_656 = tpu.vector_load_idx %arg5[%add3A_655] : memref<25600xi32, #tpu.memory_space<vmem>>[vector<16xi32>], vector<16xi32>,
        %swap3A_657 = arith.constant 0 : index
        %swap3A_658 = tpu.vector_load %arg6[%swap3A_657] {strides = array<i32>} : memref<128xi32, #tpu.memory_space<vmem>>, vector<16xi32>,
        tpu.vector_store %arg6[%swap3A_657], %gather3A_656 {strides = array<i32>} : memref<128xi32, #tpu.memory_space<vmem>>, vector<16xi32>,
        %mul3A_659 = arith.constant 200 : i32
        %mul3A_660 = vector.broadcast %mul3A_659 : i32 to vector<16xi32>
        %mul3A_661 = arith.muli %iota3A, %mul3A_660 : vector<16xi32>
        %add3A_662 = arith.constant 3200 : i32
        %add3A_663 = vector.broadcast %add3A_662 : i32 to vector<16xi32>
        %add3A_664 = arith.addi %mul3A_661, %add3A_663 : vector<16xi32>
        %add3A_665 = vector.broadcast %add3A_647 : i32 to vector<16xi32>
        %add3A_666 = arith.addi %add3A_664, %add3A_665 : vector<16xi32>
        %gather3A_667 = tpu.vector_load_idx %arg5[%add3A_666] : memref<25600xi32, #tpu.memory_space<vmem>>[vector<16xi32>], vector<16xi32>,
        %swap3A_668 = arith.constant 16 : index
        %swap3A_669 = tpu.vector_load %arg6[%swap3A_668] {strides = array<i32>} : memref<128xi32, #tpu.memory_space<vmem>>, vector<16xi32>,
        tpu.vector_store %arg6[%swap3A_668], %gather3A_667 {strides = array<i32>} : memref<128xi32, #tpu.memory_space<vmem>>, vector<16xi32>,
        %mul3A_670 = arith.constant 200 : i32
        %mul3A_671 = vector.broadcast %mul3A_670 : i32 to vector<16xi32>
        %mul3A_672 = arith.muli %iota3A, %mul3A_671 : vector<16xi32>
        %add3A_673 = arith.constant 6400 : i32
        %add3A_674 = vector.broadcast %add3A_673 : i32 to vector<16xi32>
        %add3A_675 = arith.addi %mul3A_672, %add3A_674 : vector<16xi32>
        %add3A_676 = vector.broadcast %add3A_647 : i32 to vector<16xi32>
        %add3A_677 = arith.addi %add3A_675, %add3A_676 : vector<16xi32>
        %gather3A_678 = tpu.vector_load_idx %arg5[%add3A_677] : memref<25600xi32, #tpu.memory_space<vmem>>[vector<16xi32>], vector<16xi32>,
        %swap3A_679 = arith.constant 32 : index
        %swap3A_680 = tpu.vector_load %arg6[%swap3A_679] {strides = array<i32>} : memref<128xi32, #tpu.memory_space<vmem>>, vector<16xi32>,
        tpu.vector_store %arg6[%swap3A_679], %gather3A_678 {strides = array<i32>} : memref<128xi32, #tpu.memory_space<vmem>>, vector<16xi32>,
        %mul3A_681 = arith.constant 200 : i32
        %mul3A_682 = vector.broadcast %mul3A_681 : i32 to vector<16xi32>
        %mul3A_683 = arith.muli %iota3A, %mul3A_682 : vector<16xi32>
        %add3A_684 = arith.constant 9600 : i32
        %add3A_685 = vector.broadcast %add3A_684 : i32 to vector<16xi32>
        %add3A_686 = arith.addi %mul3A_683, %add3A_685 : vector<16xi32>
        %add3A_687 = vector.broadcast %add3A_647 : i32 to vector<16xi32>
        %add3A_688 = arith.addi %add3A_686, %add3A_687 : vector<16xi32>
        %gather3A_689 = tpu.vector_load_idx %arg5[%add3A_688] : memref<25600xi32, #tpu.memory_space<vmem>>[vector<16xi32>], vector<16xi32>,
        %swap3A_690 = arith.constant 48 : index
        %swap3A_691 = tpu.vector_load %arg6[%swap3A_690] {strides = array<i32>} : memref<128xi32, #tpu.memory_space<vmem>>, vector<16xi32>,
        tpu.vector_store %arg6[%swap3A_690], %gather3A_689 {strides = array<i32>} : memref<128xi32, #tpu.memory_space<vmem>>, vector<16xi32>,
        %mul3A_692 = arith.constant 200 : i32
        %mul3A_693 = vector.broadcast %mul3A_692 : i32 to vector<16xi32>
        %mul3A_694 = arith.muli %iota3A, %mul3A_693 : vector<16xi32>
        %add3A_695 = arith.constant 12800 : i32
        %add3A_696 = vector.broadcast %add3A_695 : i32 to vector<16xi32>
        %add3A_697 = arith.addi %mul3A_694, %add3A_696 : vector<16xi32>
        %add3A_698 = vector.broadcast %add3A_647 : i32 to vector<16xi32>
        %add3A_699 = arith.addi %add3A_697, %add3A_698 : vector<16xi32>
        %gather3A_700 = tpu.vector_load_idx %arg5[%add3A_699] : memref<25600xi32, #tpu.memory_space<vmem>>[vector<16xi32>], vector<16xi32>,
        %swap3A_701 = arith.constant 64 : index
        %swap3A_702 = tpu.vector_load %arg6[%swap3A_701] {strides = array<i32>} : memref<128xi32, #tpu.memory_space<vmem>>, vector<16xi32>,
        tpu.vector_store %arg6[%swap3A_701], %gather3A_700 {strides = array<i32>} : memref<128xi32, #tpu.memory_space<vmem>>, vector<16xi32>,
        %mul3A_703 = arith.constant 200 : i32
        %mul3A_704 = vector.broadcast %mul3A_703 : i32 to vector<16xi32>
        %mul3A_705 = arith.muli %iota3A, %mul3A_704 : vector<16xi32>
        %add3A_706 = arith.constant 16000 : i32
        %add3A_707 = vector.broadcast %add3A_706 : i32 to vector<16xi32>
        %add3A_708 = arith.addi %mul3A_705, %add3A_707 : vector<16xi32>
        %add3A_709 = vector.broadcast %add3A_647 : i32 to vector<16xi32>
        %add3A_710 = arith.addi %add3A_708, %add3A_709 : vector<16xi32>
        %gather3A_711 = tpu.vector_load_idx %arg5[%add3A_710] : memref<25600xi32, #tpu.memory_space<vmem>>[vector<16xi32>], vector<16xi32>,
        %swap3A_712 = arith.constant 80 : index
        %swap3A_713 = tpu.vector_load %arg6[%swap3A_712] {strides = array<i32>} : memref<128xi32, #tpu.memory_space<vmem>>, vector<16xi32>,
        tpu.vector_store %arg6[%swap3A_712], %gather3A_711 {strides = array<i32>} : memref<128xi32, #tpu.memory_space<vmem>>, vector<16xi32>,
        %mul3A_714 = arith.constant 200 : i32
        %mul3A_715 = vector.broadcast %mul3A_714 : i32 to vector<16xi32>
        %mul3A_716 = arith.muli %iota3A, %mul3A_715 : vector<16xi32>
        %add3A_717 = arith.constant 19200 : i32
        %add3A_718 = vector.broadcast %add3A_717 : i32 to vector<16xi32>
        %add3A_719 = arith.addi %mul3A_716, %add3A_718 : vector<16xi32>
        %add3A_720 = vector.broadcast %add3A_647 : i32 to vector<16xi32>
        %add3A_721 = arith.addi %add3A_719, %add3A_720 : vector<16xi32>
        %gather3A_722 = tpu.vector_load_idx %arg5[%add3A_721] : memref<25600xi32, #tpu.memory_space<vmem>>[vector<16xi32>], vector<16xi32>,
        %swap3A_723 = arith.constant 96 : index
        %swap3A_724 = tpu.vector_load %arg6[%swap3A_723] {strides = array<i32>} : memref<128xi32, #tpu.memory_space<vmem>>, vector<16xi32>,
        tpu.vector_store %arg6[%swap3A_723], %gather3A_722 {strides = array<i32>} : memref<128xi32, #tpu.memory_space<vmem>>, vector<16xi32>,
        %mul3A_725 = arith.constant 200 : i32
        %mul3A_726 = vector.broadcast %mul3A_725 : i32 to vector<16xi32>
        %mul3A_727 = arith.muli %iota3A, %mul3A_726 : vector<16xi32>
        %add3A_728 = arith.constant 22400 : i32
        %add3A_729 = vector.broadcast %add3A_728 : i32 to vector<16xi32>
        %add3A_730 = arith.addi %mul3A_727, %add3A_729 : vector<16xi32>
        %add3A_731 = vector.broadcast %add3A_647 : i32 to vector<16xi32>
        %add3A_732 = arith.addi %add3A_730, %add3A_731 : vector<16xi32>
        %gather3A_733 = tpu.vector_load_idx %arg5[%add3A_732] : memref<25600xi32, #tpu.memory_space<vmem>>[vector<16xi32>], vector<16xi32>,
        %swap3A_734 = arith.constant 112 : index
        %swap3A_735 = tpu.vector_load %arg6[%swap3A_734] {strides = array<i32>} : memref<128xi32, #tpu.memory_space<vmem>>, vector<16xi32>,
        tpu.vector_store %arg6[%swap3A_734], %gather3A_733 {strides = array<i32>} : memref<128xi32, #tpu.memory_space<vmem>>, vector<16xi32>,
        %dma_start3A_736 = arith.constant 0 : i32
        %dma_start3A_737 = arith.constant 0 : i32
        %dma_start3A_738 = tpu.memref_slice %arg3[%dma_start3A_736, %dma_start3A_737] : memref<1000064x64xf32, #tpu.memory_space<hbm>> -> memref<1000064x64xf32, #tpu.memory_space<hbm>>
        tpu.enqueue_indirect_dma source(%dma_start3A_738 : memref<1000064x64xf32, #tpu.memory_space<hbm>>) target(%arg8 : memref<128x64xf32, #tpu.memory_space<vmem>>) offsets(%arg6 : memref<128xi32, #tpu.memory_space<vmem>>) semaphore(%arg12 : memref<!tpu.dma_semaphore, #tpu.memory_space<semaphore_mem>>)
      } else {
      }
      %ge3A_515 = arith.constant 2 : i32
      %ge3A_516 = arith.cmpi sge, %add3A_504, %ge3A_515 : i32
      %convert_element_type3A_517 = arith.extui %ge3A_516 : i1 to i32
      %cond3A_518 = arith.constant 0 : i32
      %cond3A_519 = arith.cmpi ne, %convert_element_type3A_517, %cond3A_518 : i32
      scf.if %cond3A_519 {
        %dma_wait3A_646 = arith.constant 0 : i32
        %dma_wait3A_647 = arith.constant 0 : i32
        %dma_wait3A_648 = arith.constant 0 : i32
        %dma_wait3A_649 = tpu.memref_slice %arg11[%dma_wait3A_647, %dma_wait3A_648] : memref<64x129xf32, #tpu.memory_space<vmem>> -> memref<8x128xf32, #tpu.memory_space<vmem>>
        %dma_wait3A_650 = arith.constant 0 : i32
        %dma_wait3A_651 = arith.constant 0 : i32
        %dma_wait3A_652 = tpu.memref_slice %arg4[%add3A_504, %dma_wait3A_646, %add3A, %dma_wait3A_650, %dma_wait3A_651] : memref<200x8x32x8x128xf32, #tpu.memory_space<hbm>> -> memref<1x1x1x8x128xf32, #tpu.memory_space<hbm>>
        %dma_wait3A_653 = tpu.memref_squeeze %dma_wait3A_652 : memref<1x1x1x8x128xf32, #tpu.memory_space<hbm>> -> memref<8x128xf32, #tpu.memory_space<hbm>>
        %dma_wait3A_654 = arith.constant 0 : i32
        %dma_wait3A_655 = arith.constant 0 : i32
        %dma_wait3A_656 = tpu.memref_slice %arg4[%add3A_504, %dma_wait3A_646, %add3A, %dma_wait3A_654, %dma_wait3A_655] : memref<200x8x32x8x128xf32, #tpu.memory_space<hbm>> -> memref<1x1x1x8x128xf32, #tpu.memory_space<hbm>>
        %dma_wait3A_657 = tpu.memref_squeeze %dma_wait3A_656 : memref<1x1x1x8x128xf32, #tpu.memory_space<hbm>> -> memref<8x128xf32, #tpu.memory_space<hbm>>
        %dma_wait3A_658 = arith.constant 0 : i32
        %dma_wait3A_659 = arith.constant 0 : i32
        %dma_wait3A_660 = tpu.memref_slice %arg11[%dma_wait3A_658, %dma_wait3A_659] : memref<64x129xf32, #tpu.memory_space<vmem>> -> memref<8x128xf32, #tpu.memory_space<vmem>>
        tpu.wait_dma2 semaphore(%arg15 : memref<!tpu.dma_semaphore, #tpu.memory_space<semaphore_mem>>) src(%dma_wait3A_660 : memref<8x128xf32, #tpu.memory_space<vmem>>) dst(%dma_wait3A_657 : memref<8x128xf32, #tpu.memory_space<hbm>>)
        %dma_wait3A_661 = arith.constant 1 : i32
        %dma_wait3A_662 = arith.constant 8 : i32
        %dma_wait3A_663 = arith.constant 0 : i32
        %dma_wait3A_664 = tpu.memref_slice %arg11[%dma_wait3A_662, %dma_wait3A_663] : memref<64x129xf32, #tpu.memory_space<vmem>> -> memref<8x128xf32, #tpu.memory_space<vmem>>
        %dma_wait3A_665 = arith.constant 0 : i32
        %dma_wait3A_666 = arith.constant 0 : i32
        %dma_wait3A_667 = tpu.memref_slice %arg4[%add3A_504, %dma_wait3A_661, %add3A, %dma_wait3A_665, %dma_wait3A_666] : memref<200x8x32x8x128xf32, #tpu.memory_space<hbm>> -> memref<1x1x1x8x128xf32, #tpu.memory_space<hbm>>
        %dma_wait3A_668 = tpu.memref_squeeze %dma_wait3A_667 : memref<1x1x1x8x128xf32, #tpu.memory_space<hbm>> -> memref<8x128xf32, #tpu.memory_space<hbm>>
        %dma_wait3A_669 = arith.constant 0 : i32
        %dma_wait3A_670 = arith.constant 0 : i32
        %dma_wait3A_671 = tpu.memref_slice %arg4[%add3A_504, %dma_wait3A_661, %add3A, %dma_wait3A_669, %dma_wait3A_670] : memref<200x8x32x8x128xf32, #tpu.memory_space<hbm>> -> memref<1x1x1x8x128xf32, #tpu.memory_space<hbm>>
        %dma_wait3A_672 = tpu.memref_squeeze %dma_wait3A_671 : memref<1x1x1x8x128xf32, #tpu.memory_space<hbm>> -> memref<8x128xf32, #tpu.memory_space<hbm>>
        %dma_wait3A_673 = arith.constant 8 : i32
        %dma_wait3A_674 = arith.constant 0 : i32
        %dma_wait3A_675 = tpu.memref_slice %arg11[%dma_wait3A_673, %dma_wait3A_674] : memref<64x129xf32, #tpu.memory_space<vmem>> -> memref<8x128xf32, #tpu.memory_space<vmem>>
        tpu.wait_dma2 semaphore(%arg15 : memref<!tpu.dma_semaphore, #tpu.memory_space<semaphore_mem>>) src(%dma_wait3A_675 : memref<8x128xf32, #tpu.memory_space<vmem>>) dst(%dma_wait3A_672 : memref<8x128xf32, #tpu.memory_space<hbm>>)
        %dma_wait3A_676 = arith.constant 2 : i32
        %dma_wait3A_677 = arith.constant 16 : i32
        %dma_wait3A_678 = arith.constant 0 : i32
        %dma_wait3A_679 = tpu.memref_slice %arg11[%dma_wait3A_677, %dma_wait3A_678] : memref<64x129xf32, #tpu.memory_space<vmem>> -> memref<8x128xf32, #tpu.memory_space<vmem>>
        %dma_wait3A_680 = arith.constant 0 : i32
        %dma_wait3A_681 = arith.constant 0 : i32
        %dma_wait3A_682 = tpu.memref_slice %arg4[%add3A_504, %dma_wait3A_676, %add3A, %dma_wait3A_680, %dma_wait3A_681] : memref<200x8x32x8x128xf32, #tpu.memory_space<hbm>> -> memref<1x1x1x8x128xf32, #tpu.memory_space<hbm>>
        %dma_wait3A_683 = tpu.memref_squeeze %dma_wait3A_682 : memref<1x1x1x8x128xf32, #tpu.memory_space<hbm>> -> memref<8x128xf32, #tpu.memory_space<hbm>>
        %dma_wait3A_684 = arith.constant 0 : i32
        %dma_wait3A_685 = arith.constant 0 : i32
        %dma_wait3A_686 = tpu.memref_slice %arg4[%add3A_504, %dma_wait3A_676, %add3A, %dma_wait3A_684, %dma_wait3A_685] : memref<200x8x32x8x128xf32, #tpu.memory_space<hbm>> -> memref<1x1x1x8x128xf32, #tpu.memory_space<hbm>>
        %dma_wait3A_687 = tpu.memref_squeeze %dma_wait3A_686 : memref<1x1x1x8x128xf32, #tpu.memory_space<hbm>> -> memref<8x128xf32, #tpu.memory_space<hbm>>
        %dma_wait3A_688 = arith.constant 16 : i32
        %dma_wait3A_689 = arith.constant 0 : i32
        %dma_wait3A_690 = tpu.memref_slice %arg11[%dma_wait3A_688, %dma_wait3A_689] : memref<64x129xf32, #tpu.memory_space<vmem>> -> memref<8x128xf32, #tpu.memory_space<vmem>>
        tpu.wait_dma2 semaphore(%arg15 : memref<!tpu.dma_semaphore, #tpu.memory_space<semaphore_mem>>) src(%dma_wait3A_690 : memref<8x128xf32, #tpu.memory_space<vmem>>) dst(%dma_wait3A_687 : memref<8x128xf32, #tpu.memory_space<hbm>>)
        %dma_wait3A_691 = arith.constant 3 : i32
        %dma_wait3A_692 = arith.constant 24 : i32
        %dma_wait3A_693 = arith.constant 0 : i32
        %dma_wait3A_694 = tpu.memref_slice %arg11[%dma_wait3A_692, %dma_wait3A_693] : memref<64x129xf32, #tpu.memory_space<vmem>> -> memref<8x128xf32, #tpu.memory_space<vmem>>
        %dma_wait3A_695 = arith.constant 0 : i32
        %dma_wait3A_696 = arith.constant 0 : i32
        %dma_wait3A_697 = tpu.memref_slice %arg4[%add3A_504, %dma_wait3A_691, %add3A, %dma_wait3A_695, %dma_wait3A_696] : memref<200x8x32x8x128xf32, #tpu.memory_space<hbm>> -> memref<1x1x1x8x128xf32, #tpu.memory_space<hbm>>
        %dma_wait3A_698 = tpu.memref_squeeze %dma_wait3A_697 : memref<1x1x1x8x128xf32, #tpu.memory_space<hbm>> -> memref<8x128xf32, #tpu.memory_space<hbm>>
        %dma_wait3A_699 = arith.constant 0 : i32
        %dma_wait3A_700 = arith.constant 0 : i32
        %dma_wait3A_701 = tpu.memref_slice %arg4[%add3A_504, %dma_wait3A_691, %add3A, %dma_wait3A_699, %dma_wait3A_700] : memref<200x8x32x8x128xf32, #tpu.memory_space<hbm>> -> memref<1x1x1x8x128xf32, #tpu.memory_space<hbm>>
        %dma_wait3A_702 = tpu.memref_squeeze %dma_wait3A_701 : memref<1x1x1x8x128xf32, #tpu.memory_space<hbm>> -> memref<8x128xf32, #tpu.memory_space<hbm>>
        %dma_wait3A_703 = arith.constant 24 : i32
        %dma_wait3A_704 = arith.constant 0 : i32
        %dma_wait3A_705 = tpu.memref_slice %arg11[%dma_wait3A_703, %dma_wait3A_704] : memref<64x129xf32, #tpu.memory_space<vmem>> -> memref<8x128xf32, #tpu.memory_space<vmem>>
        tpu.wait_dma2 semaphore(%arg15 : memref<!tpu.dma_semaphore, #tpu.memory_space<semaphore_mem>>) src(%dma_wait3A_705 : memref<8x128xf32, #tpu.memory_space<vmem>>) dst(%dma_wait3A_702 : memref<8x128xf32, #tpu.memory_space<hbm>>)
        %dma_wait3A_706 = arith.constant 4 : i32
        %dma_wait3A_707 = arith.constant 32 : i32
        %dma_wait3A_708 = arith.constant 0 : i32
        %dma_wait3A_709 = tpu.memref_slice %arg11[%dma_wait3A_707, %dma_wait3A_708] : memref<64x129xf32, #tpu.memory_space<vmem>> -> memref<8x128xf32, #tpu.memory_space<vmem>>
        %dma_wait3A_710 = arith.constant 0 : i32
        %dma_wait3A_711 = arith.constant 0 : i32
        %dma_wait3A_712 = tpu.memref_slice %arg4[%add3A_504, %dma_wait3A_706, %add3A, %dma_wait3A_710, %dma_wait3A_711] : memref<200x8x32x8x128xf32, #tpu.memory_space<hbm>> -> memref<1x1x1x8x128xf32, #tpu.memory_space<hbm>>
        %dma_wait3A_713 = tpu.memref_squeeze %dma_wait3A_712 : memref<1x1x1x8x128xf32, #tpu.memory_space<hbm>> -> memref<8x128xf32, #tpu.memory_space<hbm>>
        %dma_wait3A_714 = arith.constant 0 : i32
        %dma_wait3A_715 = arith.constant 0 : i32
        %dma_wait3A_716 = tpu.memref_slice %arg4[%add3A_504, %dma_wait3A_706, %add3A, %dma_wait3A_714, %dma_wait3A_715] : memref<200x8x32x8x128xf32, #tpu.memory_space<hbm>> -> memref<1x1x1x8x128xf32, #tpu.memory_space<hbm>>
        %dma_wait3A_717 = tpu.memref_squeeze %dma_wait3A_716 : memref<1x1x1x8x128xf32, #tpu.memory_space<hbm>> -> memref<8x128xf32, #tpu.memory_space<hbm>>
        %dma_wait3A_718 = arith.constant 32 : i32
        %dma_wait3A_719 = arith.constant 0 : i32
        %dma_wait3A_720 = tpu.memref_slice %arg11[%dma_wait3A_718, %dma_wait3A_719] : memref<64x129xf32, #tpu.memory_space<vmem>> -> memref<8x128xf32, #tpu.memory_space<vmem>>
        tpu.wait_dma2 semaphore(%arg15 : memref<!tpu.dma_semaphore, #tpu.memory_space<semaphore_mem>>) src(%dma_wait3A_720 : memref<8x128xf32, #tpu.memory_space<vmem>>) dst(%dma_wait3A_717 : memref<8x128xf32, #tpu.memory_space<hbm>>)
        %dma_wait3A_721 = arith.constant 5 : i32
        %dma_wait3A_722 = arith.constant 40 : i32
        %dma_wait3A_723 = arith.constant 0 : i32
        %dma_wait3A_724 = tpu.memref_slice %arg11[%dma_wait3A_722, %dma_wait3A_723] : memref<64x129xf32, #tpu.memory_space<vmem>> -> memref<8x128xf32, #tpu.memory_space<vmem>>
        %dma_wait3A_725 = arith.constant 0 : i32
        %dma_wait3A_726 = arith.constant 0 : i32
        %dma_wait3A_727 = tpu.memref_slice %arg4[%add3A_504, %dma_wait3A_721, %add3A, %dma_wait3A_725, %dma_wait3A_726] : memref<200x8x32x8x128xf32, #tpu.memory_space<hbm>> -> memref<1x1x1x8x128xf32, #tpu.memory_space<hbm>>
        %dma_wait3A_728 = tpu.memref_squeeze %dma_wait3A_727 : memref<1x1x1x8x128xf32, #tpu.memory_space<hbm>> -> memref<8x128xf32, #tpu.memory_space<hbm>>
        %dma_wait3A_729 = arith.constant 0 : i32
        %dma_wait3A_730 = arith.constant 0 : i32
        %dma_wait3A_731 = tpu.memref_slice %arg4[%add3A_504, %dma_wait3A_721, %add3A, %dma_wait3A_729, %dma_wait3A_730] : memref<200x8x32x8x128xf32, #tpu.memory_space<hbm>> -> memref<1x1x1x8x128xf32, #tpu.memory_space<hbm>>
        %dma_wait3A_732 = tpu.memref_squeeze %dma_wait3A_731 : memref<1x1x1x8x128xf32, #tpu.memory_space<hbm>> -> memref<8x128xf32, #tpu.memory_space<hbm>>
        %dma_wait3A_733 = arith.constant 40 : i32
        %dma_wait3A_734 = arith.constant 0 : i32
        %dma_wait3A_735 = tpu.memref_slice %arg11[%dma_wait3A_733, %dma_wait3A_734] : memref<64x129xf32, #tpu.memory_space<vmem>> -> memref<8x128xf32, #tpu.memory_space<vmem>>
        tpu.wait_dma2 semaphore(%arg15 : memref<!tpu.dma_semaphore, #tpu.memory_space<semaphore_mem>>) src(%dma_wait3A_735 : memref<8x128xf32, #tpu.memory_space<vmem>>) dst(%dma_wait3A_732 : memref<8x128xf32, #tpu.memory_space<hbm>>)
        %dma_wait3A_736 = arith.constant 6 : i32
        %dma_wait3A_737 = arith.constant 48 : i32
        %dma_wait3A_738 = arith.constant 0 : i32
        %dma_wait3A_739 = tpu.memref_slice %arg11[%dma_wait3A_737, %dma_wait3A_738] : memref<64x129xf32, #tpu.memory_space<vmem>> -> memref<8x128xf32, #tpu.memory_space<vmem>>
        %dma_wait3A_740 = arith.constant 0 : i32
        %dma_wait3A_741 = arith.constant 0 : i32
        %dma_wait3A_742 = tpu.memref_slice %arg4[%add3A_504, %dma_wait3A_736, %add3A, %dma_wait3A_740, %dma_wait3A_741] : memref<200x8x32x8x128xf32, #tpu.memory_space<hbm>> -> memref<1x1x1x8x128xf32, #tpu.memory_space<hbm>>
        %dma_wait3A_743 = tpu.memref_squeeze %dma_wait3A_742 : memref<1x1x1x8x128xf32, #tpu.memory_space<hbm>> -> memref<8x128xf32, #tpu.memory_space<hbm>>
        %dma_wait3A_744 = arith.constant 0 : i32
        %dma_wait3A_745 = arith.constant 0 : i32
        %dma_wait3A_746 = tpu.memref_slice %arg4[%add3A_504, %dma_wait3A_736, %add3A, %dma_wait3A_744, %dma_wait3A_745] : memref<200x8x32x8x128xf32, #tpu.memory_space<hbm>> -> memref<1x1x1x8x128xf32, #tpu.memory_space<hbm>>
        %dma_wait3A_747 = tpu.memref_squeeze %dma_wait3A_746 : memref<1x1x1x8x128xf32, #tpu.memory_space<hbm>> -> memref<8x128xf32, #tpu.memory_space<hbm>>
        %dma_wait3A_748 = arith.constant 48 : i32
        %dma_wait3A_749 = arith.constant 0 : i32
        %dma_wait3A_750 = tpu.memref_slice %arg11[%dma_wait3A_748, %dma_wait3A_749] : memref<64x129xf32, #tpu.memory_space<vmem>> -> memref<8x128xf32, #tpu.memory_space<vmem>>
        tpu.wait_dma2 semaphore(%arg15 : memref<!tpu.dma_semaphore, #tpu.memory_space<semaphore_mem>>) src(%dma_wait3A_750 : memref<8x128xf32, #tpu.memory_space<vmem>>) dst(%dma_wait3A_747 : memref<8x128xf32, #tpu.memory_space<hbm>>)
        %dma_wait3A_751 = arith.constant 7 : i32
        %dma_wait3A_752 = arith.constant 56 : i32
        %dma_wait3A_753 = arith.constant 0 : i32
        %dma_wait3A_754 = tpu.memref_slice %arg11[%dma_wait3A_752, %dma_wait3A_753] : memref<64x129xf32, #tpu.memory_space<vmem>> -> memref<8x128xf32, #tpu.memory_space<vmem>>
        %dma_wait3A_755 = arith.constant 0 : i32
        %dma_wait3A_756 = arith.constant 0 : i32
        %dma_wait3A_757 = tpu.memref_slice %arg4[%add3A_504, %dma_wait3A_751, %add3A, %dma_wait3A_755, %dma_wait3A_756] : memref<200x8x32x8x128xf32, #tpu.memory_space<hbm>> -> memref<1x1x1x8x128xf32, #tpu.memory_space<hbm>>
        %dma_wait3A_758 = tpu.memref_squeeze %dma_wait3A_757 : memref<1x1x1x8x128xf32, #tpu.memory_space<hbm>> -> memref<8x128xf32, #tpu.memory_space<hbm>>
        %dma_wait3A_759 = arith.constant 0 : i32
        %dma_wait3A_760 = arith.constant 0 : i32
        %dma_wait3A_761 = tpu.memref_slice %arg4[%add3A_504, %dma_wait3A_751, %add3A, %dma_wait3A_759, %dma_wait3A_760] : memref<200x8x32x8x128xf32, #tpu.memory_space<hbm>> -> memref<1x1x1x8x128xf32, #tpu.memory_space<hbm>>
        %dma_wait3A_762 = tpu.memref_squeeze %dma_wait3A_761 : memref<1x1x1x8x128xf32, #tpu.memory_space<hbm>> -> memref<8x128xf32, #tpu.memory_space<hbm>>
        %dma_wait3A_763 = arith.constant 56 : i32
        %dma_wait3A_764 = arith.constant 0 : i32
        %dma_wait3A_765 = tpu.memref_slice %arg11[%dma_wait3A_763, %dma_wait3A_764] : memref<64x129xf32, #tpu.memory_space<vmem>> -> memref<8x128xf32, #tpu.memory_space<vmem>>
        tpu.wait_dma2 semaphore(%arg15 : memref<!tpu.dma_semaphore, #tpu.memory_space<semaphore_mem>>) src(%dma_wait3A_765 : memref<8x128xf32, #tpu.memory_space<vmem>>) dst(%dma_wait3A_762 : memref<8x128xf32, #tpu.memory_space<hbm>>)
      } else {
      }
      %scan3A_520 = arith.constant 0 : i32
      %scan3A_521 = arith.constant 0 : i32
      %scan3A_522 = arith.constant 128 : i32
      %scan3A_523 = arith.addi %scan3A_521, %scan3A_522 : i32
      %scan3A_524 = arith.constant 1 : i32
      scf.for %scan3A_646 = %scan3A_521 to %scan3A_523 step %scan3A_524  : i32 {
        %get3A = arith.index_cast %scan3A_646 : i32 to index
        %get3A_647 = arith.constant 0 : index
        %get3A_648 = tpu.vector_load %arg9[%get3A, %get3A_647] {strides = array<i32>} : memref<128x64xf32, #tpu.memory_space<vmem>>, vector<16xf32>,
        %add3A_649 = arith.constant 0 : i32
        %add3A_650 = vector.broadcast %add3A_649 : i32 to vector<16xi32>
        %add3A_651 = arith.addi %iota3A, %add3A_650 : vector<16xi32>
        %and3A = arith.constant 0 : i32
        %and3A_652 = vector.broadcast %and3A : i32 to vector<16xi32>
        %and3A_653 = arith.andi %iota3A, %and3A_652 : vector<16xi32>
        %add3A_654 = vector.broadcast %scan3A_646 : i32 to vector<16xi32>
        %add3A_655 = arith.addi %and3A_653, %add3A_654 : vector<16xi32>
        tpu.vector_store_idx %arg11[%add3A_651, %add3A_655], %get3A_648 : memref<64x129xf32, #tpu.memory_space<vmem>>[vector<16xi32>, vector<16xi32>], vector<16xf32>,
        %get3A_656 = arith.index_cast %scan3A_646 : i32 to index
        %get3A_657 = arith.constant 16 : index
        %get3A_658 = tpu.vector_load %arg9[%get3A_656, %get3A_657] {strides = array<i32>} : memref<128x64xf32, #tpu.memory_space<vmem>>, vector<16xf32>,
        %add3A_659 = arith.constant 16 : i32
        %add3A_660 = vector.broadcast %add3A_659 : i32 to vector<16xi32>
        %add3A_661 = arith.addi %iota3A, %add3A_660 : vector<16xi32>
        %and3A_662 = arith.constant 0 : i32
        %and3A_663 = vector.broadcast %and3A_662 : i32 to vector<16xi32>
        %and3A_664 = arith.andi %iota3A, %and3A_663 : vector<16xi32>
        %add3A_665 = vector.broadcast %scan3A_646 : i32 to vector<16xi32>
        %add3A_666 = arith.addi %and3A_664, %add3A_665 : vector<16xi32>
        tpu.vector_store_idx %arg11[%add3A_661, %add3A_666], %get3A_658 : memref<64x129xf32, #tpu.memory_space<vmem>>[vector<16xi32>, vector<16xi32>], vector<16xf32>,
        %get3A_667 = arith.index_cast %scan3A_646 : i32 to index
        %get3A_668 = arith.constant 32 : index
        %get3A_669 = tpu.vector_load %arg9[%get3A_667, %get3A_668] {strides = array<i32>} : memref<128x64xf32, #tpu.memory_space<vmem>>, vector<16xf32>,
        %add3A_670 = arith.constant 32 : i32
        %add3A_671 = vector.broadcast %add3A_670 : i32 to vector<16xi32>
        %add3A_672 = arith.addi %iota3A, %add3A_671 : vector<16xi32>
        %and3A_673 = arith.constant 0 : i32
        %and3A_674 = vector.broadcast %and3A_673 : i32 to vector<16xi32>
        %and3A_675 = arith.andi %iota3A, %and3A_674 : vector<16xi32>
        %add3A_676 = vector.broadcast %scan3A_646 : i32 to vector<16xi32>
        %add3A_677 = arith.addi %and3A_675, %add3A_676 : vector<16xi32>
        tpu.vector_store_idx %arg11[%add3A_672, %add3A_677], %get3A_669 : memref<64x129xf32, #tpu.memory_space<vmem>>[vector<16xi32>, vector<16xi32>], vector<16xf32>,
        %get3A_678 = arith.index_cast %scan3A_646 : i32 to index
        %get3A_679 = arith.constant 48 : index
        %get3A_680 = tpu.vector_load %arg9[%get3A_678, %get3A_679] {strides = array<i32>} : memref<128x64xf32, #tpu.memory_space<vmem>>, vector<16xf32>,
        %add3A_681 = arith.constant 48 : i32
        %add3A_682 = vector.broadcast %add3A_681 : i32 to vector<16xi32>
        %add3A_683 = arith.addi %iota3A, %add3A_682 : vector<16xi32>
        %and3A_684 = arith.constant 0 : i32
        %and3A_685 = vector.broadcast %and3A_684 : i32 to vector<16xi32>
        %and3A_686 = arith.andi %iota3A, %and3A_685 : vector<16xi32>
        %add3A_687 = vector.broadcast %scan3A_646 : i32 to vector<16xi32>
        %add3A_688 = arith.addi %and3A_686, %add3A_687 : vector<16xi32>
        tpu.vector_store_idx %arg11[%add3A_683, %add3A_688], %get3A_680 : memref<64x129xf32, #tpu.memory_space<vmem>>[vector<16xi32>, vector<16xi32>], vector<16xf32>,
      }
      %scan3A_525 = arith.constant 128 : i32
      %dma_start3A_526 = arith.constant 0 : i32
      %dma_start3A_527 = arith.constant 0 : i32
      %dma_start3A_528 = arith.constant 0 : i32
      %dma_start3A_529 = tpu.memref_slice %arg11[%dma_start3A_527, %dma_start3A_528] : memref<64x129xf32, #tpu.memory_space<vmem>> -> memref<8x128xf32, #tpu.memory_space<vmem>>
      %dma_start3A_530 = arith.constant 0 : i32
      %dma_start3A_531 = arith.constant 0 : i32
      %dma_start3A_532 = tpu.memref_slice %arg4[%add3A_504, %dma_start3A_526, %add3A, %dma_start3A_530, %dma_start3A_531] : memref<200x8x32x8x128xf32, #tpu.memory_space<hbm>> -> memref<1x1x1x8x128xf32, #tpu.memory_space<hbm>>
      %dma_start3A_533 = tpu.memref_squeeze %dma_start3A_532 : memref<1x1x1x8x128xf32, #tpu.memory_space<hbm>> -> memref<8x128xf32, #tpu.memory_space<hbm>>
      %dma_start3A_534 = arith.constant 0 : i32
      %dma_start3A_535 = arith.constant 0 : i32
      %dma_start3A_536 = tpu.memref_slice %arg4[%add3A_504, %dma_start3A_526, %add3A, %dma_start3A_534, %dma_start3A_535] : memref<200x8x32x8x128xf32, #tpu.memory_space<hbm>> -> memref<1x1x1x8x128xf32, #tpu.memory_space<hbm>>
      %dma_start3A_537 = tpu.memref_squeeze %dma_start3A_536 : memref<1x1x1x8x128xf32, #tpu.memory_space<hbm>> -> memref<8x128xf32, #tpu.memory_space<hbm>>
      %dma_start3A_538 = arith.constant 0 : i32
      %dma_start3A_539 = arith.constant 0 : i32
      %dma_start3A_540 = tpu.memref_slice %arg11[%dma_start3A_538, %dma_start3A_539] : memref<64x129xf32, #tpu.memory_space<vmem>> -> memref<8x128xf32, #tpu.memory_space<vmem>>
      tpu.enqueue_dma source(%dma_start3A_540 : memref<8x128xf32, #tpu.memory_space<vmem>>) target(%dma_start3A_537 : memref<8x128xf32, #tpu.memory_space<hbm>>) target_semaphore(%arg15 : memref<!tpu.dma_semaphore, #tpu.memory_space<semaphore_mem>>)
      %dma_start3A_541 = arith.constant 1 : i32
      %dma_start3A_542 = arith.constant 8 : i32
      %dma_start3A_543 = arith.constant 0 : i32
      %dma_start3A_544 = tpu.memref_slice %arg11[%dma_start3A_542, %dma_start3A_543] : memref<64x129xf32, #tpu.memory_space<vmem>> -> memref<8x128xf32, #tpu.memory_space<vmem>>
      %dma_start3A_545 = arith.constant 0 : i32
      %dma_start3A_546 = arith.constant 0 : i32
      %dma_start3A_547 = tpu.memref_slice %arg4[%add3A_504, %dma_start3A_541, %add3A, %dma_start3A_545, %dma_start3A_546] : memref<200x8x32x8x128xf32, #tpu.memory_space<hbm>> -> memref<1x1x1x8x128xf32, #tpu.memory_space<hbm>>
      %dma_start3A_548 = tpu.memref_squeeze %dma_start3A_547 : memref<1x1x1x8x128xf32, #tpu.memory_space<hbm>> -> memref<8x128xf32, #tpu.memory_space<hbm>>
      %dma_start3A_549 = arith.constant 0 : i32
      %dma_start3A_550 = arith.constant 0 : i32
      %dma_start3A_551 = tpu.memref_slice %arg4[%add3A_504, %dma_start3A_541, %add3A, %dma_start3A_549, %dma_start3A_550] : memref<200x8x32x8x128xf32, #tpu.memory_space<hbm>> -> memref<1x1x1x8x128xf32, #tpu.memory_space<hbm>>
      %dma_start3A_552 = tpu.memref_squeeze %dma_start3A_551 : memref<1x1x1x8x128xf32, #tpu.memory_space<hbm>> -> memref<8x128xf32, #tpu.memory_space<hbm>>
      %dma_start3A_553 = arith.constant 8 : i32
      %dma_start3A_554 = arith.constant 0 : i32
      %dma_start3A_555 = tpu.memref_slice %arg11[%dma_start3A_553, %dma_start3A_554] : memref<64x129xf32, #tpu.memory_space<vmem>> -> memref<8x128xf32, #tpu.memory_space<vmem>>
      tpu.enqueue_dma source(%dma_start3A_555 : memref<8x128xf32, #tpu.memory_space<vmem>>) target(%dma_start3A_552 : memref<8x128xf32, #tpu.memory_space<hbm>>) target_semaphore(%arg15 : memref<!tpu.dma_semaphore, #tpu.memory_space<semaphore_mem>>)
      %dma_start3A_556 = arith.constant 2 : i32
      %dma_start3A_557 = arith.constant 16 : i32
      %dma_start3A_558 = arith.constant 0 : i32
      %dma_start3A_559 = tpu.memref_slice %arg11[%dma_start3A_557, %dma_start3A_558] : memref<64x129xf32, #tpu.memory_space<vmem>> -> memref<8x128xf32, #tpu.memory_space<vmem>>
      %dma_start3A_560 = arith.constant 0 : i32
      %dma_start3A_561 = arith.constant 0 : i32
      %dma_start3A_562 = tpu.memref_slice %arg4[%add3A_504, %dma_start3A_556, %add3A, %dma_start3A_560, %dma_start3A_561] : memref<200x8x32x8x128xf32, #tpu.memory_space<hbm>> -> memref<1x1x1x8x128xf32, #tpu.memory_space<hbm>>
      %dma_start3A_563 = tpu.memref_squeeze %dma_start3A_562 : memref<1x1x1x8x128xf32, #tpu.memory_space<hbm>> -> memref<8x128xf32, #tpu.memory_space<hbm>>
      %dma_start3A_564 = arith.constant 0 : i32
      %dma_start3A_565 = arith.constant 0 : i32
      %dma_start3A_566 = tpu.memref_slice %arg4[%add3A_504, %dma_start3A_556, %add3A, %dma_start3A_564, %dma_start3A_565] : memref<200x8x32x8x128xf32, #tpu.memory_space<hbm>> -> memref<1x1x1x8x128xf32, #tpu.memory_space<hbm>>
      %dma_start3A_567 = tpu.memref_squeeze %dma_start3A_566 : memref<1x1x1x8x128xf32, #tpu.memory_space<hbm>> -> memref<8x128xf32, #tpu.memory_space<hbm>>
      %dma_start3A_568 = arith.constant 16 : i32
      %dma_start3A_569 = arith.constant 0 : i32
      %dma_start3A_570 = tpu.memref_slice %arg11[%dma_start3A_568, %dma_start3A_569] : memref<64x129xf32, #tpu.memory_space<vmem>> -> memref<8x128xf32, #tpu.memory_space<vmem>>
      tpu.enqueue_dma source(%dma_start3A_570 : memref<8x128xf32, #tpu.memory_space<vmem>>) target(%dma_start3A_567 : memref<8x128xf32, #tpu.memory_space<hbm>>) target_semaphore(%arg15 : memref<!tpu.dma_semaphore, #tpu.memory_space<semaphore_mem>>)
      %dma_start3A_571 = arith.constant 3 : i32
      %dma_start3A_572 = arith.constant 24 : i32
      %dma_start3A_573 = arith.constant 0 : i32
      %dma_start3A_574 = tpu.memref_slice %arg11[%dma_start3A_572, %dma_start3A_573] : memref<64x129xf32, #tpu.memory_space<vmem>> -> memref<8x128xf32, #tpu.memory_space<vmem>>
      %dma_start3A_575 = arith.constant 0 : i32
      %dma_start3A_576 = arith.constant 0 : i32
      %dma_start3A_577 = tpu.memref_slice %arg4[%add3A_504, %dma_start3A_571, %add3A, %dma_start3A_575, %dma_start3A_576] : memref<200x8x32x8x128xf32, #tpu.memory_space<hbm>> -> memref<1x1x1x8x128xf32, #tpu.memory_space<hbm>>
      %dma_start3A_578 = tpu.memref_squeeze %dma_start3A_577 : memref<1x1x1x8x128xf32, #tpu.memory_space<hbm>> -> memref<8x128xf32, #tpu.memory_space<hbm>>
      %dma_start3A_579 = arith.constant 0 : i32
      %dma_start3A_580 = arith.constant 0 : i32
      %dma_start3A_581 = tpu.memref_slice %arg4[%add3A_504, %dma_start3A_571, %add3A, %dma_start3A_579, %dma_start3A_580] : memref<200x8x32x8x128xf32, #tpu.memory_space<hbm>> -> memref<1x1x1x8x128xf32, #tpu.memory_space<hbm>>
      %dma_start3A_582 = tpu.memref_squeeze %dma_start3A_581 : memref<1x1x1x8x128xf32, #tpu.memory_space<hbm>> -> memref<8x128xf32, #tpu.memory_space<hbm>>
      %dma_start3A_583 = arith.constant 24 : i32
      %dma_start3A_584 = arith.constant 0 : i32
      %dma_start3A_585 = tpu.memref_slice %arg11[%dma_start3A_583, %dma_start3A_584] : memref<64x129xf32, #tpu.memory_space<vmem>> -> memref<8x128xf32, #tpu.memory_space<vmem>>
      tpu.enqueue_dma source(%dma_start3A_585 : memref<8x128xf32, #tpu.memory_space<vmem>>) target(%dma_start3A_582 : memref<8x128xf32, #tpu.memory_space<hbm>>) target_semaphore(%arg15 : memref<!tpu.dma_semaphore, #tpu.memory_space<semaphore_mem>>)
      %dma_start3A_586 = arith.constant 4 : i32
      %dma_start3A_587 = arith.constant 32 : i32
      %dma_start3A_588 = arith.constant 0 : i32
      %dma_start3A_589 = tpu.memref_slice %arg11[%dma_start3A_587, %dma_start3A_588] : memref<64x129xf32, #tpu.memory_space<vmem>> -> memref<8x128xf32, #tpu.memory_space<vmem>>
      %dma_start3A_590 = arith.constant 0 : i32
      %dma_start3A_591 = arith.constant 0 : i32
      %dma_start3A_592 = tpu.memref_slice %arg4[%add3A_504, %dma_start3A_586, %add3A, %dma_start3A_590, %dma_start3A_591] : memref<200x8x32x8x128xf32, #tpu.memory_space<hbm>> -> memref<1x1x1x8x128xf32, #tpu.memory_space<hbm>>
      %dma_start3A_593 = tpu.memref_squeeze %dma_start3A_592 : memref<1x1x1x8x128xf32, #tpu.memory_space<hbm>> -> memref<8x128xf32, #tpu.memory_space<hbm>>
      %dma_start3A_594 = arith.constant 0 : i32
      %dma_start3A_595 = arith.constant 0 : i32
      %dma_start3A_596 = tpu.memref_slice %arg4[%add3A_504, %dma_start3A_586, %add3A, %dma_start3A_594, %dma_start3A_595] : memref<200x8x32x8x128xf32, #tpu.memory_space<hbm>> -> memref<1x1x1x8x128xf32, #tpu.memory_space<hbm>>
      %dma_start3A_597 = tpu.memref_squeeze %dma_start3A_596 : memref<1x1x1x8x128xf32, #tpu.memory_space<hbm>> -> memref<8x128xf32, #tpu.memory_space<hbm>>
      %dma_start3A_598 = arith.constant 32 : i32
      %dma_start3A_599 = arith.constant 0 : i32
      %dma_start3A_600 = tpu.memref_slice %arg11[%dma_start3A_598, %dma_start3A_599] : memref<64x129xf32, #tpu.memory_space<vmem>> -> memref<8x128xf32, #tpu.memory_space<vmem>>
      tpu.enqueue_dma source(%dma_start3A_600 : memref<8x128xf32, #tpu.memory_space<vmem>>) target(%dma_start3A_597 : memref<8x128xf32, #tpu.memory_space<hbm>>) target_semaphore(%arg15 : memref<!tpu.dma_semaphore, #tpu.memory_space<semaphore_mem>>)
      %dma_start3A_601 = arith.constant 5 : i32
      %dma_start3A_602 = arith.constant 40 : i32
      %dma_start3A_603 = arith.constant 0 : i32
      %dma_start3A_604 = tpu.memref_slice %arg11[%dma_start3A_602, %dma_start3A_603] : memref<64x129xf32, #tpu.memory_space<vmem>> -> memref<8x128xf32, #tpu.memory_space<vmem>>
      %dma_start3A_605 = arith.constant 0 : i32
      %dma_start3A_606 = arith.constant 0 : i32
      %dma_start3A_607 = tpu.memref_slice %arg4[%add3A_504, %dma_start3A_601, %add3A, %dma_start3A_605, %dma_start3A_606] : memref<200x8x32x8x128xf32, #tpu.memory_space<hbm>> -> memref<1x1x1x8x128xf32, #tpu.memory_space<hbm>>
      %dma_start3A_608 = tpu.memref_squeeze %dma_start3A_607 : memref<1x1x1x8x128xf32, #tpu.memory_space<hbm>> -> memref<8x128xf32, #tpu.memory_space<hbm>>
      %dma_start3A_609 = arith.constant 0 : i32
      %dma_start3A_610 = arith.constant 0 : i32
      %dma_start3A_611 = tpu.memref_slice %arg4[%add3A_504, %dma_start3A_601, %add3A, %dma_start3A_609, %dma_start3A_610] : memref<200x8x32x8x128xf32, #tpu.memory_space<hbm>> -> memref<1x1x1x8x128xf32, #tpu.memory_space<hbm>>
      %dma_start3A_612 = tpu.memref_squeeze %dma_start3A_611 : memref<1x1x1x8x128xf32, #tpu.memory_space<hbm>> -> memref<8x128xf32, #tpu.memory_space<hbm>>
      %dma_start3A_613 = arith.constant 40 : i32
      %dma_start3A_614 = arith.constant 0 : i32
      %dma_start3A_615 = tpu.memref_slice %arg11[%dma_start3A_613, %dma_start3A_614] : memref<64x129xf32, #tpu.memory_space<vmem>> -> memref<8x128xf32, #tpu.memory_space<vmem>>
      tpu.enqueue_dma source(%dma_start3A_615 : memref<8x128xf32, #tpu.memory_space<vmem>>) target(%dma_start3A_612 : memref<8x128xf32, #tpu.memory_space<hbm>>) target_semaphore(%arg15 : memref<!tpu.dma_semaphore, #tpu.memory_space<semaphore_mem>>)
      %dma_start3A_616 = arith.constant 6 : i32
      %dma_start3A_617 = arith.constant 48 : i32
      %dma_start3A_618 = arith.constant 0 : i32
      %dma_start3A_619 = tpu.memref_slice %arg11[%dma_start3A_617, %dma_start3A_618] : memref<64x129xf32, #tpu.memory_space<vmem>> -> memref<8x128xf32, #tpu.memory_space<vmem>>
      %dma_start3A_620 = arith.constant 0 : i32
      %dma_start3A_621 = arith.constant 0 : i32
      %dma_start3A_622 = tpu.memref_slice %arg4[%add3A_504, %dma_start3A_616, %add3A, %dma_start3A_620, %dma_start3A_621] : memref<200x8x32x8x128xf32, #tpu.memory_space<hbm>> -> memref<1x1x1x8x128xf32, #tpu.memory_space<hbm>>
      %dma_start3A_623 = tpu.memref_squeeze %dma_start3A_622 : memref<1x1x1x8x128xf32, #tpu.memory_space<hbm>> -> memref<8x128xf32, #tpu.memory_space<hbm>>
      %dma_start3A_624 = arith.constant 0 : i32
      %dma_start3A_625 = arith.constant 0 : i32
      %dma_start3A_626 = tpu.memref_slice %arg4[%add3A_504, %dma_start3A_616, %add3A, %dma_start3A_624, %dma_start3A_625] : memref<200x8x32x8x128xf32, #tpu.memory_space<hbm>> -> memref<1x1x1x8x128xf32, #tpu.memory_space<hbm>>
      %dma_start3A_627 = tpu.memref_squeeze %dma_start3A_626 : memref<1x1x1x8x128xf32, #tpu.memory_space<hbm>> -> memref<8x128xf32, #tpu.memory_space<hbm>>
      %dma_start3A_628 = arith.constant 48 : i32
      %dma_start3A_629 = arith.constant 0 : i32
      %dma_start3A_630 = tpu.memref_slice %arg11[%dma_start3A_628, %dma_start3A_629] : memref<64x129xf32, #tpu.memory_space<vmem>> -> memref<8x128xf32, #tpu.memory_space<vmem>>
      tpu.enqueue_dma source(%dma_start3A_630 : memref<8x128xf32, #tpu.memory_space<vmem>>) target(%dma_start3A_627 : memref<8x128xf32, #tpu.memory_space<hbm>>) target_semaphore(%arg15 : memref<!tpu.dma_semaphore, #tpu.memory_space<semaphore_mem>>)
      %dma_start3A_631 = arith.constant 7 : i32
      %dma_start3A_632 = arith.constant 56 : i32
      %dma_start3A_633 = arith.constant 0 : i32
      %dma_start3A_634 = tpu.memref_slice %arg11[%dma_start3A_632, %dma_start3A_633] : memref<64x129xf32, #tpu.memory_space<vmem>> -> memref<8x128xf32, #tpu.memory_space<vmem>>
      %dma_start3A_635 = arith.constant 0 : i32
      %dma_start3A_636 = arith.constant 0 : i32
      %dma_start3A_637 = tpu.memref_slice %arg4[%add3A_504, %dma_start3A_631, %add3A, %dma_start3A_635, %dma_start3A_636] : memref<200x8x32x8x128xf32, #tpu.memory_space<hbm>> -> memref<1x1x1x8x128xf32, #tpu.memory_space<hbm>>
      %dma_start3A_638 = tpu.memref_squeeze %dma_start3A_637 : memref<1x1x1x8x128xf32, #tpu.memory_space<hbm>> -> memref<8x128xf32, #tpu.memory_space<hbm>>
      %dma_start3A_639 = arith.constant 0 : i32
      %dma_start3A_640 = arith.constant 0 : i32
      %dma_start3A_641 = tpu.memref_slice %arg4[%add3A_504, %dma_start3A_631, %add3A, %dma_start3A_639, %dma_start3A_640] : memref<200x8x32x8x128xf32, #tpu.memory_space<hbm>> -> memref<1x1x1x8x128xf32, #tpu.memory_space<hbm>>
      %dma_start3A_642 = tpu.memref_squeeze %dma_start3A_641 : memref<1x1x1x8x128xf32, #tpu.memory_space<hbm>> -> memref<8x128xf32, #tpu.memory_space<hbm>>
      %dma_start3A_643 = arith.constant 56 : i32
      %dma_start3A_644 = arith.constant 0 : i32
      %dma_start3A_645 = tpu.memref_slice %arg11[%dma_start3A_643, %dma_start3A_644] : memref<64x129xf32, #tpu.memory_space<vmem>> -> memref<8x128xf32, #tpu.memory_space<vmem>>
      tpu.enqueue_dma source(%dma_start3A_645 : memref<8x128xf32, #tpu.memory_space<vmem>>) target(%dma_start3A_642 : memref<8x128xf32, #tpu.memory_space<hbm>>) target_semaphore(%arg15 : memref<!tpu.dma_semaphore, #tpu.memory_space<semaphore_mem>>)
    }
    %scan3A_103 = arith.constant 100 : i32
    %dma_wait3A = arith.constant 198 : i32
    %dma_wait3A_104 = arith.constant 0 : i32
    %dma_wait3A_105 = arith.constant 0 : i32
    %dma_wait3A_106 = arith.constant 0 : i32
    %dma_wait3A_107 = tpu.memref_slice %arg10[%dma_wait3A_105, %dma_wait3A_106] : memref<64x129xf32, #tpu.memory_space<vmem>> -> memref<8x128xf32, #tpu.memory_space<vmem>>
    %dma_wait3A_108 = arith.constant 0 : i32
    %dma_wait3A_109 = arith.constant 0 : i32
    %dma_wait3A_110 = tpu.memref_slice %arg4[%dma_wait3A, %dma_wait3A_104, %add3A, %dma_wait3A_108, %dma_wait3A_109] : memref<200x8x32x8x128xf32, #tpu.memory_space<hbm>> -> memref<1x1x1x8x128xf32, #tpu.memory_space<hbm>>
    %dma_wait3A_111 = tpu.memref_squeeze %dma_wait3A_110 : memref<1x1x1x8x128xf32, #tpu.memory_space<hbm>> -> memref<8x128xf32, #tpu.memory_space<hbm>>
    %dma_wait3A_112 = arith.constant 0 : i32
    %dma_wait3A_113 = arith.constant 0 : i32
    %dma_wait3A_114 = tpu.memref_slice %arg4[%dma_wait3A, %dma_wait3A_104, %add3A, %dma_wait3A_112, %dma_wait3A_113] : memref<200x8x32x8x128xf32, #tpu.memory_space<hbm>> -> memref<1x1x1x8x128xf32, #tpu.memory_space<hbm>>
    %dma_wait3A_115 = tpu.memref_squeeze %dma_wait3A_114 : memref<1x1x1x8x128xf32, #tpu.memory_space<hbm>> -> memref<8x128xf32, #tpu.memory_space<hbm>>
    %dma_wait3A_116 = arith.constant 0 : i32
    %dma_wait3A_117 = arith.constant 0 : i32
    %dma_wait3A_118 = tpu.memref_slice %arg10[%dma_wait3A_116, %dma_wait3A_117] : memref<64x129xf32, #tpu.memory_space<vmem>> -> memref<8x128xf32, #tpu.memory_space<vmem>>
    tpu.wait_dma2 semaphore(%arg14 : memref<!tpu.dma_semaphore, #tpu.memory_space<semaphore_mem>>) src(%dma_wait3A_118 : memref<8x128xf32, #tpu.memory_space<vmem>>) dst(%dma_wait3A_115 : memref<8x128xf32, #tpu.memory_space<hbm>>)
    %dma_wait3A_119 = arith.constant 198 : i32
    %dma_wait3A_120 = arith.constant 1 : i32
    %dma_wait3A_121 = arith.constant 8 : i32
    %dma_wait3A_122 = arith.constant 0 : i32
    %dma_wait3A_123 = tpu.memref_slice %arg10[%dma_wait3A_121, %dma_wait3A_122] : memref<64x129xf32, #tpu.memory_space<vmem>> -> memref<8x128xf32, #tpu.memory_space<vmem>>
    %dma_wait3A_124 = arith.constant 0 : i32
    %dma_wait3A_125 = arith.constant 0 : i32
    %dma_wait3A_126 = tpu.memref_slice %arg4[%dma_wait3A_119, %dma_wait3A_120, %add3A, %dma_wait3A_124, %dma_wait3A_125] : memref<200x8x32x8x128xf32, #tpu.memory_space<hbm>> -> memref<1x1x1x8x128xf32, #tpu.memory_space<hbm>>
    %dma_wait3A_127 = tpu.memref_squeeze %dma_wait3A_126 : memref<1x1x1x8x128xf32, #tpu.memory_space<hbm>> -> memref<8x128xf32, #tpu.memory_space<hbm>>
    %dma_wait3A_128 = arith.constant 0 : i32
    %dma_wait3A_129 = arith.constant 0 : i32
    %dma_wait3A_130 = tpu.memref_slice %arg4[%dma_wait3A_119, %dma_wait3A_120, %add3A, %dma_wait3A_128, %dma_wait3A_129] : memref<200x8x32x8x128xf32, #tpu.memory_space<hbm>> -> memref<1x1x1x8x128xf32, #tpu.memory_space<hbm>>
    %dma_wait3A_131 = tpu.memref_squeeze %dma_wait3A_130 : memref<1x1x1x8x128xf32, #tpu.memory_space<hbm>> -> memref<8x128xf32, #tpu.memory_space<hbm>>
    %dma_wait3A_132 = arith.constant 8 : i32
    %dma_wait3A_133 = arith.constant 0 : i32
    %dma_wait3A_134 = tpu.memref_slice %arg10[%dma_wait3A_132, %dma_wait3A_133] : memref<64x129xf32, #tpu.memory_space<vmem>> -> memref<8x128xf32, #tpu.memory_space<vmem>>
    tpu.wait_dma2 semaphore(%arg14 : memref<!tpu.dma_semaphore, #tpu.memory_space<semaphore_mem>>) src(%dma_wait3A_134 : memref<8x128xf32, #tpu.memory_space<vmem>>) dst(%dma_wait3A_131 : memref<8x128xf32, #tpu.memory_space<hbm>>)
    %dma_wait3A_135 = arith.constant 198 : i32
    %dma_wait3A_136 = arith.constant 2 : i32
    %dma_wait3A_137 = arith.constant 16 : i32
    %dma_wait3A_138 = arith.constant 0 : i32
    %dma_wait3A_139 = tpu.memref_slice %arg10[%dma_wait3A_137, %dma_wait3A_138] : memref<64x129xf32, #tpu.memory_space<vmem>> -> memref<8x128xf32, #tpu.memory_space<vmem>>
    %dma_wait3A_140 = arith.constant 0 : i32
    %dma_wait3A_141 = arith.constant 0 : i32
    %dma_wait3A_142 = tpu.memref_slice %arg4[%dma_wait3A_135, %dma_wait3A_136, %add3A, %dma_wait3A_140, %dma_wait3A_141] : memref<200x8x32x8x128xf32, #tpu.memory_space<hbm>> -> memref<1x1x1x8x128xf32, #tpu.memory_space<hbm>>
    %dma_wait3A_143 = tpu.memref_squeeze %dma_wait3A_142 : memref<1x1x1x8x128xf32, #tpu.memory_space<hbm>> -> memref<8x128xf32, #tpu.memory_space<hbm>>
    %dma_wait3A_144 = arith.constant 0 : i32
    %dma_wait3A_145 = arith.constant 0 : i32
    %dma_wait3A_146 = tpu.memref_slice %arg4[%dma_wait3A_135, %dma_wait3A_136, %add3A, %dma_wait3A_144, %dma_wait3A_145] : memref<200x8x32x8x128xf32, #tpu.memory_space<hbm>> -> memref<1x1x1x8x128xf32, #tpu.memory_space<hbm>>
    %dma_wait3A_147 = tpu.memref_squeeze %dma_wait3A_146 : memref<1x1x1x8x128xf32, #tpu.memory_space<hbm>> -> memref<8x128xf32, #tpu.memory_space<hbm>>
    %dma_wait3A_148 = arith.constant 16 : i32
    %dma_wait3A_149 = arith.constant 0 : i32
    %dma_wait3A_150 = tpu.memref_slice %arg10[%dma_wait3A_148, %dma_wait3A_149] : memref<64x129xf32, #tpu.memory_space<vmem>> -> memref<8x128xf32, #tpu.memory_space<vmem>>
    tpu.wait_dma2 semaphore(%arg14 : memref<!tpu.dma_semaphore, #tpu.memory_space<semaphore_mem>>) src(%dma_wait3A_150 : memref<8x128xf32, #tpu.memory_space<vmem>>) dst(%dma_wait3A_147 : memref<8x128xf32, #tpu.memory_space<hbm>>)
    %dma_wait3A_151 = arith.constant 198 : i32
    %dma_wait3A_152 = arith.constant 3 : i32
    %dma_wait3A_153 = arith.constant 24 : i32
    %dma_wait3A_154 = arith.constant 0 : i32
    %dma_wait3A_155 = tpu.memref_slice %arg10[%dma_wait3A_153, %dma_wait3A_154] : memref<64x129xf32, #tpu.memory_space<vmem>> -> memref<8x128xf32, #tpu.memory_space<vmem>>
    %dma_wait3A_156 = arith.constant 0 : i32
    %dma_wait3A_157 = arith.constant 0 : i32
    %dma_wait3A_158 = tpu.memref_slice %arg4[%dma_wait3A_151, %dma_wait3A_152, %add3A, %dma_wait3A_156, %dma_wait3A_157] : memref<200x8x32x8x128xf32, #tpu.memory_space<hbm>> -> memref<1x1x1x8x128xf32, #tpu.memory_space<hbm>>
    %dma_wait3A_159 = tpu.memref_squeeze %dma_wait3A_158 : memref<1x1x1x8x128xf32, #tpu.memory_space<hbm>> -> memref<8x128xf32, #tpu.memory_space<hbm>>
    %dma_wait3A_160 = arith.constant 0 : i32
    %dma_wait3A_161 = arith.constant 0 : i32
    %dma_wait3A_162 = tpu.memref_slice %arg4[%dma_wait3A_151, %dma_wait3A_152, %add3A, %dma_wait3A_160, %dma_wait3A_161] : memref<200x8x32x8x128xf32, #tpu.memory_space<hbm>> -> memref<1x1x1x8x128xf32, #tpu.memory_space<hbm>>
    %dma_wait3A_163 = tpu.memref_squeeze %dma_wait3A_162 : memref<1x1x1x8x128xf32, #tpu.memory_space<hbm>> -> memref<8x128xf32, #tpu.memory_space<hbm>>
    %dma_wait3A_164 = arith.constant 24 : i32
    %dma_wait3A_165 = arith.constant 0 : i32
    %dma_wait3A_166 = tpu.memref_slice %arg10[%dma_wait3A_164, %dma_wait3A_165] : memref<64x129xf32, #tpu.memory_space<vmem>> -> memref<8x128xf32, #tpu.memory_space<vmem>>
    tpu.wait_dma2 semaphore(%arg14 : memref<!tpu.dma_semaphore, #tpu.memory_space<semaphore_mem>>) src(%dma_wait3A_166 : memref<8x128xf32, #tpu.memory_space<vmem>>) dst(%dma_wait3A_163 : memref<8x128xf32, #tpu.memory_space<hbm>>)
    %dma_wait3A_167 = arith.constant 198 : i32
    %dma_wait3A_168 = arith.constant 4 : i32
    %dma_wait3A_169 = arith.constant 32 : i32
    %dma_wait3A_170 = arith.constant 0 : i32
    %dma_wait3A_171 = tpu.memref_slice %arg10[%dma_wait3A_169, %dma_wait3A_170] : memref<64x129xf32, #tpu.memory_space<vmem>> -> memref<8x128xf32, #tpu.memory_space<vmem>>
    %dma_wait3A_172 = arith.constant 0 : i32
    %dma_wait3A_173 = arith.constant 0 : i32
    %dma_wait3A_174 = tpu.memref_slice %arg4[%dma_wait3A_167, %dma_wait3A_168, %add3A, %dma_wait3A_172, %dma_wait3A_173] : memref<200x8x32x8x128xf32, #tpu.memory_space<hbm>> -> memref<1x1x1x8x128xf32, #tpu.memory_space<hbm>>
    %dma_wait3A_175 = tpu.memref_squeeze %dma_wait3A_174 : memref<1x1x1x8x128xf32, #tpu.memory_space<hbm>> -> memref<8x128xf32, #tpu.memory_space<hbm>>
    %dma_wait3A_176 = arith.constant 0 : i32
    %dma_wait3A_177 = arith.constant 0 : i32
    %dma_wait3A_178 = tpu.memref_slice %arg4[%dma_wait3A_167, %dma_wait3A_168, %add3A, %dma_wait3A_176, %dma_wait3A_177] : memref<200x8x32x8x128xf32, #tpu.memory_space<hbm>> -> memref<1x1x1x8x128xf32, #tpu.memory_space<hbm>>
    %dma_wait3A_179 = tpu.memref_squeeze %dma_wait3A_178 : memref<1x1x1x8x128xf32, #tpu.memory_space<hbm>> -> memref<8x128xf32, #tpu.memory_space<hbm>>
    %dma_wait3A_180 = arith.constant 32 : i32
    %dma_wait3A_181 = arith.constant 0 : i32
    %dma_wait3A_182 = tpu.memref_slice %arg10[%dma_wait3A_180, %dma_wait3A_181] : memref<64x129xf32, #tpu.memory_space<vmem>> -> memref<8x128xf32, #tpu.memory_space<vmem>>
    tpu.wait_dma2 semaphore(%arg14 : memref<!tpu.dma_semaphore, #tpu.memory_space<semaphore_mem>>) src(%dma_wait3A_182 : memref<8x128xf32, #tpu.memory_space<vmem>>) dst(%dma_wait3A_179 : memref<8x128xf32, #tpu.memory_space<hbm>>)
    %dma_wait3A_183 = arith.constant 198 : i32
    %dma_wait3A_184 = arith.constant 5 : i32
    %dma_wait3A_185 = arith.constant 40 : i32
    %dma_wait3A_186 = arith.constant 0 : i32
    %dma_wait3A_187 = tpu.memref_slice %arg10[%dma_wait3A_185, %dma_wait3A_186] : memref<64x129xf32, #tpu.memory_space<vmem>> -> memref<8x128xf32, #tpu.memory_space<vmem>>
    %dma_wait3A_188 = arith.constant 0 : i32
    %dma_wait3A_189 = arith.constant 0 : i32
    %dma_wait3A_190 = tpu.memref_slice %arg4[%dma_wait3A_183, %dma_wait3A_184, %add3A, %dma_wait3A_188, %dma_wait3A_189] : memref<200x8x32x8x128xf32, #tpu.memory_space<hbm>> -> memref<1x1x1x8x128xf32, #tpu.memory_space<hbm>>
    %dma_wait3A_191 = tpu.memref_squeeze %dma_wait3A_190 : memref<1x1x1x8x128xf32, #tpu.memory_space<hbm>> -> memref<8x128xf32, #tpu.memory_space<hbm>>
    %dma_wait3A_192 = arith.constant 0 : i32
    %dma_wait3A_193 = arith.constant 0 : i32
    %dma_wait3A_194 = tpu.memref_slice %arg4[%dma_wait3A_183, %dma_wait3A_184, %add3A, %dma_wait3A_192, %dma_wait3A_193] : memref<200x8x32x8x128xf32, #tpu.memory_space<hbm>> -> memref<1x1x1x8x128xf32, #tpu.memory_space<hbm>>
    %dma_wait3A_195 = tpu.memref_squeeze %dma_wait3A_194 : memref<1x1x1x8x128xf32, #tpu.memory_space<hbm>> -> memref<8x128xf32, #tpu.memory_space<hbm>>
    %dma_wait3A_196 = arith.constant 40 : i32
    %dma_wait3A_197 = arith.constant 0 : i32
    %dma_wait3A_198 = tpu.memref_slice %arg10[%dma_wait3A_196, %dma_wait3A_197] : memref<64x129xf32, #tpu.memory_space<vmem>> -> memref<8x128xf32, #tpu.memory_space<vmem>>
    tpu.wait_dma2 semaphore(%arg14 : memref<!tpu.dma_semaphore, #tpu.memory_space<semaphore_mem>>) src(%dma_wait3A_198 : memref<8x128xf32, #tpu.memory_space<vmem>>) dst(%dma_wait3A_195 : memref<8x128xf32, #tpu.memory_space<hbm>>)
    %dma_wait3A_199 = arith.constant 198 : i32
    %dma_wait3A_200 = arith.constant 6 : i32
    %dma_wait3A_201 = arith.constant 48 : i32
    %dma_wait3A_202 = arith.constant 0 : i32
    %dma_wait3A_203 = tpu.memref_slice %arg10[%dma_wait3A_201, %dma_wait3A_202] : memref<64x129xf32, #tpu.memory_space<vmem>> -> memref<8x128xf32, #tpu.memory_space<vmem>>
    %dma_wait3A_204 = arith.constant 0 : i32
    %dma_wait3A_205 = arith.constant 0 : i32
    %dma_wait3A_206 = tpu.memref_slice %arg4[%dma_wait3A_199, %dma_wait3A_200, %add3A, %dma_wait3A_204, %dma_wait3A_205] : memref<200x8x32x8x128xf32, #tpu.memory_space<hbm>> -> memref<1x1x1x8x128xf32, #tpu.memory_space<hbm>>
    %dma_wait3A_207 = tpu.memref_squeeze %dma_wait3A_206 : memref<1x1x1x8x128xf32, #tpu.memory_space<hbm>> -> memref<8x128xf32, #tpu.memory_space<hbm>>
    %dma_wait3A_208 = arith.constant 0 : i32
    %dma_wait3A_209 = arith.constant 0 : i32
    %dma_wait3A_210 = tpu.memref_slice %arg4[%dma_wait3A_199, %dma_wait3A_200, %add3A, %dma_wait3A_208, %dma_wait3A_209] : memref<200x8x32x8x128xf32, #tpu.memory_space<hbm>> -> memref<1x1x1x8x128xf32, #tpu.memory_space<hbm>>
    %dma_wait3A_211 = tpu.memref_squeeze %dma_wait3A_210 : memref<1x1x1x8x128xf32, #tpu.memory_space<hbm>> -> memref<8x128xf32, #tpu.memory_space<hbm>>
    %dma_wait3A_212 = arith.constant 48 : i32
    %dma_wait3A_213 = arith.constant 0 : i32
    %dma_wait3A_214 = tpu.memref_slice %arg10[%dma_wait3A_212, %dma_wait3A_213] : memref<64x129xf32, #tpu.memory_space<vmem>> -> memref<8x128xf32, #tpu.memory_space<vmem>>
    tpu.wait_dma2 semaphore(%arg14 : memref<!tpu.dma_semaphore, #tpu.memory_space<semaphore_mem>>) src(%dma_wait3A_214 : memref<8x128xf32, #tpu.memory_space<vmem>>) dst(%dma_wait3A_211 : memref<8x128xf32, #tpu.memory_space<hbm>>)
    %dma_wait3A_215 = arith.constant 198 : i32
    %dma_wait3A_216 = arith.constant 7 : i32
    %dma_wait3A_217 = arith.constant 56 : i32
    %dma_wait3A_218 = arith.constant 0 : i32
    %dma_wait3A_219 = tpu.memref_slice %arg10[%dma_wait3A_217, %dma_wait3A_218] : memref<64x129xf32, #tpu.memory_space<vmem>> -> memref<8x128xf32, #tpu.memory_space<vmem>>
    %dma_wait3A_220 = arith.constant 0 : i32
    %dma_wait3A_221 = arith.constant 0 : i32
    %dma_wait3A_222 = tpu.memref_slice %arg4[%dma_wait3A_215, %dma_wait3A_216, %add3A, %dma_wait3A_220, %dma_wait3A_221] : memref<200x8x32x8x128xf32, #tpu.memory_space<hbm>> -> memref<1x1x1x8x128xf32, #tpu.memory_space<hbm>>
    %dma_wait3A_223 = tpu.memref_squeeze %dma_wait3A_222 : memref<1x1x1x8x128xf32, #tpu.memory_space<hbm>> -> memref<8x128xf32, #tpu.memory_space<hbm>>
    %dma_wait3A_224 = arith.constant 0 : i32
    %dma_wait3A_225 = arith.constant 0 : i32
    %dma_wait3A_226 = tpu.memref_slice %arg4[%dma_wait3A_215, %dma_wait3A_216, %add3A, %dma_wait3A_224, %dma_wait3A_225] : memref<200x8x32x8x128xf32, #tpu.memory_space<hbm>> -> memref<1x1x1x8x128xf32, #tpu.memory_space<hbm>>
    %dma_wait3A_227 = tpu.memref_squeeze %dma_wait3A_226 : memref<1x1x1x8x128xf32, #tpu.memory_space<hbm>> -> memref<8x128xf32, #tpu.memory_space<hbm>>
    %dma_wait3A_228 = arith.constant 56 : i32
    %dma_wait3A_229 = arith.constant 0 : i32
    %dma_wait3A_230 = tpu.memref_slice %arg10[%dma_wait3A_228, %dma_wait3A_229] : memref<64x129xf32, #tpu.memory_space<vmem>> -> memref<8x128xf32, #tpu.memory_space<vmem>>
    tpu.wait_dma2 semaphore(%arg14 : memref<!tpu.dma_semaphore, #tpu.memory_space<semaphore_mem>>) src(%dma_wait3A_230 : memref<8x128xf32, #tpu.memory_space<vmem>>) dst(%dma_wait3A_227 : memref<8x128xf32, #tpu.memory_space<hbm>>)
    %dma_wait3A_231 = arith.constant 199 : i32
    %dma_wait3A_232 = arith.constant 0 : i32
    %dma_wait3A_233 = arith.constant 0 : i32
    %dma_wait3A_234 = arith.constant 0 : i32
    %dma_wait3A_235 = tpu.memref_slice %arg11[%dma_wait3A_233, %dma_wait3A_234] : memref<64x129xf32, #tpu.memory_space<vmem>> -> memref<8x128xf32, #tpu.memory_space<vmem>>
    %dma_wait3A_236 = arith.constant 0 : i32
    %dma_wait3A_237 = arith.constant 0 : i32
    %dma_wait3A_238 = tpu.memref_slice %arg4[%dma_wait3A_231, %dma_wait3A_232, %add3A, %dma_wait3A_236, %dma_wait3A_237] : memref<200x8x32x8x128xf32, #tpu.memory_space<hbm>> -> memref<1x1x1x8x128xf32, #tpu.memory_space<hbm>>
    %dma_wait3A_239 = tpu.memref_squeeze %dma_wait3A_238 : memref<1x1x1x8x128xf32, #tpu.memory_space<hbm>> -> memref<8x128xf32, #tpu.memory_space<hbm>>
    %dma_wait3A_240 = arith.constant 0 : i32
    %dma_wait3A_241 = arith.constant 0 : i32
    %dma_wait3A_242 = tpu.memref_slice %arg4[%dma_wait3A_231, %dma_wait3A_232, %add3A, %dma_wait3A_240, %dma_wait3A_241] : memref<200x8x32x8x128xf32, #tpu.memory_space<hbm>> -> memref<1x1x1x8x128xf32, #tpu.memory_space<hbm>>
    %dma_wait3A_243 = tpu.memref_squeeze %dma_wait3A_242 : memref<1x1x1x8x128xf32, #tpu.memory_space<hbm>> -> memref<8x128xf32, #tpu.memory_space<hbm>>
    %dma_wait3A_244 = arith.constant 0 : i32
    %dma_wait3A_245 = arith.constant 0 : i32
    %dma_wait3A_246 = tpu.memref_slice %arg11[%dma_wait3A_244, %dma_wait3A_245] : memref<64x129xf32, #tpu.memory_space<vmem>> -> memref<8x128xf32, #tpu.memory_space<vmem>>
    tpu.wait_dma2 semaphore(%arg15 : memref<!tpu.dma_semaphore, #tpu.memory_space<semaphore_mem>>) src(%dma_wait3A_246 : memref<8x128xf32, #tpu.memory_space<vmem>>) dst(%dma_wait3A_243 : memref<8x128xf32, #tpu.memory_space<hbm>>)
    %dma_wait3A_247 = arith.constant 199 : i32
    %dma_wait3A_248 = arith.constant 1 : i32
    %dma_wait3A_249 = arith.constant 8 : i32
    %dma_wait3A_250 = arith.constant 0 : i32
    %dma_wait3A_251 = tpu.memref_slice %arg11[%dma_wait3A_249, %dma_wait3A_250] : memref<64x129xf32, #tpu.memory_space<vmem>> -> memref<8x128xf32, #tpu.memory_space<vmem>>
    %dma_wait3A_252 = arith.constant 0 : i32
    %dma_wait3A_253 = arith.constant 0 : i32
    %dma_wait3A_254 = tpu.memref_slice %arg4[%dma_wait3A_247, %dma_wait3A_248, %add3A, %dma_wait3A_252, %dma_wait3A_253] : memref<200x8x32x8x128xf32, #tpu.memory_space<hbm>> -> memref<1x1x1x8x128xf32, #tpu.memory_space<hbm>>
    %dma_wait3A_255 = tpu.memref_squeeze %dma_wait3A_254 : memref<1x1x1x8x128xf32, #tpu.memory_space<hbm>> -> memref<8x128xf32, #tpu.memory_space<hbm>>
    %dma_wait3A_256 = arith.constant 0 : i32
    %dma_wait3A_257 = arith.constant 0 : i32
    %dma_wait3A_258 = tpu.memref_slice %arg4[%dma_wait3A_247, %dma_wait3A_248, %add3A, %dma_wait3A_256, %dma_wait3A_257] : memref<200x8x32x8x128xf32, #tpu.memory_space<hbm>> -> memref<1x1x1x8x128xf32, #tpu.memory_space<hbm>>
    %dma_wait3A_259 = tpu.memref_squeeze %dma_wait3A_258 : memref<1x1x1x8x128xf32, #tpu.memory_space<hbm>> -> memref<8x128xf32, #tpu.memory_space<hbm>>
    %dma_wait3A_260 = arith.constant 8 : i32
    %dma_wait3A_261 = arith.constant 0 : i32
    %dma_wait3A_262 = tpu.memref_slice %arg11[%dma_wait3A_260, %dma_wait3A_261] : memref<64x129xf32, #tpu.memory_space<vmem>> -> memref<8x128xf32, #tpu.memory_space<vmem>>
    tpu.wait_dma2 semaphore(%arg15 : memref<!tpu.dma_semaphore, #tpu.memory_space<semaphore_mem>>) src(%dma_wait3A_262 : memref<8x128xf32, #tpu.memory_space<vmem>>) dst(%dma_wait3A_259 : memref<8x128xf32, #tpu.memory_space<hbm>>)
    %dma_wait3A_263 = arith.constant 199 : i32
    %dma_wait3A_264 = arith.constant 2 : i32
    %dma_wait3A_265 = arith.constant 16 : i32
    %dma_wait3A_266 = arith.constant 0 : i32
    %dma_wait3A_267 = tpu.memref_slice %arg11[%dma_wait3A_265, %dma_wait3A_266] : memref<64x129xf32, #tpu.memory_space<vmem>> -> memref<8x128xf32, #tpu.memory_space<vmem>>
    %dma_wait3A_268 = arith.constant 0 : i32
    %dma_wait3A_269 = arith.constant 0 : i32
    %dma_wait3A_270 = tpu.memref_slice %arg4[%dma_wait3A_263, %dma_wait3A_264, %add3A, %dma_wait3A_268, %dma_wait3A_269] : memref<200x8x32x8x128xf32, #tpu.memory_space<hbm>> -> memref<1x1x1x8x128xf32, #tpu.memory_space<hbm>>
    %dma_wait3A_271 = tpu.memref_squeeze %dma_wait3A_270 : memref<1x1x1x8x128xf32, #tpu.memory_space<hbm>> -> memref<8x128xf32, #tpu.memory_space<hbm>>
    %dma_wait3A_272 = arith.constant 0 : i32
    %dma_wait3A_273 = arith.constant 0 : i32
    %dma_wait3A_274 = tpu.memref_slice %arg4[%dma_wait3A_263, %dma_wait3A_264, %add3A, %dma_wait3A_272, %dma_wait3A_273] : memref<200x8x32x8x128xf32, #tpu.memory_space<hbm>> -> memref<1x1x1x8x128xf32, #tpu.memory_space<hbm>>
    %dma_wait3A_275 = tpu.memref_squeeze %dma_wait3A_274 : memref<1x1x1x8x128xf32, #tpu.memory_space<hbm>> -> memref<8x128xf32, #tpu.memory_space<hbm>>
    %dma_wait3A_276 = arith.constant 16 : i32
    %dma_wait3A_277 = arith.constant 0 : i32
    %dma_wait3A_278 = tpu.memref_slice %arg11[%dma_wait3A_276, %dma_wait3A_277] : memref<64x129xf32, #tpu.memory_space<vmem>> -> memref<8x128xf32, #tpu.memory_space<vmem>>
    tpu.wait_dma2 semaphore(%arg15 : memref<!tpu.dma_semaphore, #tpu.memory_space<semaphore_mem>>) src(%dma_wait3A_278 : memref<8x128xf32, #tpu.memory_space<vmem>>) dst(%dma_wait3A_275 : memref<8x128xf32, #tpu.memory_space<hbm>>)
    %dma_wait3A_279 = arith.constant 199 : i32
    %dma_wait3A_280 = arith.constant 3 : i32
    %dma_wait3A_281 = arith.constant 24 : i32
    %dma_wait3A_282 = arith.constant 0 : i32
    %dma_wait3A_283 = tpu.memref_slice %arg11[%dma_wait3A_281, %dma_wait3A_282] : memref<64x129xf32, #tpu.memory_space<vmem>> -> memref<8x128xf32, #tpu.memory_space<vmem>>
    %dma_wait3A_284 = arith.constant 0 : i32
    %dma_wait3A_285 = arith.constant 0 : i32
    %dma_wait3A_286 = tpu.memref_slice %arg4[%dma_wait3A_279, %dma_wait3A_280, %add3A, %dma_wait3A_284, %dma_wait3A_285] : memref<200x8x32x8x128xf32, #tpu.memory_space<hbm>> -> memref<1x1x1x8x128xf32, #tpu.memory_space<hbm>>
    %dma_wait3A_287 = tpu.memref_squeeze %dma_wait3A_286 : memref<1x1x1x8x128xf32, #tpu.memory_space<hbm>> -> memref<8x128xf32, #tpu.memory_space<hbm>>
    %dma_wait3A_288 = arith.constant 0 : i32
    %dma_wait3A_289 = arith.constant 0 : i32
    %dma_wait3A_290 = tpu.memref_slice %arg4[%dma_wait3A_279, %dma_wait3A_280, %add3A, %dma_wait3A_288, %dma_wait3A_289] : memref<200x8x32x8x128xf32, #tpu.memory_space<hbm>> -> memref<1x1x1x8x128xf32, #tpu.memory_space<hbm>>
    %dma_wait3A_291 = tpu.memref_squeeze %dma_wait3A_290 : memref<1x1x1x8x128xf32, #tpu.memory_space<hbm>> -> memref<8x128xf32, #tpu.memory_space<hbm>>
    %dma_wait3A_292 = arith.constant 24 : i32
    %dma_wait3A_293 = arith.constant 0 : i32
    %dma_wait3A_294 = tpu.memref_slice %arg11[%dma_wait3A_292, %dma_wait3A_293] : memref<64x129xf32, #tpu.memory_space<vmem>> -> memref<8x128xf32, #tpu.memory_space<vmem>>
    tpu.wait_dma2 semaphore(%arg15 : memref<!tpu.dma_semaphore, #tpu.memory_space<semaphore_mem>>) src(%dma_wait3A_294 : memref<8x128xf32, #tpu.memory_space<vmem>>) dst(%dma_wait3A_291 : memref<8x128xf32, #tpu.memory_space<hbm>>)
    %dma_wait3A_295 = arith.constant 199 : i32
    %dma_wait3A_296 = arith.constant 4 : i32
    %dma_wait3A_297 = arith.constant 32 : i32
    %dma_wait3A_298 = arith.constant 0 : i32
    %dma_wait3A_299 = tpu.memref_slice %arg11[%dma_wait3A_297, %dma_wait3A_298] : memref<64x129xf32, #tpu.memory_space<vmem>> -> memref<8x128xf32, #tpu.memory_space<vmem>>
    %dma_wait3A_300 = arith.constant 0 : i32
    %dma_wait3A_301 = arith.constant 0 : i32
    %dma_wait3A_302 = tpu.memref_slice %arg4[%dma_wait3A_295, %dma_wait3A_296, %add3A, %dma_wait3A_300, %dma_wait3A_301] : memref<200x8x32x8x128xf32, #tpu.memory_space<hbm>> -> memref<1x1x1x8x128xf32, #tpu.memory_space<hbm>>
    %dma_wait3A_303 = tpu.memref_squeeze %dma_wait3A_302 : memref<1x1x1x8x128xf32, #tpu.memory_space<hbm>> -> memref<8x128xf32, #tpu.memory_space<hbm>>
    %dma_wait3A_304 = arith.constant 0 : i32
    %dma_wait3A_305 = arith.constant 0 : i32
    %dma_wait3A_306 = tpu.memref_slice %arg4[%dma_wait3A_295, %dma_wait3A_296, %add3A, %dma_wait3A_304, %dma_wait3A_305] : memref<200x8x32x8x128xf32, #tpu.memory_space<hbm>> -> memref<1x1x1x8x128xf32, #tpu.memory_space<hbm>>
    %dma_wait3A_307 = tpu.memref_squeeze %dma_wait3A_306 : memref<1x1x1x8x128xf32, #tpu.memory_space<hbm>> -> memref<8x128xf32, #tpu.memory_space<hbm>>
    %dma_wait3A_308 = arith.constant 32 : i32
    %dma_wait3A_309 = arith.constant 0 : i32
    %dma_wait3A_310 = tpu.memref_slice %arg11[%dma_wait3A_308, %dma_wait3A_309] : memref<64x129xf32, #tpu.memory_space<vmem>> -> memref<8x128xf32, #tpu.memory_space<vmem>>
    tpu.wait_dma2 semaphore(%arg15 : memref<!tpu.dma_semaphore, #tpu.memory_space<semaphore_mem>>) src(%dma_wait3A_310 : memref<8x128xf32, #tpu.memory_space<vmem>>) dst(%dma_wait3A_307 : memref<8x128xf32, #tpu.memory_space<hbm>>)
    %dma_wait3A_311 = arith.constant 199 : i32
    %dma_wait3A_312 = arith.constant 5 : i32
    %dma_wait3A_313 = arith.constant 40 : i32
    %dma_wait3A_314 = arith.constant 0 : i32
    %dma_wait3A_315 = tpu.memref_slice %arg11[%dma_wait3A_313, %dma_wait3A_314] : memref<64x129xf32, #tpu.memory_space<vmem>> -> memref<8x128xf32, #tpu.memory_space<vmem>>
    %dma_wait3A_316 = arith.constant 0 : i32
    %dma_wait3A_317 = arith.constant 0 : i32
    %dma_wait3A_318 = tpu.memref_slice %arg4[%dma_wait3A_311, %dma_wait3A_312, %add3A, %dma_wait3A_316, %dma_wait3A_317] : memref<200x8x32x8x128xf32, #tpu.memory_space<hbm>> -> memref<1x1x1x8x128xf32, #tpu.memory_space<hbm>>
    %dma_wait3A_319 = tpu.memref_squeeze %dma_wait3A_318 : memref<1x1x1x8x128xf32, #tpu.memory_space<hbm>> -> memref<8x128xf32, #tpu.memory_space<hbm>>
    %dma_wait3A_320 = arith.constant 0 : i32
    %dma_wait3A_321 = arith.constant 0 : i32
    %dma_wait3A_322 = tpu.memref_slice %arg4[%dma_wait3A_311, %dma_wait3A_312, %add3A, %dma_wait3A_320, %dma_wait3A_321] : memref<200x8x32x8x128xf32, #tpu.memory_space<hbm>> -> memref<1x1x1x8x128xf32, #tpu.memory_space<hbm>>
    %dma_wait3A_323 = tpu.memref_squeeze %dma_wait3A_322 : memref<1x1x1x8x128xf32, #tpu.memory_space<hbm>> -> memref<8x128xf32, #tpu.memory_space<hbm>>
    %dma_wait3A_324 = arith.constant 40 : i32
    %dma_wait3A_325 = arith.constant 0 : i32
    %dma_wait3A_326 = tpu.memref_slice %arg11[%dma_wait3A_324, %dma_wait3A_325] : memref<64x129xf32, #tpu.memory_space<vmem>> -> memref<8x128xf32, #tpu.memory_space<vmem>>
    tpu.wait_dma2 semaphore(%arg15 : memref<!tpu.dma_semaphore, #tpu.memory_space<semaphore_mem>>) src(%dma_wait3A_326 : memref<8x128xf32, #tpu.memory_space<vmem>>) dst(%dma_wait3A_323 : memref<8x128xf32, #tpu.memory_space<hbm>>)
    %dma_wait3A_327 = arith.constant 199 : i32
    %dma_wait3A_328 = arith.constant 6 : i32
    %dma_wait3A_329 = arith.constant 48 : i32
    %dma_wait3A_330 = arith.constant 0 : i32
    %dma_wait3A_331 = tpu.memref_slice %arg11[%dma_wait3A_329, %dma_wait3A_330] : memref<64x129xf32, #tpu.memory_space<vmem>> -> memref<8x128xf32, #tpu.memory_space<vmem>>
    %dma_wait3A_332 = arith.constant 0 : i32
    %dma_wait3A_333 = arith.constant 0 : i32
    %dma_wait3A_334 = tpu.memref_slice %arg4[%dma_wait3A_327, %dma_wait3A_328, %add3A, %dma_wait3A_332, %dma_wait3A_333] : memref<200x8x32x8x128xf32, #tpu.memory_space<hbm>> -> memref<1x1x1x8x128xf32, #tpu.memory_space<hbm>>
    %dma_wait3A_335 = tpu.memref_squeeze %dma_wait3A_334 : memref<1x1x1x8x128xf32, #tpu.memory_space<hbm>> -> memref<8x128xf32, #tpu.memory_space<hbm>>
    %dma_wait3A_336 = arith.constant 0 : i32
    %dma_wait3A_337 = arith.constant 0 : i32
    %dma_wait3A_338 = tpu.memref_slice %arg4[%dma_wait3A_327, %dma_wait3A_328, %add3A, %dma_wait3A_336, %dma_wait3A_337] : memref<200x8x32x8x128xf32, #tpu.memory_space<hbm>> -> memref<1x1x1x8x128xf32, #tpu.memory_space<hbm>>
    %dma_wait3A_339 = tpu.memref_squeeze %dma_wait3A_338 : memref<1x1x1x8x128xf32, #tpu.memory_space<hbm>> -> memref<8x128xf32, #tpu.memory_space<hbm>>
    %dma_wait3A_340 = arith.constant 48 : i32
    %dma_wait3A_341 = arith.constant 0 : i32
    %dma_wait3A_342 = tpu.memref_slice %arg11[%dma_wait3A_340, %dma_wait3A_341] : memref<64x129xf32, #tpu.memory_space<vmem>> -> memref<8x128xf32, #tpu.memory_space<vmem>>
    tpu.wait_dma2 semaphore(%arg15 : memref<!tpu.dma_semaphore, #tpu.memory_space<semaphore_mem>>) src(%dma_wait3A_342 : memref<8x128xf32, #tpu.memory_space<vmem>>) dst(%dma_wait3A_339 : memref<8x128xf32, #tpu.memory_space<hbm>>)
    %dma_wait3A_343 = arith.constant 199 : i32
    %dma_wait3A_344 = arith.constant 7 : i32
    %dma_wait3A_345 = arith.constant 56 : i32
    %dma_wait3A_346 = arith.constant 0 : i32
    %dma_wait3A_347 = tpu.memref_slice %arg11[%dma_wait3A_345, %dma_wait3A_346] : memref<64x129xf32, #tpu.memory_space<vmem>> -> memref<8x128xf32, #tpu.memory_space<vmem>>
    %dma_wait3A_348 = arith.constant 0 : i32
    %dma_wait3A_349 = arith.constant 0 : i32
    %dma_wait3A_350 = tpu.memref_slice %arg4[%dma_wait3A_343, %dma_wait3A_344, %add3A, %dma_wait3A_348, %dma_wait3A_349] : memref<200x8x32x8x128xf32, #tpu.memory_space<hbm>> -> memref<1x1x1x8x128xf32, #tpu.memory_space<hbm>>
    %dma_wait3A_351 = tpu.memref_squeeze %dma_wait3A_350 : memref<1x1x1x8x128xf32, #tpu.memory_space<hbm>> -> memref<8x128xf32, #tpu.memory_space<hbm>>
    %dma_wait3A_352 = arith.constant 0 : i32
    %dma_wait3A_353 = arith.constant 0 : i32
    %dma_wait3A_354 = tpu.memref_slice %arg4[%dma_wait3A_343, %dma_wait3A_344, %add3A, %dma_wait3A_352, %dma_wait3A_353] : memref<200x8x32x8x128xf32, #tpu.memory_space<hbm>> -> memref<1x1x1x8x128xf32, #tpu.memory_space<hbm>>
    %dma_wait3A_355 = tpu.memref_squeeze %dma_wait3A_354 : memref<1x1x1x8x128xf32, #tpu.memory_space<hbm>> -> memref<8x128xf32, #tpu.memory_space<hbm>>
    %dma_wait3A_356 = arith.constant 56 : i32
    %dma_wait3A_357 = arith.constant 0 : i32
    %dma_wait3A_358 = tpu.memref_slice %arg11[%dma_wait3A_356, %dma_wait3A_357] : memref<64x129xf32, #tpu.memory_space<vmem>> -> memref<8x128xf32, #tpu.memory_space<vmem>>
    tpu.wait_dma2 semaphore(%arg15 : memref<!tpu.dma_semaphore, #tpu.memory_space<semaphore_mem>>) src(%dma_wait3A_358 : memref<8x128xf32, #tpu.memory_space<vmem>>) dst(%dma_wait3A_355 : memref<8x128xf32, #tpu.memory_space<hbm>>)
    return
  }
}

</mosaic_0001>

<sc_bundles>
// kernel: _embed.4.cloned.1.call-start
scs
__scs_entry_jumppad:
0x0: {  	(pc) =	sbr.rel $0x88, $3  }
0x1: {  	(tag) =	ssettag $0x0;
	lr =	simm.s32 $0x1  }
0x2: {  	[smem:$0x3F9F] =	sst lr;
	_ =	strace $0xD0000000  }
0x3: {  	_ = 	snop  }
0x4: {  	_ = 	snop  }
0x5: {  	_ = 	snop  }
0x6: {  	_ = 	snop  }
0x7: {  	_ = 	snop  }
__scs_overlays_trampoline_lowered:
0x8: {  	[smem:$0x3FAE] =	sst s0  }
0x9: {  	[smem:$0x3FAF] =	sst s1  }
0xa: {  	[smem:$0x3FB0] =	sst s2  }
0xb: {  	[smem:$0x3FB1] =	sst s3  }
0xc: {  	[smem:$0x3FB2] =	sst s4  }
0xd: {  	[smem:$0x3FB3] =	sst s5  }
0xe: {  	[smem:$0x3FB4] =	sst s6  }
0xf: {  	[smem:$0x3FB5] =	sst s7  }
0x10: {  	[smem:$0x3FB6] =	sst s8  }
0x11: {  	[smem:$0x3FB7] =	sst s9;
	s0 =	simm.s32 @!p0 $0x0  }
0x12: {  	s1 =	sld [smem:$0x3F9D];
	s0 =	simm.s32 @p0 $0x1  }
0x13: {  	[smem:$0x3FB8] =	sst s0;
	s0 =	simm.s32 @!p1 $0x0  }
0x14: {  	s2 =	sld [smem:$0x3F9C];
	s0 =	simm.s32 @p1 $0x1  }
0x15: {  	[smem:$0x3FB9] =	sst s0;
	s0 =	simm.s32 @!p2 $0x0  }
0x16: {  	s3 =	sld [smem:$0x3FDB];
	s0 =	simm.s32 @p2 $0x1  }
0x17: {  	s4 =	simm.s32 $0x1BF5;
	[smem:$0x3FBB] =	sst s0  }
0x18: {  	s0 =	sld [smem:$0x3F9E];
	_ =	swait.ge [sflag:s4], $0x0  }
0x19: {  	s7 =	sld [smem:$0x3F9F]  }
0x1a: {  	s8 =	sadd.s32 $0xFFFFE003, lr  }
0x1b: {  	s9 =	sadd.s32 $0xFFFFFEF7, lr;
	s5 =	simm.s32 $0xFFFFFFFF;
	p2 =	slt.u32 s8, $0xFFFFF086  }
0x1c: {  	p1 =	slt.u32 s9, $0xF7A;
	s5 =	simm.s32 @!p2 $0x0  }
0x1d: {  	s5 =	simm.s32 @p1 $0x1;
	p0 =	seq.s32 s7, s2  }
0x1e: {  	s7 =	smul.u32 @!p0 $0xF7A, s2;
	p2 =	seq.s32 @!p0 s5, $0x0  }
0x1f: {  	s9 =	smul.u32 $0xF7A, s1;
	s8 =	simm.s32 @!p0 $0x1BF5;
	p2 =	por !p2, p0  }
0x20: {  	[sflag:s8] =	ssyncset.s32 @!p0 $0xFFFFF086;
	s6 =	sadd.s32 @!p0 s3, s7;
	s7 =	simm.s32 @!p0 $0x108  }
0x21: {  	s3 =	sadd.s32 s3, s9;
	s6 =	sadd.s32 @!p0 $0x88, s6;
	s7 =	simm.s32 @p2 $0x1082  }
0x22: {  	[simem:s7], [sflag:s8] =	dma.local @!p0 [hbm:s6], $0xF7A  }
0x23: {  	s9 =	sor.u32 $0xD0000000, s2;
	s6 =	simm.s32 $0x108;
	_ =	swait.ge @!p0 [sflag:s8], $0x0  }
0x24: {  	s3 =	sadd.s32 $0x88, s3;
	s6 =	simm.s32 @!p1 $0x1082;
	[sflag:s4] =	ssyncset.s32 $0xFFFFF086  }
0x25: {  	[simem:s6], [sflag:s4] =	dma.local [hbm:s3], $0xF7A  }
0x26: {  	[smem:$0x3F9F] =	sst s1;
	(tag) =	ssettag s2;
	_ =	strace s9  }
0x27: {  	s1 =	sld [smem:$0x3FAF]  }
0x28: {  	s2 =	sld [smem:$0x3FB0]  }
0x29: {  	s4 =	sld [smem:$0x3FB2]  }
0x2a: {  	p0 =	seq.s32 s5, $0x0;
	s5 =	sld [smem:$0x3FB3]  }
0x2b: {  	s6 =	sld [smem:$0x3FB4]  }
0x2c: {  	s7 =	sld [smem:$0x3FB5]  }
0x2d: {  	s3 =	simm.s32 $0x108;
	s8 =	sld [smem:$0x3FB6]  }
0x2e: {  	s3 =	simm.s32 @!p0 $0x1082;
	s9 =	sld [smem:$0x3FB7]  }
0x2f: {  	lr =	sadd.s32 s0, s3;
	s0 =	sld [smem:$0x3FAE]  }
0x30: {  	s3 =	sld [smem:$0x3FB1]  }
0x31: {  	[smem:$0x3FBA] =	sst s10  }
0x32: {  	s10 =	sld [smem:$0x3FB8];
	_ =	sdelay $0x3  }
0x33: {  	p0 =	seq.s32 s10, $0x1;
	s10 =	sld [smem:$0x3FBA];
	_ =	sdelay $0x3  }
0x34: {  	[smem:$0x3FBA] =	sst s10  }
0x35: {  	s10 =	sld [smem:$0x3FB9];
	_ =	sdelay $0x3  }
0x36: {  	p1 =	seq.s32 s10, $0x1;
	s10 =	sld [smem:$0x3FBA];
	_ =	sdelay $0x3  }
0x37: {  	[smem:$0x3FBA] =	sst s10  }
0x38: {  	s10 =	sld [smem:$0x3FBB]  }
0x39: {  	_ = 	snop;
	(pc) =	sbr.ind lr, $3  }
0x3a: {  	_ = 	snop  }
0x3b: {  	_ = 	snop  }
0x3c: {  	p2 =	seq.s32 s10, $0x1;
	s10 =	sld [smem:$0x3FBA]  }
0x3d: {  	_ =	shalt  }
0x3e: {  	_ =	shalt  }
0x3f: {  	_ =	shalt  }
0x40: {  	_ =	shalt  }
0x41: {  	_ =	shalt  }
0x42: {  	_ =	shalt  }
0x43: {  	_ =	shalt  }
0x44: {  	_ =	shalt  }
0x45: {  	_ =	shalt  }
0x46: {  	_ =	shalt  }
0x47: {  	_ =	shalt  }
0x48: {  	_ =	shalt  }
0x49: {  	_ =	shalt  }
0x4a: {  	_ =	shalt  }
0x4b: {  	_ =	shalt  }
0x4c: {  	_ =	shalt  }
0x4d: {  	_ =	shalt  }
0x4e: {  	_ =	shalt  }
0x4f: {  	_ =	shalt  }
0x50: {  	_ =	shalt  }
0x51: {  	_ =	shalt  }
0x52: {  	_ =	shalt  }
0x53: {  	_ =	shalt  }
0x54: {  	_ =	shalt  }
0x55: {  	_ =	shalt  }
0x56: {  	_ =	shalt  }
0x57: {  	_ =	shalt  }
0x58: {  	_ =	shalt  }
0x59: {  	_ =	shalt  }
0x5a: {  	_ =	shalt  }
0x5b: {  	_ =	shalt  }
0x5c: {  	_ =	shalt  }
0x5d: {  	_ =	shalt  }
0x5e: {  	_ =	shalt  }
0x5f: {  	_ =	shalt  }
0x60: {  	_ =	shalt  }
0x61: {  	_ =	shalt  }
0x62: {  	_ =	shalt  }
0x63: {  	_ =	shalt  }
0x64: {  	_ =	shalt  }
0x65: {  	_ =	shalt  }
0x66: {  	_ =	shalt  }
0x67: {  	_ =	shalt  }
0x68: {  	_ =	shalt  }
0x69: {  	_ =	shalt  }
0x6a: {  	_ =	shalt  }
0x6b: {  	_ =	shalt  }
0x6c: {  	_ =	shalt  }
0x6d: {  	_ =	shalt  }
0x6e: {  	_ =	shalt  }
0x6f: {  	_ =	shalt  }
0x70: {  	_ =	shalt  }
0x71: {  	_ =	shalt  }
0x72: {  	_ =	shalt  }
0x73: {  	_ =	shalt  }
0x74: {  	_ =	shalt  }
0x75: {  	_ =	shalt  }
0x76: {  	_ =	shalt  }
0x77: {  	_ =	shalt  }
0x78: {  	_ =	shalt  }
0x79: {  	_ =	shalt  }
0x7a: {  	_ =	shalt  }
0x7b: {  	_ =	shalt  }
0x7c: {  	_ =	shalt  }
0x7d: {  	_ =	shalt  }
0x7e: {  	_ =	shalt  }
0x7f: {  	_ =	shalt  }
0x80: {  	_ =	shalt  }
0x81: {  	_ =	shalt  }
0x82: {  	_ =	shalt  }
0x83: {  	_ =	shalt  }
0x84: {  	_ =	shalt  }
0x85: {  	_ =	shalt  }
0x86: {  	_ =	shalt  }
0x87: {  	_ =	shalt  }
.Lfunc_end0:
.L_simem_size_0:
called_computation_lowered:
.L_overlay_start_0:
0x88: {  	s2 =	sld [smem:$0x3FD9]  }
0x89: {  	s3 =	sld [smem:$0x3FFE];
	_ =	sdelay $0x1  }
0x8a: {  	s1 =	srdreg.scid  }
0x8b: {  	s0 =	sand.u32 $0x1, s1  }
0x8c: {  	s17 =	sshll.u32 s0, $0xA;
	s2 =	sadd.s32 s3, s2  }
0x8d: {  	s2 =	sadd.s32 s2, s17  }
0x8e: {  	[smem:$0x3FC6] =	sst s2  }
0x8f: {  	_ = 	snop  }
0x90: {  	s2 =	sld [smem:$0x3FC8];
	(tm) =	ssettm $0x1  }
0x91: {  	s18 =	sld [smem:$0x3FFB];
	_ =	sdelay $0x3  }
0x92: {  	_ =	strace s18  }
0x93: {  	s3 =	sld [smem:$0x3FFC];
	_ =	sdelay $0x3  }
0x94: {  	_ =	strace s3  }
0x95: {  	s3 =	sld [smem:$0x3FFD];
	_ =	sdelay $0x3  }
0x96: {  	_ =	strace s3  }
0x97: {  	_ =	strace $0x8FFFFFFF  }
0x98: {  	s19 =	sld [smem:$0x3FDB];
	_ =	sdelay $0x1  }
0x99: {  	s4 =	simm.s32 $_scs_section_size  }
0x9a: {  	s5 =	simm.s32 $_size__tile_overlayer_lowered;
	s6 =	simm.s32 $_tile_overlayer_lowered  }
0x9b: {  	s22 =	simm.s32 $0x1BFF;
	s21 =	sshll.u32 s6, $0x1;
	s3 =	sadd.s32 s4, s19  }
0x9c: {  	s7 =	simm.s32 $0x0;
	s20 =	sshll.u32 s5, $0x1;
	s5 =	sadd.s32 s21, s3  }
0x9d: {  	[timem:s7], [sflag:s22] =	dma.local [hbm:s5], s20  }
0x9e: {  	_ =	swait.ge [sflag:s22], s20  }
0x9f: {  	s4 =	ssub.s32 $0x0, s20;
	[sflag:s22] =	ssyncset.done $0x0  }
0xa0: {  	[sflag:s22] =	ssyncadd.s32 s4;
	_ =	sdelay $0x1  }
0xa1: {  	s23 =	simm.s32 $0x1B8B  }
0xa2: {  	_ =	swait.ge [sflag:s23], $0x1  }
0xa3: {  	[sflag:s23] =	ssyncset.done $0x0  }
0xa4: {  	s25 =	simm.s32 $0x1B8E;
	s24 =	sld [smem:$0x3FFE];
	[sflag:s23] =	ssyncadd.s32 $0xFFFFFFFF  }
0xa5: {  	s26 =	simm.s32 $execute0_lowered;
	[smem:$0x3FD2] =	sst s25  }
0xa6: {  	s5 =	sshll.u32 s26, $0x1;
	_ =	strace $0x80000046;
	[dreg:$0x1] =	wrdreg $0xFFFFFFFF  }
0xa7: {  	s28 =	simm.s32 $_size_execute0_lowered;
	s3 =	sadd.s32 s3, s5;
	[dreg:$0x0] =	wrdreg $0x0  }
0xa8: {  	s5 =	sshll.u32 s28, $0x1;
	[dreg:$0x2] =	wrdreg s3  }
0xa9: {  	[dreg:$0x3] =	wrdreg s5  }
0xaa: {  	[dreg:$0x4] =	wrdreg $0xC0  }
0xab: {  	_ =	task [dreg:s7], $0x5FFFF  }
0xac: {  	[dreg:$0x1] =	wrdreg $0xFFFFFFFF  }
0xad: {  	[dreg:$0x0] =	wrdreg $0x60  }
0xae: {  	[dreg:$0x2] =	wrdreg s2  }
0xaf: {  	[dreg:$0x3] =	wrdreg s24  }
0xb0: {  	[dreg:$0x4] =	wrdreg $0x9  }
0xb1: {  	_ =	task.clear_ibuf [dreg:s7], $0x5FFFF;
	_ =	strace $0x90000046  }
0xb2: {  	s29 =	simm.s32 $0x9;
	_ =	strace $0x80000048  }
0xb3: {  	_ =	swait.ge [sflag:s29], $0x1  }
0xb4: {  	[sflag:s29] =	ssyncadd.s32 $0xFFFFFFFF  }
0xb5: {  	_ =	strace $0x90000048  }
0xb6: {  	_ =	sfence  }
0xb7: {  	s30 =	sld [smem:$0x0];
	_ =	sdelay $0x2  }
0xb8: {  	s31 =	sshll.u32 s1, $0xD;
	s1 =	sshrl.u32 s1, $0x2  }
0xb9: {  	s3 =	sand.u32 $0x4000, s31;
	s1 =	sadd.s32 s1, s30  }
0xba: {  	s0 =	sor.u32 s3, s0;
	s1 =	sshll.u32 s1, $0x11  }
0xbb: {  	s0 =	sor.u32 s1, s0  }
0xbc: {  	s0 =	sadd.s32 $0x8F2B, s0  }
0xbd: {  	[sflag:s0] =	ssyncadd.remote.s32 $0x1  }
0xbe: {  	_ =	sfence.sel $0xFFFF  }
0xbf: {  	[dreg:$0x0] =	wrdreg $0xFFFFFFFF;
	(pc) =	sbr.abs _section_cstart, $3  }
0xc0: {  	[dreg:$0x1] =	wrdreg $0xFFFFFFFF  }
0xc1: {  	_ =	task.clear_ibuf [dreg:s7], $0x2FFFF;
	_ =	strace $0x9FFFFFFF  }
0xc2: {  	(tm) =	ssettm $0x7FFFFFFF  }
0xc3: {  	_ =	shalt  }
tec
execute0_lowered:
.L_overlay_start_1:
0x0: {  	(tag) =	ssettag $0x1  }
0x1: {  	v0 =	vimm.s32 $0xFEDCBA9  }
0x2: {  	v2 =	vimm.s32 $0x87654321;
	v3 =	vimm.s32 $0x98765432;
	v4 =	vimm.s32 $0x210FEDCB  }
0x3: {  	v5 =	vimm.s32 $0xA9876543;
	v15 =	vimm.s32 $0xCBA98765;
	v17 =	vimm.s32 $0x6543210F  }
0x4: {  	v18 =	vimm.s32 $0xEDCBA987;
	v19 =	vimm.s32 $0xFEDCBA98;
	v20 =	vimm.s32 $0x76543210  }
0x5: {  	v1 =	vunpack.c.l.s4.s8 v0;
	v0 =	vlaneseq.u32;
	v3 =	vunpack.c.l.s4.s8 v3  }
0x6: {  	v4 =	vunpack.c.l.s4.s8 v4;
	v17 =	vunpack.c.l.s4.s8 v17;
	v18 =	vunpack.c.l.s4.s8 v18  }
0x7: {  	v19 =	vunpack.c.l.s4.s8 v19;
	v7 =	vunpack.c.0.s8.s32 v1;
	v1 =	vunpack.c.l.s4.s8 v2  }
0x8: {  	v2 =	vimm.s32 $0x10FEDCBA;
	v10 =	vunpack.c.0.s8.s32 v3;
	v11 =	vunpack.c.0.s8.s32 v4  }
0x9: {  	v17 =	vunpack.c.0.s8.s32 v17;
	v18 =	vunpack.c.0.s8.s32 v18;
	v2 =	vunpack.c.l.s4.s8 v2  }
0xa: {  	v19 =	vunpack.c.0.s8.s32 v19;
	v8 =	vunpack.c.0.s8.s32 v1;
	v1 =	vunpack.c.l.s4.s8 v5  }
0xb: {  	v23 =	vcombine.low v18, v17;
	v9 =	vunpack.c.0.s8.s32 v2;
	v2 =	vimm.s32 $0x3210FEDC  }
0xc: {  	v19 =	vand.u32 $0xF, v19;
	v12 =	vunpack.c.0.s8.s32 v1;
	v1 =	vunpack.c.l.s4.s8 v2  }
0xd: {  	v2 =	vimm.s32 $0xBA987654;
	v3 =	vcombine.low v8, v7;
	v63 =	vcombine.low v7, v8  }
0xe: {  	v8 =	vand.u32 $0xF, v23;
	v4 =	vcombine.low v10, v9;
	v2 =	vunpack.c.l.s4.s8 v2  }
0xf: {  	v10 =	vcombine.low v9, v10;
	v5 =	vcombine.low v12, v11;
	v13 =	vunpack.c.0.s8.s32 v1  }
0x10: {  	v1 =	vimm.s32 $0x43210FED;
	v11 =	vcombine.low v11, v12;
	v14 =	vunpack.c.0.s8.s32 v2  }
0x11: {  	s7 =	rddreg [dreg:$0x0];
	s1 =	srdreg.scid;
	v6 =	vunpack.c.l.s4.s8 v1;
	v2 =	vand.u32 $0xF, v4;
	v4 =	vunpack.c.l.s4.s8 v15  }
0x12: {  	s0 =	stileid.u32;
	s5 =	rddreg [dreg:$0x1];
	v9 =	vand.u32 $0xF, v63;
	v1 =	vand.u32 $0xF, v3;
	v10 =	vand.u32 $0xF, v10  }
0x13: {  	s2 =	simm.s32 $0x0;
	s9 =	simm.s32 $0x400;
	s10 =	simm.s32 $0x7A1400;
	v3 =	vand.u32 $0xF, v5;
	v15 =	vunpack.c.0.s8.s32 v6;
	v16 =	vunpack.c.0.s8.s32 v4  }
0x14: {  	s11 =	simm.s32 $0x2000;
	s12 =	simm.s32 $0x1;
	s13 =	simm.s32 $0x4000;
	v4 =	vimm.s32 $0x543210FE;
	v6 =	vimm.s32 $0xDCBA9876;
	v12 =	vcombine.low v13, v14  }
0x15: {  	s14 =	simm.s32 $0x2;
	s15 =	simm.s32 $0x6000;
	s16 =	simm.s32 $0x3;
	v11 =	vand.u32 $0xF, v11;
	v4 =	vunpack.c.l.s4.s8 v4;
	v6 =	vunpack.c.l.s4.s8 v6  }
0x16: {  	s17 =	simm.s32 $0x4;
	s18 =	simm.s32 $0x0;
	s4 =	sand.u32 $0x1, s1;
	v5 =	vcombine.low v14, v13;
	v13 =	vcombine.low v15, v16;
	v12 =	vand.u32 $0xF, v12  }
.Ltmp0:
0x17: {  	s3 =	sshll.u32 s0, $0x1;
	s1 =	rddreg [dreg:$0x2];
	v21 =	vunpack.c.0.s8.s32 v4;
	v22 =	vunpack.c.0.s8.s32 v6;
	v6 =	vunpack.c.l.s4.s8 v20;
	(pc) =	sbr.rel .LBB2_1-.Ltmp0, $4  }
0x18: {  	[smem:$0x7FF] =	sst s2;
	s3 =	sor.u32 s4, s3;
	s6 =	ssub.s32 $0x2, s4;
	v4 =	vand.u32 $0xF, v5;
	v5 =	vcombine.low v16, v15;
	v15 =	vcombine.low v17, v18  }
0x19: {  	s5 =	sadd.s32 $0x800, s5;
	s31 =	sshll.u32 s3, $0x7;
	s8 =	sshrl.u32 s6, $0x1;
	v6 =	vunpack.c.0.s8.s32 v6;
	v62 =	vcombine.low v22, v21;
	v14 =	vcombine.low v21, v22  }
0x1a: {  	_ =	strace $0x80000047;
	s4 =	sadd.s32 s7, s31;
	s8 =	ssub.s32 s6, s8;
	v13 =	vand.u32 $0xF, v13;
	v5 =	vand.u32 $0xF, v5;
	v15 =	vand.u32 $0xF, v15  }
0x1b: {  	s7 =	sadd.s32 $0x2000, s7;
	s6 =	sadd.s32 $0x1000, s4;
	s8 =	smax.u32 s8, $0x1;
	v6 =	vcombine.low v19, v6;
	v7 =	vand.u32 $0xF, v62;
	v14 =	vand.u32 $0xF, v14  }
.LBB2_11:
0x1c: {  	s18 =	sadd.s32 $0x1, s18  }
0x1d: {  	_ =	swait.ge [sflag:s16], $0x2000;
	p0 =	sne.s32 s18, s8  }
.Ltmp1:
0x1e: {  	[sflag:s16] =	ssyncset.done $0x0;
	(pc) =	sbr.rel @!p0 .LBB2_12-.Ltmp1, $4  }
0x1f: {  	[sflag:s16] =	ssyncadd.s32 $0xFFFFE000  }
0x20: {  	_ =	swait.ge [sflag:s17], $0x2000  }
0x21: {  	[sflag:s17] =	ssyncset.done $0x0  }
0x22: {  	[sflag:s17] =	ssyncadd.s32 $0xFFFFE000  }
.LBB2_1:
.Ltmp2:
0x23: {  	(pc) =	sbr.rel .LBB2_2-.Ltmp2, $4  }
0x24: {  	_ = 	snop  }
0x25: {  	[tilespmem:s2], [sflag:$0x1] =	stream.strided.gather [hbm4b:s4+s9], $0x2000, s10, s9, $0x38;
	[tilespmem:$0x8000] =	vst v63  }
0x26: {  	s19 =	simm.s32 $0x0  }
0x27: {  	[tilespmem:s11], [sflag:$0x2] =	stream.strided.gather [hbm4b:s6+s9], $0x2000, s10, s9, $0x38;
	[tilespmem:$0x8000] =	vst v63  }
.LBB2_10:
0x28: {  	s19 =	sadd.s32 $0x1, s19  }
0x29: {  	p0 =	sne.s32 s19, $0x7B  }
.Ltmp3:
0x2a: {  	_ = 	snop;
	(pc) =	sbr.rel @!p0 .LBB2_11-.Ltmp3, $1  }
0x2b: {  	_ =	sdelay $0x3  }
.LBB2_2:
0x2c: {  	s20 =	sshll.u32 s19, $0x6  }
0x2d: {  	s20 =	sor.u32 s3, s20  }
0x2e: {  	p1 =	sgt.u32 s20, $0x1E84  }
.Ltmp4:
0x2f: {  	_ = 	snop;
	(pc) =	sbr.rel @p1 .LBB2_6-.Ltmp4, $2  }
0x30: {  	_ =	sdelay $0x2  }
0x31: {  	p0 =	seq.s32 s19, $0x0  }
0x32: {  	s21 =	simm.s32 $0x0  }
0x33: {  	s22 =	sand.u32 $0x30, s21  }
0x34: {  	s21 =	sand.u32 $0x70, s21;
	v16 =	vor.u32 s22, v0  }
0x35: {  	_ =	swait.ge [sflag:s12], $0x2000;
	v17 =	vor.u32 s21, v0;
	v19 =	vshll.u32 v16, $0x7  }
0x36: {  	[sflag:s12] =	ssyncset.done $0x0;
	v18 =	vor.u32 v17, v19  }
0x37: {  	[sflag:s12] =	ssyncadd.s32 $0xFFFFE000;
	s22 =	simm.s32 @!p0 $0x3  }
0x38: {  	_ =	swait.ge @!p0 [sflag:s22], $0x2000  }
0x39: {  	[sflag:s22] =	ssyncset.done @!p0 $0x0  }
0x3a: {  	v17 =	vshll.u32 v17, $0x6;
	[sflag:s22] =	ssyncadd.s32 @!p0 $0xFFFFE000  }
0x3b: {  	v20 =	vor.u32 s21, v1;
	v17 =	vor.u32 v17, v16;
	v18 =	vld.idx.msk [tilespmem:v18+s2+$0x0], $0xffff  }
0x3c: {  	v21 =	vor.u32 v20, v19;
	_ =	sdelay $0x3  }
0x3d: {  	[tilespmem:v17+s13+$0x0] =	vst.idx.msk $0xffff, v18;
	v17 =	vshll.u32 v20, $0x6  }
0x3e: {  	v20 =	vor.u32 s21, v2;
	v18 =	vld.idx.msk [tilespmem:v21+s2+$0x0], $0xffff;
	v17 =	vor.u32 v17, v16  }
0x3f: {  	v50 =	vor.u32 v20, v19;
	_ =	sdelay $0x3  }
0x40: {  	[tilespmem:v17+s13+$0x0] =	vst.idx.msk $0xffff, v18;
	v17 =	vshll.u32 v20, $0x6  }
0x41: {  	v20 =	vor.u32 s21, v3;
	v18 =	vld.idx.msk [tilespmem:v50+s2+$0x0], $0xffff;
	v17 =	vor.u32 v17, v16  }
0x42: {  	v51 =	vor.u32 v20, v19;
	_ =	sdelay $0x3  }
0x43: {  	[tilespmem:v17+s13+$0x0] =	vst.idx.msk $0xffff, v18;
	v17 =	vshll.u32 v20, $0x6  }
0x44: {  	v20 =	vor.u32 s21, v4;
	v18 =	vld.idx.msk [tilespmem:v51+s2+$0x0], $0xffff;
	v17 =	vor.u32 v17, v16  }
0x45: {  	v52 =	vor.u32 v20, v19;
	_ =	sdelay $0x3  }
0x46: {  	[tilespmem:v17+s13+$0x0] =	vst.idx.msk $0xffff, v18;
	v17 =	vshll.u32 v20, $0x6  }
0x47: {  	v20 =	vor.u32 s21, v5;
	v18 =	vld.idx.msk [tilespmem:v52+s2+$0x0], $0xffff;
	v17 =	vor.u32 v17, v16  }
0x48: {  	v53 =	vor.u32 v20, v19;
	_ =	sdelay $0x3  }
0x49: {  	[tilespmem:v17+s13+$0x0] =	vst.idx.msk $0xffff, v18;
	v17 =	vshll.u32 v20, $0x6  }
0x4a: {  	v20 =	vor.u32 s21, v7;
	v18 =	vld.idx.msk [tilespmem:v53+s2+$0x0], $0xffff;
	v17 =	vor.u32 v17, v16  }
0x4b: {  	v54 =	vor.u32 v20, v19;
	_ =	sdelay $0x3  }
0x4c: {  	[tilespmem:v17+s13+$0x0] =	vst.idx.msk $0xffff, v18;
	v17 =	vshll.u32 v20, $0x6  }
0x4d: {  	v20 =	vor.u32 s21, v8;
	v18 =	vld.idx.msk [tilespmem:v54+s2+$0x0], $0xffff;
	v17 =	vor.u32 v17, v16  }
0x4e: {  	v55 =	vor.u32 v20, v19;
	_ =	sdelay $0x3  }
0x4f: {  	[tilespmem:v17+s13+$0x0] =	vst.idx.msk $0xffff, v18;
	v17 =	vshll.u32 v20, $0x6  }
0x50: {  	v20 =	vor.u32 s21, v6;
	v18 =	vld.idx.msk [tilespmem:v55+s2+$0x0], $0xffff;
	v17 =	vor.u32 v17, v16  }
0x51: {  	v56 =	vor.u32 v20, v19;
	_ =	sdelay $0x3  }
0x52: {  	[tilespmem:v17+s13+$0x0] =	vst.idx.msk $0xffff, v18;
	v17 =	vshll.u32 v20, $0x6  }
0x53: {  	v20 =	vor.u32 s21, v9;
	v18 =	vld.idx.msk [tilespmem:v56+s2+$0x0], $0xffff;
	v17 =	vor.u32 v17, v16  }
0x54: {  	v57 =	vor.u32 v20, v19;
	_ =	sdelay $0x3  }
0x55: {  	[tilespmem:v17+s13+$0x0] =	vst.idx.msk $0xffff, v18;
	v17 =	vshll.u32 v20, $0x6  }
0x56: {  	v20 =	vor.u32 s21, v10;
	v18 =	vld.idx.msk [tilespmem:v57+s2+$0x0], $0xffff;
	v17 =	vor.u32 v17, v16  }
0x57: {  	v58 =	vor.u32 v20, v19;
	_ =	sdelay $0x3  }
0x58: {  	[tilespmem:v17+s13+$0x0] =	vst.idx.msk $0xffff, v18;
	v17 =	vshll.u32 v20, $0x6  }
0x59: {  	v20 =	vor.u32 s21, v11;
	v18 =	vld.idx.msk [tilespmem:v58+s2+$0x0], $0xffff;
	v17 =	vor.u32 v17, v16  }
0x5a: {  	v59 =	vor.u32 v20, v19;
	_ =	sdelay $0x3  }
0x5b: {  	[tilespmem:v17+s13+$0x0] =	vst.idx.msk $0xffff, v18;
	v17 =	vshll.u32 v20, $0x6  }
0x5c: {  	v20 =	vor.u32 s21, v12;
	v18 =	vld.idx.msk [tilespmem:v59+s2+$0x0], $0xffff;
	v17 =	vor.u32 v17, v16  }
0x5d: {  	v60 =	vor.u32 v20, v19;
	_ =	sdelay $0x3  }
0x5e: {  	[tilespmem:v17+s13+$0x0] =	vst.idx.msk $0xffff, v18;
	v17 =	vshll.u32 v20, $0x6  }
0x5f: {  	v20 =	vor.u32 s21, v13;
	v18 =	vld.idx.msk [tilespmem:v60+s2+$0x0], $0xffff;
	v17 =	vor.u32 v17, v16  }
0x60: {  	v61 =	vor.u32 v20, v19;
	_ =	sdelay $0x3  }
0x61: {  	[tilespmem:v17+s13+$0x0] =	vst.idx.msk $0xffff, v18;
	v17 =	vshll.u32 v20, $0x6  }
0x62: {  	v20 =	vor.u32 s21, v14;
	v18 =	vld.idx.msk [tilespmem:v61+s2+$0x0], $0xffff;
	v17 =	vor.u32 v17, v16  }
0x63: {  	v62 =	vor.u32 v20, v19;
	_ =	sdelay $0x3  }
0x64: {  	[tilespmem:v17+s13+$0x0] =	vst.idx.msk $0xffff, v18;
	v17 =	vshll.u32 v20, $0x6  }
0x65: {  	v18 =	vor.u32 s21, v15;
	v20 =	vld.idx.msk [tilespmem:v62+s2+$0x0], $0xffff;
	v63 =	vor.u32 v17, v16  }
0x66: {  	v17 =	vor.u32 v18, v19;
	_ =	sdelay $0x2  }
0x67: {  	s21 =	simm.s32 $0x10  }
0x68: {  	s23 =	simm.s32 $0x8;
	s22 =	simm.s32 $0x4;
	s25 =	sand.u32 $0x30, s21;
	[tilespmem:v63+s13+$0x0] =	vst.idx.msk $0xffff, v20  }
.LBB2_4:
0x69: {  	p1 =	sne.s32 s23, $0x7C;
	s24 =	sand.u32 $0x70, s22;
	v19 =	vor.u32 s25, v0;
	v20 =	vld.idx.msk [tilespmem:v17+s2+$0x0], $0xffff;
	v18 =	vshll.u32 v18, $0x6;
	s22 =	smov.u32 s23  }
0x6a: {  	v21 =	vor.u32 s24, v0;
	v17 =	vshll.u32 v19, $0x7;
	v18 =	vor.u32 v18, v16;
	v16 =	vmovc v19  }
0x6b: {  	v19 =	vor.u32 v21, v17;
	_ =	sdelay $0x3  }
0x6c: {  	[tilespmem:v18+s13+$0x0] =	vst.idx.msk $0xffff, v20  }
0x6d: {  	v18 =	vld.idx.msk [tilespmem:v19+s2+$0x0], $0xffff;
	v19 =	vshll.u32 v21, $0x6  }
0x6e: {  	v20 =	vor.u32 s24, v1;
	v19 =	vor.u32 v19, v16  }
0x6f: {  	v21 =	vor.u32 v20, v17;
	_ =	sdelay $0x3  }
0x70: {  	[tilespmem:v19+s13+$0x0] =	vst.idx.msk $0xffff, v18  }
0x71: {  	v19 =	vshll.u32 v20, $0x6;
	v18 =	vld.idx.msk [tilespmem:v21+s2+$0x0], $0xffff  }
0x72: {  	v20 =	vor.u32 s24, v2;
	v19 =	vor.u32 v19, v16  }
0x73: {  	v21 =	vor.u32 v20, v17;
	_ =	sdelay $0x3  }
0x74: {  	[tilespmem:v19+s13+$0x0] =	vst.idx.msk $0xffff, v18  }
0x75: {  	v19 =	vshll.u32 v20, $0x6;
	v18 =	vld.idx.msk [tilespmem:v21+s2+$0x0], $0xffff  }
0x76: {  	v20 =	vor.u32 s24, v3;
	v19 =	vor.u32 v19, v16  }
0x77: {  	v21 =	vor.u32 v20, v17;
	_ =	sdelay $0x3  }
0x78: {  	[tilespmem:v19+s13+$0x0] =	vst.idx.msk $0xffff, v18  }
0x79: {  	v19 =	vshll.u32 v20, $0x6;
	v18 =	vld.idx.msk [tilespmem:v21+s2+$0x0], $0xffff  }
0x7a: {  	v20 =	vor.u32 s24, v4;
	v19 =	vor.u32 v19, v16  }
0x7b: {  	v21 =	vor.u32 v20, v17;
	_ =	sdelay $0x3  }
0x7c: {  	[tilespmem:v19+s13+$0x0] =	vst.idx.msk $0xffff, v18  }
0x7d: {  	v19 =	vshll.u32 v20, $0x6;
	v18 =	vld.idx.msk [tilespmem:v21+s2+$0x0], $0xffff  }
0x7e: {  	v20 =	vor.u32 s24, v5;
	v19 =	vor.u32 v19, v16  }
0x7f: {  	v21 =	vor.u32 v20, v17;
	_ =	sdelay $0x3  }
0x80: {  	[tilespmem:v19+s13+$0x0] =	vst.idx.msk $0xffff, v18  }
0x81: {  	v19 =	vshll.u32 v20, $0x6;
	v18 =	vld.idx.msk [tilespmem:v21+s2+$0x0], $0xffff  }
0x82: {  	v20 =	vor.u32 s24, v7;
	v19 =	vor.u32 v19, v16  }
0x83: {  	v21 =	vor.u32 v20, v17;
	_ =	sdelay $0x3  }
0x84: {  	[tilespmem:v19+s13+$0x0] =	vst.idx.msk $0xffff, v18  }
0x85: {  	v19 =	vshll.u32 v20, $0x6;
	v18 =	vld.idx.msk [tilespmem:v21+s2+$0x0], $0xffff  }
0x86: {  	v20 =	vor.u32 s24, v8;
	v19 =	vor.u32 v19, v16  }
0x87: {  	v21 =	vor.u32 v20, v17;
	_ =	sdelay $0x3  }
0x88: {  	[tilespmem:v19+s13+$0x0] =	vst.idx.msk $0xffff, v18  }
0x89: {  	v19 =	vshll.u32 v20, $0x6;
	v18 =	vld.idx.msk [tilespmem:v21+s2+$0x0], $0xffff  }
0x8a: {  	v20 =	vor.u32 s24, v6;
	v19 =	vor.u32 v19, v16  }
0x8b: {  	v21 =	vor.u32 v20, v17;
	_ =	sdelay $0x3  }
0x8c: {  	[tilespmem:v19+s13+$0x0] =	vst.idx.msk $0xffff, v18  }
0x8d: {  	v19 =	vshll.u32 v20, $0x6;
	v18 =	vld.idx.msk [tilespmem:v21+s2+$0x0], $0xffff  }
0x8e: {  	v20 =	vor.u32 s24, v9;
	v19 =	vor.u32 v19, v16  }
0x8f: {  	v21 =	vor.u32 v20, v17;
	_ =	sdelay $0x3  }
0x90: {  	[tilespmem:v19+s13+$0x0] =	vst.idx.msk $0xffff, v18  }
0x91: {  	v19 =	vshll.u32 v20, $0x6;
	v18 =	vld.idx.msk [tilespmem:v21+s2+$0x0], $0xffff  }
0x92: {  	v20 =	vor.u32 s24, v10;
	v19 =	vor.u32 v19, v16  }
0x93: {  	v21 =	vor.u32 v20, v17;
	_ =	sdelay $0x3  }
0x94: {  	[tilespmem:v19+s13+$0x0] =	vst.idx.msk $0xffff, v18  }
0x95: {  	v19 =	vshll.u32 v20, $0x6;
	v18 =	vld.idx.msk [tilespmem:v21+s2+$0x0], $0xffff  }
0x96: {  	v20 =	vor.u32 s24, v11;
	v19 =	vor.u32 v19, v16  }
0x97: {  	v21 =	vor.u32 v20, v17;
	_ =	sdelay $0x3  }
0x98: {  	[tilespmem:v19+s13+$0x0] =	vst.idx.msk $0xffff, v18  }
0x99: {  	v19 =	vshll.u32 v20, $0x6;
	v18 =	vld.idx.msk [tilespmem:v21+s2+$0x0], $0xffff  }
0x9a: {  	v20 =	vor.u32 s24, v12;
	v19 =	vor.u32 v19, v16  }
0x9b: {  	v21 =	vor.u32 v20, v17;
	_ =	sdelay $0x3  }
0x9c: {  	[tilespmem:v19+s13+$0x0] =	vst.idx.msk $0xffff, v18  }
0x9d: {  	v19 =	vshll.u32 v20, $0x6;
	v18 =	vld.idx.msk [tilespmem:v21+s2+$0x0], $0xffff  }
0x9e: {  	v20 =	vor.u32 s24, v13;
	v19 =	vor.u32 v19, v16  }
0x9f: {  	v21 =	vor.u32 v20, v17;
	_ =	sdelay $0x3  }
0xa0: {  	[tilespmem:v19+s13+$0x0] =	vst.idx.msk $0xffff, v18  }
0xa1: {  	v19 =	vshll.u32 v20, $0x6;
	v18 =	vld.idx.msk [tilespmem:v21+s2+$0x0], $0xffff  }
0xa2: {  	v20 =	vor.u32 s24, v14;
	v19 =	vor.u32 v19, v16  }
0xa3: {  	v21 =	vor.u32 v20, v17;
	_ =	sdelay $0x3  }
0xa4: {  	[tilespmem:v19+s13+$0x0] =	vst.idx.msk $0xffff, v18  }
0xa5: {  	v18 =	vshll.u32 v20, $0x6;
	v19 =	vld.idx.msk [tilespmem:v21+s2+$0x0], $0xffff  }
0xa6: {  	v20 =	vor.u32 v18, v16;
	v18 =	vor.u32 s24, v15  }
.Ltmp5:
0xa7: {  	v17 =	vor.u32 v18, v17;
	(pc) =	sbr.rel @p1 .LBB2_4-.Ltmp5, $3  }
0xa8: {  	_ =	sdelay $0x1  }
0xa9: {  	s21 =	sadd.s32 $0x10, s21  }
0xaa: {  	s23 =	sadd.s32 $0x4, s23;
	s25 =	sand.u32 $0x30, s21;
	[tilespmem:v20+s13+$0x0] =	vst.idx.msk $0xffff, v19  }
0xab: {  	_ =	sdelay $0x2  }
0xac: {  	s21 =	sand.u32 $0x70, s22;
	v19 =	vor.u32 s25, v0;
	v18 =	vshll.u32 v18, $0x6  }
0xad: {  	v17 =	vld.idx.msk [tilespmem:v17+s2+$0x0], $0xffff;
	v20 =	vor.u32 s21, v0;
	v21 =	vshll.u32 v19, $0x7;
	v16 =	vor.u32 v18, v16  }
0xae: {  	v33 =	vor.u32 v20, v21;
	_ =	sdelay $0x3  }
0xaf: {  	[tilespmem:v16+s13+$0x0] =	vst.idx.msk $0xffff, v17;
	v16 =	vshll.u32 v20, $0x6  }
0xb0: {  	v34 =	vor.u32 s21, v1;
	v17 =	vld.idx.msk [tilespmem:v33+s2+$0x0], $0xffff;
	v16 =	vor.u32 v16, v19  }
0xb1: {  	v35 =	vor.u32 v34, v21;
	_ =	sdelay $0x3  }
0xb2: {  	[tilespmem:v16+s13+$0x0] =	vst.idx.msk $0xffff, v17;
	v16 =	vshll.u32 v34, $0x6  }
0xb3: {  	v36 =	vor.u32 s21, v2;
	v17 =	vld.idx.msk [tilespmem:v35+s2+$0x0], $0xffff;
	v16 =	vor.u32 v16, v19  }
0xb4: {  	v37 =	vor.u32 v36, v21;
	_ =	sdelay $0x3  }
0xb5: {  	[tilespmem:v16+s13+$0x0] =	vst.idx.msk $0xffff, v17;
	v16 =	vshll.u32 v36, $0x6  }
0xb6: {  	v38 =	vor.u32 s21, v3;
	v17 =	vld.idx.msk [tilespmem:v37+s2+$0x0], $0xffff;
	v16 =	vor.u32 v16, v19  }
0xb7: {  	v39 =	vor.u32 v38, v21;
	_ =	sdelay $0x3  }
0xb8: {  	[tilespmem:v16+s13+$0x0] =	vst.idx.msk $0xffff, v17;
	v16 =	vshll.u32 v38, $0x6  }
0xb9: {  	v40 =	vor.u32 s21, v4;
	v17 =	vld.idx.msk [tilespmem:v39+s2+$0x0], $0xffff;
	v16 =	vor.u32 v16, v19  }
0xba: {  	v41 =	vor.u32 v40, v21;
	_ =	sdelay $0x3  }
0xbb: {  	[tilespmem:v16+s13+$0x0] =	vst.idx.msk $0xffff, v17;
	v16 =	vshll.u32 v40, $0x6  }
0xbc: {  	v42 =	vor.u32 s21, v5;
	v17 =	vld.idx.msk [tilespmem:v41+s2+$0x0], $0xffff;
	v16 =	vor.u32 v16, v19  }
0xbd: {  	v43 =	vor.u32 v42, v21;
	_ =	sdelay $0x3  }
0xbe: {  	[tilespmem:v16+s13+$0x0] =	vst.idx.msk $0xffff, v17;
	v16 =	vshll.u32 v42, $0x6  }
0xbf: {  	v44 =	vor.u32 s21, v7;
	v17 =	vld.idx.msk [tilespmem:v43+s2+$0x0], $0xffff;
	v16 =	vor.u32 v16, v19  }
0xc0: {  	v45 =	vor.u32 v44, v21;
	_ =	sdelay $0x3  }
0xc1: {  	[tilespmem:v16+s13+$0x0] =	vst.idx.msk $0xffff, v17;
	v16 =	vshll.u32 v44, $0x6  }
0xc2: {  	v46 =	vor.u32 s21, v8;
	v17 =	vld.idx.msk [tilespmem:v45+s2+$0x0], $0xffff;
	v16 =	vor.u32 v16, v19  }
0xc3: {  	v47 =	vor.u32 v46, v21;
	_ =	sdelay $0x3  }
0xc4: {  	[tilespmem:v16+s13+$0x0] =	vst.idx.msk $0xffff, v17;
	v16 =	vshll.u32 v46, $0x6  }
0xc5: {  	v48 =	vor.u32 s21, v6;
	v17 =	vld.idx.msk [tilespmem:v47+s2+$0x0], $0xffff;
	v16 =	vor.u32 v16, v19  }
0xc6: {  	v49 =	vor.u32 v48, v21;
	_ =	sdelay $0x3  }
0xc7: {  	[tilespmem:v16+s13+$0x0] =	vst.idx.msk $0xffff, v17;
	v16 =	vshll.u32 v48, $0x6  }
0xc8: {  	v50 =	vor.u32 s21, v9;
	v17 =	vld.idx.msk [tilespmem:v49+s2+$0x0], $0xffff;
	v16 =	vor.u32 v16, v19  }
0xc9: {  	v51 =	vor.u32 v50, v21;
	_ =	sdelay $0x3  }
0xca: {  	[tilespmem:v16+s13+$0x0] =	vst.idx.msk $0xffff, v17;
	v16 =	vshll.u32 v50, $0x6  }
0xcb: {  	v52 =	vor.u32 s21, v10;
	v17 =	vld.idx.msk [tilespmem:v51+s2+$0x0], $0xffff;
	v16 =	vor.u32 v16, v19  }
0xcc: {  	v53 =	vor.u32 v52, v21;
	_ =	sdelay $0x3  }
0xcd: {  	[tilespmem:v16+s13+$0x0] =	vst.idx.msk $0xffff, v17;
	v16 =	vshll.u32 v52, $0x6  }
0xce: {  	v54 =	vor.u32 s21, v11;
	v17 =	vld.idx.msk [tilespmem:v53+s2+$0x0], $0xffff;
	v16 =	vor.u32 v16, v19  }
0xcf: {  	v55 =	vor.u32 v54, v21;
	_ =	sdelay $0x3  }
0xd0: {  	[tilespmem:v16+s13+$0x0] =	vst.idx.msk $0xffff, v17;
	v16 =	vshll.u32 v54, $0x6  }
0xd1: {  	v56 =	vor.u32 s21, v12;
	v17 =	vld.idx.msk [tilespmem:v55+s2+$0x0], $0xffff;
	v16 =	vor.u32 v16, v19  }
0xd2: {  	v57 =	vor.u32 v56, v21;
	_ =	sdelay $0x3  }
0xd3: {  	[tilespmem:v16+s13+$0x0] =	vst.idx.msk $0xffff, v17;
	v16 =	vshll.u32 v56, $0x6  }
0xd4: {  	v58 =	vor.u32 s21, v13;
	v17 =	vld.idx.msk [tilespmem:v57+s2+$0x0], $0xffff;
	v16 =	vor.u32 v16, v19  }
0xd5: {  	v59 =	vor.u32 v58, v21;
	_ =	sdelay $0x3  }
0xd6: {  	[tilespmem:v16+s13+$0x0] =	vst.idx.msk $0xffff, v17;
	v16 =	vshll.u32 v58, $0x6  }
0xd7: {  	v60 =	vor.u32 s21, v14;
	v17 =	vld.idx.msk [tilespmem:v59+s2+$0x0], $0xffff;
	v16 =	vor.u32 v16, v19  }
0xd8: {  	v61 =	vor.u32 v60, v21;
	_ =	sdelay $0x3  }
0xd9: {  	[tilespmem:v16+s13+$0x0] =	vst.idx.msk $0xffff, v17;
	v16 =	vshll.u32 v60, $0x6  }
0xda: {  	v62 =	vor.u32 s21, v15;
	v17 =	vld.idx.msk [tilespmem:v61+s2+$0x0], $0xffff;
	v16 =	vor.u32 v16, v19  }
0xdb: {  	v63 =	vor.u32 v62, v21;
	_ =	sdelay $0x3  }
0xdc: {  	[tilespmem:v16+s13+$0x0] =	vst.idx.msk $0xffff, v17;
	v16 =	vshll.u32 v62, $0x6  }
0xdd: {  	v17 =	vld.idx.msk [tilespmem:v63+s2+$0x0], $0xffff;
	v16 =	vor.u32 v16, v19;
	_ =	sdelay $0x3  }
0xde: {  	s31 =	sshll.u32 s20, $0xA  }
0xdf: {  	p1 =	sgt.u32 s20, $0x1E44;
	s21 =	sadd.s32 s5, s31;
	[tilespmem:v16+s13+$0x0] =	vst.idx.msk $0xffff, v17  }
0xe0: {  	[hbm4b:s21+s2] =	stream.linear.scatter [tilespmem:s13], [sflag:$0x3], $0x2000, $0x38;
	[tilespmem:$0x8000] =	vst v63  }
0xe1: {  	s22 =	simm.s32 @!p1 $0x400;
	s21 =	sshll.u32 @!p1 s20, $0x7  }
0xe2: {  	s23 =	simm.s32 @!p1 $0x7A1400;
	s24 =	simm.s32 @!p1 $0x0;
	s21 =	sadd.s32 @!p1 s21, s7  }
0xe3: {  	[tilespmem:s24], [sflag:$0x1] =	stream.strided.gather @!p1 [hbm4b:s21+s22], $0x2000, s23, s22, $0x38;
	[tilespmem:$0x8000] =	vst v63  }
.LBB2_6:
0xe4: {  	s20 =	sor.u32 $0x20, s20  }
0xe5: {  	p1 =	sgt.u32 s20, $0x1E84  }
.Ltmp6:
0xe6: {  	_ = 	snop;
	(pc) =	sbr.rel @p1 .LBB2_10-.Ltmp6, $1  }
0xe7: {  	_ =	sdelay $0x3  }
0xe8: {  	s21 =	simm.s32 $0x0  }
0xe9: {  	s22 =	sand.u32 $0x30, s21  }
0xea: {  	s21 =	sand.u32 $0x70, s21;
	v16 =	vor.u32 s22, v0  }
0xeb: {  	_ =	swait.ge [sflag:s14], $0x2000;
	v17 =	vor.u32 s21, v0;
	v19 =	vshll.u32 v16, $0x7  }
0xec: {  	[sflag:s14] =	ssyncset.done $0x0;
	v18 =	vor.u32 v17, v19  }
0xed: {  	[sflag:s14] =	ssyncadd.s32 $0xFFFFE000;
	s22 =	simm.s32 @!p0 $0x4  }
0xee: {  	_ =	swait.ge @!p0 [sflag:s22], $0x2000  }
0xef: {  	[sflag:s22] =	ssyncset.done @!p0 $0x0  }
0xf0: {  	v17 =	vshll.u32 v17, $0x6;
	[sflag:s22] =	ssyncadd.s32 @!p0 $0xFFFFE000  }
0xf1: {  	v20 =	vor.u32 s21, v1;
	v17 =	vor.u32 v17, v16;
	v18 =	vld.idx.msk [tilespmem:v18+s11+$0x0], $0xffff  }
0xf2: {  	v21 =	vor.u32 v20, v19;
	_ =	sdelay $0x3  }
0xf3: {  	[tilespmem:v17+s15+$0x0] =	vst.idx.msk $0xffff, v18;
	v17 =	vshll.u32 v20, $0x6  }
0xf4: {  	v20 =	vor.u32 s21, v2;
	v18 =	vld.idx.msk [tilespmem:v21+s11+$0x0], $0xffff;
	v17 =	vor.u32 v17, v16  }
0xf5: {  	v50 =	vor.u32 v20, v19;
	_ =	sdelay $0x3  }
0xf6: {  	[tilespmem:v17+s15+$0x0] =	vst.idx.msk $0xffff, v18;
	v17 =	vshll.u32 v20, $0x6  }
0xf7: {  	v20 =	vor.u32 s21, v3;
	v18 =	vld.idx.msk [tilespmem:v50+s11+$0x0], $0xffff;
	v17 =	vor.u32 v17, v16  }
0xf8: {  	v51 =	vor.u32 v20, v19;
	_ =	sdelay $0x3  }
0xf9: {  	[tilespmem:v17+s15+$0x0] =	vst.idx.msk $0xffff, v18;
	v17 =	vshll.u32 v20, $0x6  }
0xfa: {  	v20 =	vor.u32 s21, v4;
	v18 =	vld.idx.msk [tilespmem:v51+s11+$0x0], $0xffff;
	v17 =	vor.u32 v17, v16  }
0xfb: {  	v52 =	vor.u32 v20, v19;
	_ =	sdelay $0x3  }
0xfc: {  	[tilespmem:v17+s15+$0x0] =	vst.idx.msk $0xffff, v18;
	v17 =	vshll.u32 v20, $0x6  }
0xfd: {  	v20 =	vor.u32 s21, v5;
	v18 =	vld.idx.msk [tilespmem:v52+s11+$0x0], $0xffff;
	v17 =	vor.u32 v17, v16  }
0xfe: {  	v53 =	vor.u32 v20, v19;
	_ =	sdelay $0x3  }
0xff: {  	[tilespmem:v17+s15+$0x0] =	vst.idx.msk $0xffff, v18;
	v17 =	vshll.u32 v20, $0x6  }
0x100: {  	v20 =	vor.u32 s21, v7;
	v18 =	vld.idx.msk [tilespmem:v53+s11+$0x0], $0xffff;
	v17 =	vor.u32 v17, v16  }
0x101: {  	v54 =	vor.u32 v20, v19;
	_ =	sdelay $0x3  }
0x102: {  	[tilespmem:v17+s15+$0x0] =	vst.idx.msk $0xffff, v18;
	v17 =	vshll.u32 v20, $0x6  }
0x103: {  	v20 =	vor.u32 s21, v8;
	v18 =	vld.idx.msk [tilespmem:v54+s11+$0x0], $0xffff;
	v17 =	vor.u32 v17, v16  }
0x104: {  	v55 =	vor.u32 v20, v19;
	_ =	sdelay $0x3  }
0x105: {  	[tilespmem:v17+s15+$0x0] =	vst.idx.msk $0xffff, v18;
	v17 =	vshll.u32 v20, $0x6  }
0x106: {  	v20 =	vor.u32 s21, v6;
	v18 =	vld.idx.msk [tilespmem:v55+s11+$0x0], $0xffff;
	v17 =	vor.u32 v17, v16  }
0x107: {  	v56 =	vor.u32 v20, v19;
	_ =	sdelay $0x3  }
0x108: {  	[tilespmem:v17+s15+$0x0] =	vst.idx.msk $0xffff, v18;
	v17 =	vshll.u32 v20, $0x6  }
0x109: {  	v20 =	vor.u32 s21, v9;
	v18 =	vld.idx.msk [tilespmem:v56+s11+$0x0], $0xffff;
	v17 =	vor.u32 v17, v16  }
0x10a: {  	v57 =	vor.u32 v20, v19;
	_ =	sdelay $0x3  }
0x10b: {  	[tilespmem:v17+s15+$0x0] =	vst.idx.msk $0xffff, v18;
	v17 =	vshll.u32 v20, $0x6  }
0x10c: {  	v20 =	vor.u32 s21, v10;
	v18 =	vld.idx.msk [tilespmem:v57+s11+$0x0], $0xffff;
	v17 =	vor.u32 v17, v16  }
0x10d: {  	v58 =	vor.u32 v20, v19;
	_ =	sdelay $0x3  }
0x10e: {  	[tilespmem:v17+s15+$0x0] =	vst.idx.msk $0xffff, v18;
	v17 =	vshll.u32 v20, $0x6  }
0x10f: {  	v20 =	vor.u32 s21, v11;
	v18 =	vld.idx.msk [tilespmem:v58+s11+$0x0], $0xffff;
	v17 =	vor.u32 v17, v16  }
0x110: {  	v59 =	vor.u32 v20, v19;
	_ =	sdelay $0x3  }
0x111: {  	[tilespmem:v17+s15+$0x0] =	vst.idx.msk $0xffff, v18;
	v17 =	vshll.u32 v20, $0x6  }
0x112: {  	v20 =	vor.u32 s21, v12;
	v18 =	vld.idx.msk [tilespmem:v59+s11+$0x0], $0xffff;
	v17 =	vor.u32 v17, v16  }
0x113: {  	v60 =	vor.u32 v20, v19;
	_ =	sdelay $0x3  }
0x114: {  	[tilespmem:v17+s15+$0x0] =	vst.idx.msk $0xffff, v18;
	v17 =	vshll.u32 v20, $0x6  }
0x115: {  	v20 =	vor.u32 s21, v13;
	v18 =	vld.idx.msk [tilespmem:v60+s11+$0x0], $0xffff;
	v17 =	vor.u32 v17, v16  }
0x116: {  	v61 =	vor.u32 v20, v19;
	_ =	sdelay $0x3  }
0x117: {  	[tilespmem:v17+s15+$0x0] =	vst.idx.msk $0xffff, v18;
	v17 =	vshll.u32 v20, $0x6  }
0x118: {  	v20 =	vor.u32 s21, v14;
	v18 =	vld.idx.msk [tilespmem:v61+s11+$0x0], $0xffff;
	v17 =	vor.u32 v17, v16  }
0x119: {  	v62 =	vor.u32 v20, v19;
	_ =	sdelay $0x3  }
0x11a: {  	[tilespmem:v17+s15+$0x0] =	vst.idx.msk $0xffff, v18;
	v17 =	vshll.u32 v20, $0x6  }
0x11b: {  	v18 =	vor.u32 s21, v15;
	v20 =	vld.idx.msk [tilespmem:v62+s11+$0x0], $0xffff;
	v63 =	vor.u32 v17, v16  }
0x11c: {  	v17 =	vor.u32 v18, v19;
	_ =	sdelay $0x2  }
0x11d: {  	s21 =	simm.s32 $0x10  }
0x11e: {  	s23 =	simm.s32 $0x8;
	s22 =	simm.s32 $0x4;
	s25 =	sand.u32 $0x30, s21;
	[tilespmem:v63+s15+$0x0] =	vst.idx.msk $0xffff, v20  }
.LBB2_8:
0x11f: {  	p0 =	sne.s32 s23, $0x7C;
	s24 =	sand.u32 $0x70, s22;
	v19 =	vor.u32 s25, v0;
	v20 =	vld.idx.msk [tilespmem:v17+s11+$0x0], $0xffff;
	v18 =	vshll.u32 v18, $0x6;
	s22 =	smov.u32 s23  }
0x120: {  	v21 =	vor.u32 s24, v0;
	v17 =	vshll.u32 v19, $0x7;
	v18 =	vor.u32 v18, v16;
	v16 =	vmovc v19  }
0x121: {  	v19 =	vor.u32 v21, v17;
	_ =	sdelay $0x3  }
0x122: {  	[tilespmem:v18+s15+$0x0] =	vst.idx.msk $0xffff, v20  }
0x123: {  	v18 =	vld.idx.msk [tilespmem:v19+s11+$0x0], $0xffff;
	v19 =	vshll.u32 v21, $0x6  }
0x124: {  	v20 =	vor.u32 s24, v1;
	v19 =	vor.u32 v19, v16  }
0x125: {  	v21 =	vor.u32 v20, v17;
	_ =	sdelay $0x3  }
0x126: {  	[tilespmem:v19+s15+$0x0] =	vst.idx.msk $0xffff, v18  }
0x127: {  	v19 =	vshll.u32 v20, $0x6;
	v18 =	vld.idx.msk [tilespmem:v21+s11+$0x0], $0xffff  }
0x128: {  	v20 =	vor.u32 s24, v2;
	v19 =	vor.u32 v19, v16  }
0x129: {  	v21 =	vor.u32 v20, v17;
	_ =	sdelay $0x3  }
0x12a: {  	[tilespmem:v19+s15+$0x0] =	vst.idx.msk $0xffff, v18  }
0x12b: {  	v19 =	vshll.u32 v20, $0x6;
	v18 =	vld.idx.msk [tilespmem:v21+s11+$0x0], $0xffff  }
0x12c: {  	v20 =	vor.u32 s24, v3;
	v19 =	vor.u32 v19, v16  }
0x12d: {  	v21 =	vor.u32 v20, v17;
	_ =	sdelay $0x3  }
0x12e: {  	[tilespmem:v19+s15+$0x0] =	vst.idx.msk $0xffff, v18  }
0x12f: {  	v19 =	vshll.u32 v20, $0x6;
	v18 =	vld.idx.msk [tilespmem:v21+s11+$0x0], $0xffff  }
0x130: {  	v20 =	vor.u32 s24, v4;
	v19 =	vor.u32 v19, v16  }
0x131: {  	v21 =	vor.u32 v20, v17;
	_ =	sdelay $0x3  }
0x132: {  	[tilespmem:v19+s15+$0x0] =	vst.idx.msk $0xffff, v18  }
0x133: {  	v19 =	vshll.u32 v20, $0x6;
	v18 =	vld.idx.msk [tilespmem:v21+s11+$0x0], $0xffff  }
0x134: {  	v20 =	vor.u32 s24, v5;
	v19 =	vor.u32 v19, v16  }
0x135: {  	v21 =	vor.u32 v20, v17;
	_ =	sdelay $0x3  }
0x136: {  	[tilespmem:v19+s15+$0x0] =	vst.idx.msk $0xffff, v18  }
0x137: {  	v19 =	vshll.u32 v20, $0x6;
	v18 =	vld.idx.msk [tilespmem:v21+s11+$0x0], $0xffff  }
0x138: {  	v20 =	vor.u32 s24, v7;
	v19 =	vor.u32 v19, v16  }
0x139: {  	v21 =	vor.u32 v20, v17;
	_ =	sdelay $0x3  }
0x13a: {  	[tilespmem:v19+s15+$0x0] =	vst.idx.msk $0xffff, v18  }
0x13b: {  	v19 =	vshll.u32 v20, $0x6;
	v18 =	vld.idx.msk [tilespmem:v21+s11+$0x0], $0xffff  }
0x13c: {  	v20 =	vor.u32 s24, v8;
	v19 =	vor.u32 v19, v16  }
0x13d: {  	v21 =	vor.u32 v20, v17;
	_ =	sdelay $0x3  }
0x13e: {  	[tilespmem:v19+s15+$0x0] =	vst.idx.msk $0xffff, v18  }
0x13f: {  	v19 =	vshll.u32 v20, $0x6;
	v18 =	vld.idx.msk [tilespmem:v21+s11+$0x0], $0xffff  }
0x140: {  	v20 =	vor.u32 s24, v6;
	v19 =	vor.u32 v19, v16  }
0x141: {  	v21 =	vor.u32 v20, v17;
	_ =	sdelay $0x3  }
0x142: {  	[tilespmem:v19+s15+$0x0] =	vst.idx.msk $0xffff, v18  }
0x143: {  	v19 =	vshll.u32 v20, $0x6;
	v18 =	vld.idx.msk [tilespmem:v21+s11+$0x0], $0xffff  }
0x144: {  	v20 =	vor.u32 s24, v9;
	v19 =	vor.u32 v19, v16  }
0x145: {  	v21 =	vor.u32 v20, v17;
	_ =	sdelay $0x3  }
0x146: {  	[tilespmem:v19+s15+$0x0] =	vst.idx.msk $0xffff, v18  }
0x147: {  	v19 =	vshll.u32 v20, $0x6;
	v18 =	vld.idx.msk [tilespmem:v21+s11+$0x0], $0xffff  }
0x148: {  	v20 =	vor.u32 s24, v10;
	v19 =	vor.u32 v19, v16  }
0x149: {  	v21 =	vor.u32 v20, v17;
	_ =	sdelay $0x3  }
0x14a: {  	[tilespmem:v19+s15+$0x0] =	vst.idx.msk $0xffff, v18  }
0x14b: {  	v19 =	vshll.u32 v20, $0x6;
	v18 =	vld.idx.msk [tilespmem:v21+s11+$0x0], $0xffff  }
0x14c: {  	v20 =	vor.u32 s24, v11;
	v19 =	vor.u32 v19, v16  }
0x14d: {  	v21 =	vor.u32 v20, v17;
	_ =	sdelay $0x3  }
0x14e: {  	[tilespmem:v19+s15+$0x0] =	vst.idx.msk $0xffff, v18  }
0x14f: {  	v19 =	vshll.u32 v20, $0x6;
	v18 =	vld.idx.msk [tilespmem:v21+s11+$0x0], $0xffff  }
0x150: {  	v20 =	vor.u32 s24, v12;
	v19 =	vor.u32 v19, v16  }
0x151: {  	v21 =	vor.u32 v20, v17;
	_ =	sdelay $0x3  }
0x152: {  	[tilespmem:v19+s15+$0x0] =	vst.idx.msk $0xffff, v18  }
0x153: {  	v19 =	vshll.u32 v20, $0x6;
	v18 =	vld.idx.msk [tilespmem:v21+s11+$0x0], $0xffff  }
0x154: {  	v20 =	vor.u32 s24, v13;
	v19 =	vor.u32 v19, v16  }
0x155: {  	v21 =	vor.u32 v20, v17;
	_ =	sdelay $0x3  }
0x156: {  	[tilespmem:v19+s15+$0x0] =	vst.idx.msk $0xffff, v18  }
0x157: {  	v19 =	vshll.u32 v20, $0x6;
	v18 =	vld.idx.msk [tilespmem:v21+s11+$0x0], $0xffff  }
0x158: {  	v20 =	vor.u32 s24, v14;
	v19 =	vor.u32 v19, v16  }
0x159: {  	v21 =	vor.u32 v20, v17;
	_ =	sdelay $0x3  }
0x15a: {  	[tilespmem:v19+s15+$0x0] =	vst.idx.msk $0xffff, v18  }
0x15b: {  	v18 =	vshll.u32 v20, $0x6;
	v19 =	vld.idx.msk [tilespmem:v21+s11+$0x0], $0xffff  }
0x15c: {  	v20 =	vor.u32 v18, v16;
	v18 =	vor.u32 s24, v15  }
.Ltmp7:
0x15d: {  	v17 =	vor.u32 v18, v17;
	(pc) =	sbr.rel @p0 .LBB2_8-.Ltmp7, $3  }
0x15e: {  	_ =	sdelay $0x1  }
0x15f: {  	s21 =	sadd.s32 $0x10, s21  }
0x160: {  	s23 =	sadd.s32 $0x4, s23;
	s25 =	sand.u32 $0x30, s21;
	[tilespmem:v20+s15+$0x0] =	vst.idx.msk $0xffff, v19  }
0x161: {  	_ =	sdelay $0x2  }
0x162: {  	s21 =	sand.u32 $0x70, s22;
	v19 =	vor.u32 s25, v0;
	v18 =	vshll.u32 v18, $0x6  }
0x163: {  	v17 =	vld.idx.msk [tilespmem:v17+s11+$0x0], $0xffff;
	v20 =	vor.u32 s21, v0;
	v21 =	vshll.u32 v19, $0x7;
	v16 =	vor.u32 v18, v16  }
0x164: {  	v33 =	vor.u32 v20, v21;
	_ =	sdelay $0x3  }
0x165: {  	[tilespmem:v16+s15+$0x0] =	vst.idx.msk $0xffff, v17;
	v16 =	vshll.u32 v20, $0x6  }
0x166: {  	v34 =	vor.u32 s21, v1;
	v17 =	vld.idx.msk [tilespmem:v33+s11+$0x0], $0xffff;
	v16 =	vor.u32 v16, v19  }
0x167: {  	v35 =	vor.u32 v34, v21;
	_ =	sdelay $0x3  }
0x168: {  	[tilespmem:v16+s15+$0x0] =	vst.idx.msk $0xffff, v17;
	v16 =	vshll.u32 v34, $0x6  }
0x169: {  	v36 =	vor.u32 s21, v2;
	v17 =	vld.idx.msk [tilespmem:v35+s11+$0x0], $0xffff;
	v16 =	vor.u32 v16, v19  }
0x16a: {  	v37 =	vor.u32 v36, v21;
	_ =	sdelay $0x3  }
0x16b: {  	[tilespmem:v16+s15+$0x0] =	vst.idx.msk $0xffff, v17;
	v16 =	vshll.u32 v36, $0x6  }
0x16c: {  	v38 =	vor.u32 s21, v3;
	v17 =	vld.idx.msk [tilespmem:v37+s11+$0x0], $0xffff;
	v16 =	vor.u32 v16, v19  }
0x16d: {  	v39 =	vor.u32 v38, v21;
	_ =	sdelay $0x3  }
0x16e: {  	[tilespmem:v16+s15+$0x0] =	vst.idx.msk $0xffff, v17;
	v16 =	vshll.u32 v38, $0x6  }
0x16f: {  	v40 =	vor.u32 s21, v4;
	v17 =	vld.idx.msk [tilespmem:v39+s11+$0x0], $0xffff;
	v16 =	vor.u32 v16, v19  }
0x170: {  	v41 =	vor.u32 v40, v21;
	_ =	sdelay $0x3  }
0x171: {  	[tilespmem:v16+s15+$0x0] =	vst.idx.msk $0xffff, v17;
	v16 =	vshll.u32 v40, $0x6  }
0x172: {  	v42 =	vor.u32 s21, v5;
	v17 =	vld.idx.msk [tilespmem:v41+s11+$0x0], $0xffff;
	v16 =	vor.u32 v16, v19  }
0x173: {  	v43 =	vor.u32 v42, v21;
	_ =	sdelay $0x3  }
0x174: {  	[tilespmem:v16+s15+$0x0] =	vst.idx.msk $0xffff, v17;
	v16 =	vshll.u32 v42, $0x6  }
0x175: {  	v44 =	vor.u32 s21, v7;
	v17 =	vld.idx.msk [tilespmem:v43+s11+$0x0], $0xffff;
	v16 =	vor.u32 v16, v19  }
0x176: {  	v45 =	vor.u32 v44, v21;
	_ =	sdelay $0x3  }
0x177: {  	[tilespmem:v16+s15+$0x0] =	vst.idx.msk $0xffff, v17;
	v16 =	vshll.u32 v44, $0x6  }
0x178: {  	v46 =	vor.u32 s21, v8;
	v17 =	vld.idx.msk [tilespmem:v45+s11+$0x0], $0xffff;
	v16 =	vor.u32 v16, v19  }
0x179: {  	v47 =	vor.u32 v46, v21;
	_ =	sdelay $0x3  }
0x17a: {  	[tilespmem:v16+s15+$0x0] =	vst.idx.msk $0xffff, v17;
	v16 =	vshll.u32 v46, $0x6  }
0x17b: {  	v48 =	vor.u32 s21, v6;
	v17 =	vld.idx.msk [tilespmem:v47+s11+$0x0], $0xffff;
	v16 =	vor.u32 v16, v19  }
0x17c: {  	v49 =	vor.u32 v48, v21;
	_ =	sdelay $0x3  }
0x17d: {  	[tilespmem:v16+s15+$0x0] =	vst.idx.msk $0xffff, v17;
	v16 =	vshll.u32 v48, $0x6  }
0x17e: {  	v50 =	vor.u32 s21, v9;
	v17 =	vld.idx.msk [tilespmem:v49+s11+$0x0], $0xffff;
	v16 =	vor.u32 v16, v19  }
0x17f: {  	v51 =	vor.u32 v50, v21;
	_ =	sdelay $0x3  }
0x180: {  	[tilespmem:v16+s15+$0x0] =	vst.idx.msk $0xffff, v17;
	v16 =	vshll.u32 v50, $0x6  }
0x181: {  	v52 =	vor.u32 s21, v10;
	v17 =	vld.idx.msk [tilespmem:v51+s11+$0x0], $0xffff;
	v16 =	vor.u32 v16, v19  }
0x182: {  	v53 =	vor.u32 v52, v21;
	_ =	sdelay $0x3  }
0x183: {  	[tilespmem:v16+s15+$0x0] =	vst.idx.msk $0xffff, v17;
	v16 =	vshll.u32 v52, $0x6  }
0x184: {  	v54 =	vor.u32 s21, v11;
	v17 =	vld.idx.msk [tilespmem:v53+s11+$0x0], $0xffff;
	v16 =	vor.u32 v16, v19  }
0x185: {  	v55 =	vor.u32 v54, v21;
	_ =	sdelay $0x3  }
0x186: {  	[tilespmem:v16+s15+$0x0] =	vst.idx.msk $0xffff, v17;
	v16 =	vshll.u32 v54, $0x6  }
0x187: {  	v56 =	vor.u32 s21, v12;
	v17 =	vld.idx.msk [tilespmem:v55+s11+$0x0], $0xffff;
	v16 =	vor.u32 v16, v19  }
0x188: {  	v57 =	vor.u32 v56, v21;
	_ =	sdelay $0x3  }
0x189: {  	[tilespmem:v16+s15+$0x0] =	vst.idx.msk $0xffff, v17;
	v16 =	vshll.u32 v56, $0x6  }
0x18a: {  	v58 =	vor.u32 s21, v13;
	v17 =	vld.idx.msk [tilespmem:v57+s11+$0x0], $0xffff;
	v16 =	vor.u32 v16, v19  }
0x18b: {  	v59 =	vor.u32 v58, v21;
	_ =	sdelay $0x3  }
0x18c: {  	[tilespmem:v16+s15+$0x0] =	vst.idx.msk $0xffff, v17;
	v16 =	vshll.u32 v58, $0x6  }
0x18d: {  	v60 =	vor.u32 s21, v14;
	v17 =	vld.idx.msk [tilespmem:v59+s11+$0x0], $0xffff;
	v16 =	vor.u32 v16, v19  }
0x18e: {  	v61 =	vor.u32 v60, v21;
	_ =	sdelay $0x3  }
0x18f: {  	[tilespmem:v16+s15+$0x0] =	vst.idx.msk $0xffff, v17;
	v16 =	vshll.u32 v60, $0x6  }
0x190: {  	v62 =	vor.u32 s21, v15;
	v17 =	vld.idx.msk [tilespmem:v61+s11+$0x0], $0xffff;
	v16 =	vor.u32 v16, v19  }
0x191: {  	v63 =	vor.u32 v62, v21;
	_ =	sdelay $0x3  }
0x192: {  	[tilespmem:v16+s15+$0x0] =	vst.idx.msk $0xffff, v17;
	v16 =	vshll.u32 v62, $0x6  }
0x193: {  	v17 =	vld.idx.msk [tilespmem:v63+s11+$0x0], $0xffff;
	v16 =	vor.u32 v16, v19;
	_ =	sdelay $0x3  }
.Ltmp8:
0x194: {  	s31 =	sshll.u32 s20, $0xA;
	p0 =	sgt.u32 s20, $0x1E44;
	(pc) =	sbr.rel .LBB2_10-.Ltmp8, $4  }
0x195: {  	s21 =	sadd.s32 s5, s31;
	s20 =	sshll.u32 @!p0 s20, $0x7;
	s22 =	simm.s32 @!p0 $0x7A1400;
	[tilespmem:v16+s15+$0x0] =	vst.idx.msk $0xffff, v17  }
0x196: {  	[hbm4b:s21+s2] =	stream.linear.scatter [tilespmem:s15], [sflag:$0x4], $0x2000, $0x38;
	[tilespmem:$0x8000] =	vst v63  }
0x197: {  	s23 =	simm.s32 @!p0 $0x2000;
	s20 =	sadd.s32 @!p0 s20, s7;
	s21 =	simm.s32 @!p0 $0x400  }
0x198: {  	[tilespmem:s23], [sflag:$0x2] =	stream.strided.gather @!p0 [hbm4b:s20+s21], $0x2000, s22, s21, $0x38;
	[tilespmem:$0x8000] =	vst v63  }
.LBB2_12:
0x199: {  	_ =	sfence.sel $0x180000  }
0x19a: {  	[bflag:$0x0] =	sbarrier.arrive $0xFFFF  }
0x19b: {  	p0 =	sne.s32 s0, $0x0;
	_ =	strace $0x90000047  }
0x19c: {  	s0 =	sadd.s32 @!p0 $0x100000, s1;
	[bflag:$0x2] =	sbarrier.arrive $0xFFFF  }
0x19d: {  	[sflag:s0] =	ssyncadd.tile.s32 @!p0 $0x1;
	_ =	shalt  }
.Lfunc_end2:
_tile_overlayer_lowered:
.L_overlay_start_2:
0x19e: {  	(tag) =	ssettag $0x2  }
0x19f: {  	s0 =	rddreg [dreg:$0x0];
	s2 =	stileid.u32  }
0x1a0: {  	s1 =	rddreg [dreg:$0x1];
	p0 =	sne.s32 s2, $0x0  }
0x1a1: {  	s3 =	rddreg [dreg:$0x2];
	[bflag:$0x3] =	sbarrier.arrive $0xFFFF;
	s2 =	simm.s32 @!p0 $0x1C05  }
0x1a2: {  	[timem:s3], [sflag:s2] =	dma.local @!p0 [hbm:s0], s1  }
0x1a3: {  	s0 =	simm.s32 @!p0 $0x5  }
0x1a4: {  	_ =	swait.ge @!p0 [sflag:s0], s1  }
0x1a5: {  	s1 =	ssub.s32 @!p0 $0x0, s1;
	[sflag:s0] =	ssyncset.done @!p0 $0x0  }
0x1a6: {  	[sflag:s0] =	ssyncadd.s32 @!p0 s1  }
0x1a7: {  	[bflag:$0x3] =	sbarrier.arrive $0xFFFF  }
0x1a8: {  	_ =	shalt  }

// kernel: _embed.7.cloned.1.call-start
scs
__scs_entry_jumppad:
0x0: {  	(pc) =	sbr.rel $0x88, $3  }
0x1: {  	(tag) =	ssettag $0x0;
	lr =	simm.s32 $0x1  }
0x2: {  	[smem:$0x3F9F] =	sst lr;
	_ =	strace $0xD0000000  }
0x3: {  	_ = 	snop  }
0x4: {  	_ = 	snop  }
0x5: {  	_ = 	snop  }
0x6: {  	_ = 	snop  }
0x7: {  	_ = 	snop  }
__scs_overlays_trampoline_lowered:
0x8: {  	[smem:$0x3FAE] =	sst s0  }
0x9: {  	[smem:$0x3FAF] =	sst s1  }
0xa: {  	[smem:$0x3FB0] =	sst s2  }
0xb: {  	[smem:$0x3FB1] =	sst s3  }
0xc: {  	[smem:$0x3FB2] =	sst s4  }
0xd: {  	[smem:$0x3FB3] =	sst s5  }
0xe: {  	[smem:$0x3FB4] =	sst s6  }
0xf: {  	[smem:$0x3FB5] =	sst s7  }
0x10: {  	[smem:$0x3FB6] =	sst s8  }
0x11: {  	[smem:$0x3FB7] =	sst s9;
	s0 =	simm.s32 @!p0 $0x0  }
0x12: {  	s1 =	sld [smem:$0x3F9D];
	s0 =	simm.s32 @p0 $0x1  }
0x13: {  	[smem:$0x3FB8] =	sst s0;
	s0 =	simm.s32 @!p1 $0x0  }
0x14: {  	s2 =	sld [smem:$0x3F9C];
	s0 =	simm.s32 @p1 $0x1  }
0x15: {  	[smem:$0x3FB9] =	sst s0;
	s0 =	simm.s32 @!p2 $0x0  }
0x16: {  	s3 =	sld [smem:$0x3FDB];
	s0 =	simm.s32 @p2 $0x1  }
0x17: {  	s4 =	simm.s32 $0x1BF5;
	[smem:$0x3FBB] =	sst s0  }
0x18: {  	s0 =	sld [smem:$0x3F9E];
	_ =	swait.ge [sflag:s4], $0x0  }
0x19: {  	s7 =	sld [smem:$0x3F9F]  }
0x1a: {  	s8 =	sadd.s32 $0xFFFFE003, lr  }
0x1b: {  	s9 =	sadd.s32 $0xFFFFFEF7, lr;
	s5 =	simm.s32 $0xFFFFFFFF;
	p2 =	slt.u32 s8, $0xFFFFF086  }
0x1c: {  	p1 =	slt.u32 s9, $0xF7A;
	s5 =	simm.s32 @!p2 $0x0  }
0x1d: {  	s5 =	simm.s32 @p1 $0x1;
	p0 =	seq.s32 s7, s2  }
0x1e: {  	s7 =	smul.u32 @!p0 $0xF7A, s2;
	p2 =	seq.s32 @!p0 s5, $0x0  }
0x1f: {  	s9 =	smul.u32 $0xF7A, s1;
	s8 =	simm.s32 @!p0 $0x1BF5;
	p2 =	por !p2, p0  }
0x20: {  	[sflag:s8] =	ssyncset.s32 @!p0 $0xFFFFF086;
	s6 =	sadd.s32 @!p0 s3, s7;
	s7 =	simm.s32 @!p0 $0x108  }
0x21: {  	s3 =	sadd.s32 s3, s9;
	s6 =	sadd.s32 @!p0 $0x88, s6;
	s7 =	simm.s32 @p2 $0x1082  }
0x22: {  	[simem:s7], [sflag:s8] =	dma.local @!p0 [hbm:s6], $0xF7A  }
0x23: {  	s9 =	sor.u32 $0xD0000000, s2;
	s6 =	simm.s32 $0x108;
	_ =	swait.ge @!p0 [sflag:s8], $0x0  }
0x24: {  	s3 =	sadd.s32 $0x88, s3;
	s6 =	simm.s32 @!p1 $0x1082;
	[sflag:s4] =	ssyncset.s32 $0xFFFFF086  }
0x25: {  	[simem:s6], [sflag:s4] =	dma.local [hbm:s3], $0xF7A  }
0x26: {  	[smem:$0x3F9F] =	sst s1;
	(tag) =	ssettag s2;
	_ =	strace s9  }
0x27: {  	s1 =	sld [smem:$0x3FAF]  }
0x28: {  	s2 =	sld [smem:$0x3FB0]  }
0x29: {  	s4 =	sld [smem:$0x3FB2]  }
0x2a: {  	p0 =	seq.s32 s5, $0x0;
	s5 =	sld [smem:$0x3FB3]  }
0x2b: {  	s6 =	sld [smem:$0x3FB4]  }
0x2c: {  	s7 =	sld [smem:$0x3FB5]  }
0x2d: {  	s3 =	simm.s32 $0x108;
	s8 =	sld [smem:$0x3FB6]  }
0x2e: {  	s3 =	simm.s32 @!p0 $0x1082;
	s9 =	sld [smem:$0x3FB7]  }
0x2f: {  	lr =	sadd.s32 s0, s3;
	s0 =	sld [smem:$0x3FAE]  }
0x30: {  	s3 =	sld [smem:$0x3FB1]  }
0x31: {  	[smem:$0x3FBA] =	sst s10  }
0x32: {  	s10 =	sld [smem:$0x3FB8];
	_ =	sdelay $0x3  }
0x33: {  	p0 =	seq.s32 s10, $0x1;
	s10 =	sld [smem:$0x3FBA];
	_ =	sdelay $0x3  }
0x34: {  	[smem:$0x3FBA] =	sst s10  }
0x35: {  	s10 =	sld [smem:$0x3FB9];
	_ =	sdelay $0x3  }
0x36: {  	p1 =	seq.s32 s10, $0x1;
	s10 =	sld [smem:$0x3FBA];
	_ =	sdelay $0x3  }
0x37: {  	[smem:$0x3FBA] =	sst s10  }
0x38: {  	s10 =	sld [smem:$0x3FBB]  }
0x39: {  	_ = 	snop;
	(pc) =	sbr.ind lr, $3  }
0x3a: {  	_ = 	snop  }
0x3b: {  	_ = 	snop  }
0x3c: {  	p2 =	seq.s32 s10, $0x1;
	s10 =	sld [smem:$0x3FBA]  }
0x3d: {  	_ =	shalt  }
0x3e: {  	_ =	shalt  }
0x3f: {  	_ =	shalt  }
0x40: {  	_ =	shalt  }
0x41: {  	_ =	shalt  }
0x42: {  	_ =	shalt  }
0x43: {  	_ =	shalt  }
0x44: {  	_ =	shalt  }
0x45: {  	_ =	shalt  }
0x46: {  	_ =	shalt  }
0x47: {  	_ =	shalt  }
0x48: {  	_ =	shalt  }
0x49: {  	_ =	shalt  }
0x4a: {  	_ =	shalt  }
0x4b: {  	_ =	shalt  }
0x4c: {  	_ =	shalt  }
0x4d: {  	_ =	shalt  }
0x4e: {  	_ =	shalt  }
0x4f: {  	_ =	shalt  }
0x50: {  	_ =	shalt  }
0x51: {  	_ =	shalt  }
0x52: {  	_ =	shalt  }
0x53: {  	_ =	shalt  }
0x54: {  	_ =	shalt  }
0x55: {  	_ =	shalt  }
0x56: {  	_ =	shalt  }
0x57: {  	_ =	shalt  }
0x58: {  	_ =	shalt  }
0x59: {  	_ =	shalt  }
0x5a: {  	_ =	shalt  }
0x5b: {  	_ =	shalt  }
0x5c: {  	_ =	shalt  }
0x5d: {  	_ =	shalt  }
0x5e: {  	_ =	shalt  }
0x5f: {  	_ =	shalt  }
0x60: {  	_ =	shalt  }
0x61: {  	_ =	shalt  }
0x62: {  	_ =	shalt  }
0x63: {  	_ =	shalt  }
0x64: {  	_ =	shalt  }
0x65: {  	_ =	shalt  }
0x66: {  	_ =	shalt  }
0x67: {  	_ =	shalt  }
0x68: {  	_ =	shalt  }
0x69: {  	_ =	shalt  }
0x6a: {  	_ =	shalt  }
0x6b: {  	_ =	shalt  }
0x6c: {  	_ =	shalt  }
0x6d: {  	_ =	shalt  }
0x6e: {  	_ =	shalt  }
0x6f: {  	_ =	shalt  }
0x70: {  	_ =	shalt  }
0x71: {  	_ =	shalt  }
0x72: {  	_ =	shalt  }
0x73: {  	_ =	shalt  }
0x74: {  	_ =	shalt  }
0x75: {  	_ =	shalt  }
0x76: {  	_ =	shalt  }
0x77: {  	_ =	shalt  }
0x78: {  	_ =	shalt  }
0x79: {  	_ =	shalt  }
0x7a: {  	_ =	shalt  }
0x7b: {  	_ =	shalt  }
0x7c: {  	_ =	shalt  }
0x7d: {  	_ =	shalt  }
0x7e: {  	_ =	shalt  }
0x7f: {  	_ =	shalt  }
0x80: {  	_ =	shalt  }
0x81: {  	_ =	shalt  }
0x82: {  	_ =	shalt  }
0x83: {  	_ =	shalt  }
0x84: {  	_ =	shalt  }
0x85: {  	_ =	shalt  }
0x86: {  	_ =	shalt  }
0x87: {  	_ =	shalt  }
.Lfunc_end0:
.L_simem_size_0:
called_computation.1_lowered:
.L_overlay_start_0:
0x88: {  	s2 =	sld [smem:$0x3FD9]  }
0x89: {  	s3 =	sld [smem:$0x3FFE];
	_ =	sdelay $0x1  }
0x8a: {  	s1 =	srdreg.scid  }
0x8b: {  	s0 =	sand.u32 $0x1, s1  }
0x8c: {  	s17 =	sshll.u32 s0, $0xA;
	s2 =	sadd.s32 s3, s2  }
0x8d: {  	s2 =	sadd.s32 s2, s17  }
0x8e: {  	[smem:$0x3FC6] =	sst s2  }
0x8f: {  	_ = 	snop  }
0x90: {  	s2 =	sld [smem:$0x3FC9]  }
0x91: {  	s18 =	sld [smem:$0x3FD0];
	(tm) =	ssettm $0x1  }
0x92: {  	s4 =	sld [smem:$0x3FFB];
	_ =	sdelay $0x3  }
0x93: {  	_ =	strace s4  }
0x94: {  	s4 =	sld [smem:$0x3FFC];
	_ =	sdelay $0x3  }
0x95: {  	_ =	strace s4  }
0x96: {  	s4 =	sld [smem:$0x3FFD];
	_ =	sdelay $0x3  }
0x97: {  	_ =	strace s4  }
0x98: {  	_ =	strace $0x8FFFFFFF  }
0x99: {  	s19 =	sld [smem:$0x3FDB];
	_ =	sdelay $0x1  }
0x9a: {  	s5 =	simm.s32 $_scs_section_size  }
0x9b: {  	s6 =	simm.s32 $_size__tile_overlayer_lowered;
	s7 =	simm.s32 $_tile_overlayer_lowered  }
0x9c: {  	s22 =	simm.s32 $0x1BFF;
	s21 =	sshll.u32 s7, $0x1;
	s4 =	sadd.s32 s5, s19  }
0x9d: {  	s8 =	simm.s32 $0x0;
	s20 =	sshll.u32 s6, $0x1;
	s6 =	sadd.s32 s21, s4  }
0x9e: {  	[timem:s8], [sflag:s22] =	dma.local [hbm:s6], s20  }
0x9f: {  	_ =	swait.ge [sflag:s22], s20  }
0xa0: {  	s5 =	ssub.s32 $0x0, s20;
	[sflag:s22] =	ssyncset.done $0x0  }
0xa1: {  	[sflag:s22] =	ssyncadd.s32 s5;
	_ =	sdelay $0x1  }
0xa2: {  	s23 =	simm.s32 $0x1B8B  }
0xa3: {  	_ =	swait.ge [sflag:s23], $0x1  }
0xa4: {  	[sflag:s23] =	ssyncset.done $0x0  }
0xa5: {  	s25 =	simm.s32 $0x1B8E;
	s24 =	sld [smem:$0x3FFE];
	[sflag:s23] =	ssyncadd.s32 $0xFFFFFFFF  }
0xa6: {  	s26 =	simm.s32 $execute0_lowered;
	[smem:$0x3FD2] =	sst s25  }
0xa7: {  	s6 =	sshll.u32 s26, $0x1;
	_ =	strace $0x80000049;
	[dreg:$0x1] =	wrdreg $0xFFFFFFFF  }
0xa8: {  	s28 =	simm.s32 $_size_execute0_lowered;
	s4 =	sadd.s32 s4, s6;
	[dreg:$0x0] =	wrdreg $0x0  }
0xa9: {  	s6 =	sshll.u32 s28, $0x1;
	[dreg:$0x2] =	wrdreg s4  }
0xaa: {  	[dreg:$0x3] =	wrdreg s6  }
0xab: {  	[dreg:$0x4] =	wrdreg $0xC0  }
0xac: {  	_ =	task [dreg:s8], $0x5FFFF  }
0xad: {  	[dreg:$0x1] =	wrdreg $0xFFFFFFFF  }
0xae: {  	[dreg:$0x0] =	wrdreg $0x60  }
0xaf: {  	[dreg:$0x2] =	wrdreg s2  }
0xb0: {  	[dreg:$0x3] =	wrdreg s24  }
0xb1: {  	[dreg:$0x4] =	wrdreg s18  }
0xb2: {  	[dreg:$0x5] =	wrdreg $0x9  }
0xb3: {  	_ =	task.clear_ibuf [dreg:s8], $0x6FFFF;
	_ =	strace $0x90000049  }
0xb4: {  	s29 =	simm.s32 $0x9;
	_ =	strace $0x8000004B  }
0xb5: {  	_ =	swait.ge [sflag:s29], $0x1  }
0xb6: {  	[sflag:s29] =	ssyncadd.s32 $0xFFFFFFFF  }
0xb7: {  	_ =	strace $0x9000004B  }
0xb8: {  	_ =	sfence  }
0xb9: {  	s30 =	sld [smem:$0x0];
	_ =	sdelay $0x2  }
0xba: {  	s31 =	sshll.u32 s1, $0xD;
	s1 =	sshrl.u32 s1, $0x2  }
0xbb: {  	s3 =	sand.u32 $0x4000, s31;
	s1 =	sadd.s32 s1, s30  }
0xbc: {  	s0 =	sor.u32 s3, s0;
	s1 =	sshll.u32 s1, $0x11  }
0xbd: {  	s0 =	sor.u32 s1, s0  }
0xbe: {  	s0 =	sadd.s32 $0x8F2B, s0  }
0xbf: {  	[sflag:s0] =	ssyncadd.remote.s32 $0x1  }
0xc0: {  	_ =	sfence.sel $0xFFFF  }
0xc1: {  	[dreg:$0x0] =	wrdreg $0xFFFFFFFF;
	(pc) =	sbr.abs _section_cstart, $3  }
0xc2: {  	[dreg:$0x1] =	wrdreg $0xFFFFFFFF  }
0xc3: {  	_ =	task.clear_ibuf [dreg:s8], $0x2FFFF;
	_ =	strace $0x9FFFFFFF  }
0xc4: {  	(tm) =	ssettm $0x7FFFFFFF  }
0xc5: {  	_ =	shalt  }
tec
execute0_lowered:
.L_overlay_start_1:
0x0: {  	(tag) =	ssettag $0x1  }
0x1: {  	s0 =	rddreg [dreg:$0x0]  }
0x2: {  	s1 =	rddreg [dreg:$0x1];
	s3 =	srdreg.scid  }
0x3: {  	s5 =	stileid.u32;
	s2 =	rddreg [dreg:$0x2];
	s19 =	simm.s32 $0x1  }
0x4: {  	s22 =	simm.s32 $0xA500;
	s17 =	simm.s32 $0x2;
	s18 =	simm.s32 $0xC700  }
0x5: {  	s24 =	simm.s32 $0xE4C0;
	s28 =	simm.s32 $0xE658;
	s29 =	simm.s32 $0xE6E0  }
0x6: {  	s30 =	simm.s32 $0xE768;
	s31 =	simm.s32 $0xE7F0;
	s14 =	simm.s32 $0x0  }
0x7: {  	s4 =	sand.u32 $0x1, s3;
	s5 =	sshll.u32 s5, $0x1;
	s3 =	simm.s32 $0x0  }
0x8: {  	s8 =	sadd.s32 $0x2000, s2;
	s9 =	sadd.s32 $0x3000, s2;
	s10 =	sadd.s32 $0x4000, s2  }
0x9: {  	v5 =	vlaneseq.u32;
	s11 =	sadd.s32 $0x5000, s2;
	s12 =	sadd.s32 $0x6000, s2;
	s13 =	sadd.s32 $0x7000, s2  }
0xa: {  	v0 =	vmul.u32 $0xC8, v5;
	s5 =	sor.u32 s4, s5;
	[smem:$0x7FF] =	sst s3;
	s6 =	ssub.s32 $0x2, s4  }
0xb: {  	s4 =	sadd.s32 $0x800, s1;
	s7 =	smul.u32 $0xC80, s5;
	s25 =	sshrl.u32 s6, $0x1  }
0xc: {  	v5 =	vmul.u32 $0x88, v5;
	_ =	strace $0x8000004A;
	v1 =	vadd.s32 $0xC80, v0;
	s1 =	ssub.s32 s6, s25;
	s6 =	sshll.u32 s5, $0xA  }
0xd: {  	v2 =	vadd.s32 $0x1900, v0;
	v3 =	vadd.s32 $0x2580, v0;
	v4 =	vadd.s32 $0x3200, v0;
	s25 =	simm.s32 $0xE548;
	s0 =	sadd.s32 s0, s7;
	s7 =	sadd.s32 $0x1000, s2  }
0xe: {  	v6 =	vadd.s32 $0x3E80, v0;
	v7 =	vadd.s32 $0x4B00, v0;
	v8 =	vadd.s32 $0x5780, v0;
	s26 =	smax.u32 s1, $0x1;
	s1 =	simm.s32 $0xE878;
	[dreg:$0x4] =	wrdreg s0  }
0xf: {  	v9 =	vadd.s32 $0x880, v5;
	v10 =	vadd.s32 $0x1100, v5;
	v11 =	vadd.s32 $0x1980, v5;
	[dreg:$0x5] =	wrdreg s26;
	s26 =	simm.s32 $0xE5D0;
	s0 =	simm.s32 $0x4  }
.LBB2_1:
0x10: {  	[dreg:$0x6] =	wrdreg s14  }
0x11: {  	s5 =	rddreg [dreg:$0x4];
	s20 =	simm.s32 $0x5  }
0x12: {  	[tilespmem:s3], [sflag:$0x5] =	stream.linear.gather [hbm4b:s5+s3], $0x6400, $0x38;
	[tilespmem:$0xE900] =	vst v63  }
0x13: {  	_ =	swait.ge [sflag:s20], $0x6400  }
0x14: {  	[sflag:s20] =	ssyncset.done $0x0  }
0x15: {  	[sflag:s20] =	ssyncadd.s32 $0xFFFF9C00  }
0x16: {  	v12 =	vld.idx.msk [tilespmem:v0+s3+$0x0], $0xffff;
	_ =	sdelay $0x4  }
0x17: {  	[tilespmem:$0x6400] =	vst v12  }
0x18: {  	v12 =	vld.idx.msk [tilespmem:v1+s3+$0x0], $0xffff;
	_ =	sdelay $0x4  }
0x19: {  	[tilespmem:$0x6410] =	vst v12  }
0x1a: {  	v12 =	vld.idx.msk [tilespmem:v2+s3+$0x0], $0xffff;
	_ =	sdelay $0x4  }
0x1b: {  	[tilespmem:$0x6420] =	vst v12  }
0x1c: {  	v12 =	vld.idx.msk [tilespmem:v3+s3+$0x0], $0xffff;
	_ =	sdelay $0x4  }
0x1d: {  	[tilespmem:$0x6430] =	vst v12  }
0x1e: {  	v12 =	vld.idx.msk [tilespmem:v4+s3+$0x0], $0xffff;
	_ =	sdelay $0x4  }
0x1f: {  	[tilespmem:$0x6440] =	vst v12  }
0x20: {  	v12 =	vld.idx.msk [tilespmem:v6+s3+$0x0], $0xffff;
	_ =	sdelay $0x4  }
0x21: {  	[tilespmem:$0x6450] =	vst v12  }
0x22: {  	v12 =	vld.idx.msk [tilespmem:v7+s3+$0x0], $0xffff;
	_ =	sdelay $0x4  }
0x23: {  	[tilespmem:$0x6460] =	vst v12  }
0x24: {  	v12 =	vld.idx.msk [tilespmem:v8+s3+$0x0], $0xffff;
	_ =	sdelay $0x3  }
0x25: {  	s21 =	simm.s32 $0x80  }
0x26: {  	s23 =	simm.s32 $0x6400;
	s15 =	simm.s32 $0x6500;
	s5 =	simm.s32 $0x0;
	[tilespmem:$0x6470] =	vst v12  }
0x27: {  	[tilespmem:s15], [sflag:$0x1] =	stream.indirect.gather [hbm4b:s4+s21], $0x40, s23, s21, $0xb8;
	[tilespmem:$0xE900] =	vst v63  }
.LBB2_2:
0x28: {  	s14 =	sshllo.u32 s5, $0x1  }
0x29: {  	v12 =	vadd.s32 s14, v0;
	_ =	sdelay $0x1  }
0x2a: {  	_ =	swait.ge [sflag:s19], $0x2000  }
0x2b: {  	[sflag:s19] =	ssyncset.done $0x0  }
0x2c: {  	[sflag:s19] =	ssyncadd.s32 $0xFFFFE000  }
0x2d: {  	v12 =	vld.idx.msk [tilespmem:v12+s3+$0x0], $0xffff  }
0x2e: {  	v13 =	vadd.s32 s14, v1;
	_ =	sdelay $0x3  }
0x2f: {  	[tilespmem:$0x6480] =	vst v12  }
0x30: {  	v12 =	vld.idx.msk [tilespmem:v13+s3+$0x0], $0xffff  }
0x31: {  	v13 =	vadd.s32 s14, v2;
	_ =	sdelay $0x3  }
0x32: {  	[tilespmem:$0x6490] =	vst v12  }
0x33: {  	v12 =	vld.idx.msk [tilespmem:v13+s3+$0x0], $0xffff  }
0x34: {  	v13 =	vadd.s32 s14, v3;
	_ =	sdelay $0x3  }
0x35: {  	[tilespmem:$0x64A0] =	vst v12  }
0x36: {  	v12 =	vld.idx.msk [tilespmem:v13+s3+$0x0], $0xffff  }
0x37: {  	v13 =	vadd.s32 s14, v4;
	_ =	sdelay $0x3  }
0x38: {  	[tilespmem:$0x64B0] =	vst v12  }
0x39: {  	v12 =	vld.idx.msk [tilespmem:v13+s3+$0x0], $0xffff  }
0x3a: {  	v13 =	vadd.s32 s14, v6;
	_ =	sdelay $0x3  }
0x3b: {  	[tilespmem:$0x64C0] =	vst v12  }
0x3c: {  	v12 =	vld.idx.msk [tilespmem:v13+s3+$0x0], $0xffff  }
0x3d: {  	v13 =	vadd.s32 s14, v7;
	_ =	sdelay $0x3  }
0x3e: {  	[tilespmem:$0x64D0] =	vst v12  }
0x3f: {  	v12 =	vld.idx.msk [tilespmem:v13+s3+$0x0], $0xffff  }
0x40: {  	v13 =	vadd.s32 s14, v8;
	_ =	sdelay $0x3  }
0x41: {  	[tilespmem:$0x64E0] =	vst v12  }
0x42: {  	v12 =	vld.idx.msk [tilespmem:v13+s3+$0x0], $0xffff;
	_ =	sdelay $0x3  }
0x43: {  	s15 =	simm.s32 $0x80  }
0x44: {  	s20 =	simm.s32 $0x6480;
	s21 =	simm.s32 $0x8500;
	p0 =	seq.s32 s5, $0x0;
	[tilespmem:$0x64F0] =	vst v12  }
0x45: {  	[tilespmem:s21], [sflag:$0x2] =	stream.indirect.gather [hbm4b:s4+s15], $0x40, s20, s15, $0xb8;
	[tilespmem:$0xE900] =	vst v63  }
0x46: {  	s15 =	simm.s32 @!p0 $0x3  }
0x47: {  	_ =	swait.ge @!p0 [sflag:s15], $0x400  }
0x48: {  	[sflag:s15] =	ssyncset.done @!p0 $0x0  }
0x49: {  	[sflag:s15] =	ssyncadd.s32 @!p0 $0xFFFFFC00  }
0x4a: {  	_ =	swait.ge @!p0 [sflag:s15], $0x400  }
0x4b: {  	[sflag:s15] =	ssyncset.done @!p0 $0x0  }
0x4c: {  	[sflag:s15] =	ssyncadd.s32 @!p0 $0xFFFFFC00  }
0x4d: {  	_ =	swait.ge @!p0 [sflag:s15], $0x400  }
0x4e: {  	[sflag:s15] =	ssyncset.done @!p0 $0x0  }
0x4f: {  	[sflag:s15] =	ssyncadd.s32 @!p0 $0xFFFFFC00  }
0x50: {  	_ =	swait.ge @!p0 [sflag:s15], $0x400  }
0x51: {  	[sflag:s15] =	ssyncset.done @!p0 $0x0  }
0x52: {  	[sflag:s15] =	ssyncadd.s32 @!p0 $0xFFFFFC00  }
0x53: {  	_ =	swait.ge @!p0 [sflag:s15], $0x400  }
0x54: {  	[sflag:s15] =	ssyncset.done @!p0 $0x0  }
0x55: {  	[sflag:s15] =	ssyncadd.s32 @!p0 $0xFFFFFC00  }
0x56: {  	_ =	swait.ge @!p0 [sflag:s15], $0x400  }
0x57: {  	[sflag:s15] =	ssyncset.done @!p0 $0x0  }
0x58: {  	[sflag:s15] =	ssyncadd.s32 @!p0 $0xFFFFFC00  }
0x59: {  	_ =	swait.ge @!p0 [sflag:s15], $0x400  }
0x5a: {  	[sflag:s15] =	ssyncset.done @!p0 $0x0  }
0x5b: {  	[sflag:s15] =	ssyncadd.s32 @!p0 $0xFFFFFC00  }
0x5c: {  	s21 =	simm.s32 $0x0;
	_ =	swait.ge @!p0 [sflag:s15], $0x400  }
0x5d: {  	v12 =	vmov s21;
	[sflag:s15] =	ssyncset.done @!p0 $0x0  }
0x5e: {  	s20 =	simm.s32 $0x6520;
	v13 =	vand.u32 $0x7F, v12;
	[sflag:s15] =	ssyncadd.s32 @!p0 $0xFFFFFC00  }
0x5f: {  	v14 =	vadd.s32 v5, v13;
	v12 =	vld [tilespmem:s20+$0xFFFFFFE0];
	_ =	sdelay $0x4  }
0x60: {  	[tilespmem:v14+s22+$0x0] =	vst.idx.msk $0xffff, v12  }
0x61: {  	v14 =	vadd.s32 v9, v13;
	v12 =	vld [tilespmem:s20+$0xFFFFFFF0];
	_ =	sdelay $0x4  }
0x62: {  	[tilespmem:v14+s22+$0x0] =	vst.idx.msk $0xffff, v12  }
0x63: {  	v14 =	vadd.s32 v10, v13;
	v12 =	vld [tilespmem:s20+$0x0];
	_ =	sdelay $0x4  }
0x64: {  	[tilespmem:v14+s22+$0x0] =	vst.idx.msk $0xffff, v12  }
0x65: {  	v13 =	vadd.s32 v11, v13;
	v12 =	vld [tilespmem:s20+$0x10];
	_ =	sdelay $0x2  }
0x66: {  	s23 =	simm.s32 $0x1  }
0x67: {  	s21 =	simm.s32 $0x2;
	s15 =	sshll.u32 s5, $0x1;
	v14 =	vmov s23  }
.LBB2_3:
0x68: {  	p0 =	sne.s32 s21, $0x7F;
	v14 =	vand.u32 $0x7F, v14;
	[tilespmem:v13+s22+$0x0] =	vst.idx.msk $0xffff, v12;
	s20 =	sadd.s32 $0x40, s20  }
0x69: {  	v12 =	vld [tilespmem:s20+$0xFFFFFFE0];
	v13 =	vadd.s32 v5, v14;
	_ =	sdelay $0x4  }
0x6a: {  	[tilespmem:v13+s22+$0x0] =	vst.idx.msk $0xffff, v12  }
0x6b: {  	v13 =	vadd.s32 v9, v14;
	v12 =	vld [tilespmem:s20+$0xFFFFFFF0];
	_ =	sdelay $0x4  }
0x6c: {  	[tilespmem:v13+s22+$0x0] =	vst.idx.msk $0xffff, v12  }
0x6d: {  	v13 =	vadd.s32 v10, v14;
	v12 =	vld [tilespmem:s20+$0x0];
	_ =	sdelay $0x4  }
0x6e: {  	[tilespmem:v13+s22+$0x0] =	vst.idx.msk $0xffff, v12  }
.Ltmp0:
0x6f: {  	v13 =	vadd.s32 v11, v14;
	v12 =	vld [tilespmem:s20+$0x10];
	(pc) =	sbr.rel @p0 .LBB2_3-.Ltmp0, $2  }
0x70: {  	_ =	sdelay $0x2  }
0x71: {  	v14 =	vmov s21;
	s21 =	sadd.s32 $0x1, s21  }
0x72: {  	_ =	sdelay $0x3  }
0x73: {  	v14 =	vand.u32 $0x7F, v14;
	[tilespmem:v13+s22+$0x0] =	vst.idx.msk $0xffff, v12;
	s20 =	sadd.s32 $0x40, s20  }
0x74: {  	v12 =	vld [tilespmem:s20+$0xFFFFFFE0];
	v13 =	vadd.s32 v5, v14;
	_ =	sdelay $0x4  }
0x75: {  	[tilespmem:v13+s22+$0x0] =	vst.idx.msk $0xffff, v12  }
0x76: {  	v13 =	vadd.s32 v9, v14;
	v12 =	vld [tilespmem:s20+$0xFFFFFFF0];
	_ =	sdelay $0x4  }
0x77: {  	[tilespmem:v13+s22+$0x0] =	vst.idx.msk $0xffff, v12  }
0x78: {  	v13 =	vadd.s32 v10, v14;
	v12 =	vld [tilespmem:s20+$0x0];
	_ =	sdelay $0x4  }
0x79: {  	[tilespmem:v13+s22+$0x0] =	vst.idx.msk $0xffff, v12  }
0x7a: {  	v13 =	vadd.s32 v11, v14;
	v12 =	vld [tilespmem:s20+$0x10];
	_ =	sdelay $0x1  }
0x7b: {  	s21 =	sshll.u32 s5, $0x13  }
0x7c: {  	s20 =	sor.u32 s6, s21  }
0x7d: {  	s20 =	sshrl.u32 s20, $0x3  }
0x7e: {  	s21 =	sadd.s32 s2, s20;
	[tilespmem:v13+s22+$0x0] =	vst.idx.msk $0xffff, v12  }
0x7f: {  	[hbm4b:s21+s3] =	stream.linear.scatter [tilespmem:s22], [sflag:$0x3], $0x80, $0x38;
	[tilespmem:$0xE900] =	vst v63  }
0x80: {  	s16 =	simm.s32 $0xA588;
	s23 =	sadd.s32 $0x10, s21  }
0x81: {  	[hbm4b:s23+s3] =	stream.linear.scatter [tilespmem:s16], [sflag:$0x3], $0x80, $0x38;
	[tilespmem:$0xE900] =	vst v63  }
0x82: {  	s23 =	sadd.s32 $0x20, s21;
	s16 =	simm.s32 $0xA610  }
0x83: {  	[hbm4b:s23+s3] =	stream.linear.scatter [tilespmem:s16], [sflag:$0x3], $0x80, $0x38;
	[tilespmem:$0xE900] =	vst v63  }
0x84: {  	s23 =	sadd.s32 $0x30, s21;
	s16 =	simm.s32 $0xA698  }
0x85: {  	[hbm4b:s23+s3] =	stream.linear.scatter [tilespmem:s16], [sflag:$0x3], $0x80, $0x38;
	[tilespmem:$0xE900] =	vst v63  }
0x86: {  	s23 =	sadd.s32 $0x40, s21;
	s16 =	simm.s32 $0xA720  }
0x87: {  	[hbm4b:s23+s3] =	stream.linear.scatter [tilespmem:s16], [sflag:$0x3], $0x80, $0x38;
	[tilespmem:$0xE900] =	vst v63  }
0x88: {  	s23 =	sadd.s32 $0x50, s21;
	s16 =	simm.s32 $0xA7A8  }
0x89: {  	[hbm4b:s23+s3] =	stream.linear.scatter [tilespmem:s16], [sflag:$0x3], $0x80, $0x38;
	[tilespmem:$0xE900] =	vst v63  }
0x8a: {  	s23 =	sadd.s32 $0x60, s21;
	s16 =	simm.s32 $0xA830  }
0x8b: {  	[hbm4b:s23+s3] =	stream.linear.scatter [tilespmem:s16], [sflag:$0x3], $0x80, $0x38;
	[tilespmem:$0xE900] =	vst v63  }
0x8c: {  	s21 =	sadd.s32 $0x70, s21;
	s23 =	simm.s32 $0xA8B8  }
0x8d: {  	[hbm4b:s21+s3] =	stream.linear.scatter [tilespmem:s23], [sflag:$0x3], $0x80, $0x38;
	[tilespmem:$0xE900] =	vst v63  }
0x8e: {  	s21 =	sadd.s32 s20, s7;
	s23 =	simm.s32 $0xA940  }
0x8f: {  	[hbm4b:s21+s3] =	stream.linear.scatter [tilespmem:s23], [sflag:$0x3], $0x80, $0x38;
	[tilespmem:$0xE900] =	vst v63  }
0x90: {  	s16 =	simm.s32 $0xA9C8;
	s23 =	sadd.s32 $0x10, s21  }
0x91: {  	[hbm4b:s23+s3] =	stream.linear.scatter [tilespmem:s16], [sflag:$0x3], $0x80, $0x38;
	[tilespmem:$0xE900] =	vst v63  }
0x92: {  	s23 =	sadd.s32 $0x20, s21;
	s16 =	simm.s32 $0xAA50  }
0x93: {  	[hbm4b:s23+s3] =	stream.linear.scatter [tilespmem:s16], [sflag:$0x3], $0x80, $0x38;
	[tilespmem:$0xE900] =	vst v63  }
0x94: {  	s23 =	sadd.s32 $0x30, s21;
	s16 =	simm.s32 $0xAAD8  }
0x95: {  	[hbm4b:s23+s3] =	stream.linear.scatter [tilespmem:s16], [sflag:$0x3], $0x80, $0x38;
	[tilespmem:$0xE900] =	vst v63  }
0x96: {  	s23 =	sadd.s32 $0x40, s21;
	s16 =	simm.s32 $0xAB60  }
0x97: {  	[hbm4b:s23+s3] =	stream.linear.scatter [tilespmem:s16], [sflag:$0x3], $0x80, $0x38;
	[tilespmem:$0xE900] =	vst v63  }
0x98: {  	s23 =	sadd.s32 $0x50, s21;
	s16 =	simm.s32 $0xABE8  }
0x99: {  	[hbm4b:s23+s3] =	stream.linear.scatter [tilespmem:s16], [sflag:$0x3], $0x80, $0x38;
	[tilespmem:$0xE900] =	vst v63  }
0x9a: {  	s23 =	sadd.s32 $0x60, s21;
	s16 =	simm.s32 $0xAC70  }
0x9b: {  	[hbm4b:s23+s3] =	stream.linear.scatter [tilespmem:s16], [sflag:$0x3], $0x80, $0x38;
	[tilespmem:$0xE900] =	vst v63  }
0x9c: {  	s21 =	sadd.s32 $0x70, s21;
	s23 =	simm.s32 $0xACF8  }
0x9d: {  	[hbm4b:s21+s3] =	stream.linear.scatter [tilespmem:s23], [sflag:$0x3], $0x80, $0x38;
	[tilespmem:$0xE900] =	vst v63  }
0x9e: {  	s21 =	sadd.s32 s20, s8;
	s23 =	simm.s32 $0xAD80  }
0x9f: {  	[hbm4b:s21+s3] =	stream.linear.scatter [tilespmem:s23], [sflag:$0x3], $0x80, $0x38;
	[tilespmem:$0xE900] =	vst v63  }
0xa0: {  	s16 =	simm.s32 $0xAE08;
	s23 =	sadd.s32 $0x10, s21  }
0xa1: {  	[hbm4b:s23+s3] =	stream.linear.scatter [tilespmem:s16], [sflag:$0x3], $0x80, $0x38;
	[tilespmem:$0xE900] =	vst v63  }
0xa2: {  	s23 =	sadd.s32 $0x20, s21;
	s16 =	simm.s32 $0xAE90  }
0xa3: {  	[hbm4b:s23+s3] =	stream.linear.scatter [tilespmem:s16], [sflag:$0x3], $0x80, $0x38;
	[tilespmem:$0xE900] =	vst v63  }
0xa4: {  	s23 =	sadd.s32 $0x30, s21;
	s16 =	simm.s32 $0xAF18  }
0xa5: {  	[hbm4b:s23+s3] =	stream.linear.scatter [tilespmem:s16], [sflag:$0x3], $0x80, $0x38;
	[tilespmem:$0xE900] =	vst v63  }
0xa6: {  	s23 =	sadd.s32 $0x40, s21;
	s16 =	simm.s32 $0xAFA0  }
0xa7: {  	[hbm4b:s23+s3] =	stream.linear.scatter [tilespmem:s16], [sflag:$0x3], $0x80, $0x38;
	[tilespmem:$0xE900] =	vst v63  }
0xa8: {  	s23 =	sadd.s32 $0x50, s21;
	s16 =	simm.s32 $0xB028  }
0xa9: {  	[hbm4b:s23+s3] =	stream.linear.scatter [tilespmem:s16], [sflag:$0x3], $0x80, $0x38;
	[tilespmem:$0xE900] =	vst v63  }
0xaa: {  	s23 =	sadd.s32 $0x60, s21;
	s16 =	simm.s32 $0xB0B0  }
0xab: {  	[hbm4b:s23+s3] =	stream.linear.scatter [tilespmem:s16], [sflag:$0x3], $0x80, $0x38;
	[tilespmem:$0xE900] =	vst v63  }
0xac: {  	s21 =	sadd.s32 $0x70, s21;
	s23 =	simm.s32 $0xB138  }
0xad: {  	[hbm4b:s21+s3] =	stream.linear.scatter [tilespmem:s23], [sflag:$0x3], $0x80, $0x38;
	[tilespmem:$0xE900] =	vst v63  }
0xae: {  	s21 =	sadd.s32 s20, s9;
	s23 =	simm.s32 $0xB1C0  }
0xaf: {  	[hbm4b:s21+s3] =	stream.linear.scatter [tilespmem:s23], [sflag:$0x3], $0x80, $0x38;
	[tilespmem:$0xE900] =	vst v63  }
0xb0: {  	s16 =	simm.s32 $0xB248;
	s23 =	sadd.s32 $0x10, s21  }
0xb1: {  	[hbm4b:s23+s3] =	stream.linear.scatter [tilespmem:s16], [sflag:$0x3], $0x80, $0x38;
	[tilespmem:$0xE900] =	vst v63  }
0xb2: {  	s23 =	sadd.s32 $0x20, s21;
	s16 =	simm.s32 $0xB2D0  }
0xb3: {  	[hbm4b:s23+s3] =	stream.linear.scatter [tilespmem:s16], [sflag:$0x3], $0x80, $0x38;
	[tilespmem:$0xE900] =	vst v63  }
0xb4: {  	s23 =	sadd.s32 $0x30, s21;
	s16 =	simm.s32 $0xB358  }
0xb5: {  	[hbm4b:s23+s3] =	stream.linear.scatter [tilespmem:s16], [sflag:$0x3], $0x80, $0x38;
	[tilespmem:$0xE900] =	vst v63  }
0xb6: {  	s23 =	sadd.s32 $0x40, s21;
	s16 =	simm.s32 $0xB3E0  }
0xb7: {  	[hbm4b:s23+s3] =	stream.linear.scatter [tilespmem:s16], [sflag:$0x3], $0x80, $0x38;
	[tilespmem:$0xE900] =	vst v63  }
0xb8: {  	s23 =	sadd.s32 $0x50, s21;
	s16 =	simm.s32 $0xB468  }
0xb9: {  	[hbm4b:s23+s3] =	stream.linear.scatter [tilespmem:s16], [sflag:$0x3], $0x80, $0x38;
	[tilespmem:$0xE900] =	vst v63  }
0xba: {  	s23 =	sadd.s32 $0x60, s21;
	s16 =	simm.s32 $0xB4F0  }
0xbb: {  	[hbm4b:s23+s3] =	stream.linear.scatter [tilespmem:s16], [sflag:$0x3], $0x80, $0x38;
	[tilespmem:$0xE900] =	vst v63  }
0xbc: {  	s21 =	sadd.s32 $0x70, s21;
	s23 =	simm.s32 $0xB578  }
0xbd: {  	[hbm4b:s21+s3] =	stream.linear.scatter [tilespmem:s23], [sflag:$0x3], $0x80, $0x38;
	[tilespmem:$0xE900] =	vst v63  }
0xbe: {  	s21 =	sadd.s32 s20, s10;
	s23 =	simm.s32 $0xB600  }
0xbf: {  	[hbm4b:s21+s3] =	stream.linear.scatter [tilespmem:s23], [sflag:$0x3], $0x80, $0x38;
	[tilespmem:$0xE900] =	vst v63  }
0xc0: {  	s16 =	simm.s32 $0xB688;
	s23 =	sadd.s32 $0x10, s21  }
0xc1: {  	[hbm4b:s23+s3] =	stream.linear.scatter [tilespmem:s16], [sflag:$0x3], $0x80, $0x38;
	[tilespmem:$0xE900] =	vst v63  }
0xc2: {  	s23 =	sadd.s32 $0x20, s21;
	s16 =	simm.s32 $0xB710  }
0xc3: {  	[hbm4b:s23+s3] =	stream.linear.scatter [tilespmem:s16], [sflag:$0x3], $0x80, $0x38;
	[tilespmem:$0xE900] =	vst v63  }
0xc4: {  	s23 =	sadd.s32 $0x30, s21;
	s16 =	simm.s32 $0xB798  }
0xc5: {  	[hbm4b:s23+s3] =	stream.linear.scatter [tilespmem:s16], [sflag:$0x3], $0x80, $0x38;
	[tilespmem:$0xE900] =	vst v63  }
0xc6: {  	s23 =	sadd.s32 $0x40, s21;
	s16 =	simm.s32 $0xB820  }
0xc7: {  	[hbm4b:s23+s3] =	stream.linear.scatter [tilespmem:s16], [sflag:$0x3], $0x80, $0x38;
	[tilespmem:$0xE900] =	vst v63  }
0xc8: {  	s23 =	sadd.s32 $0x50, s21;
	s16 =	simm.s32 $0xB8A8  }
0xc9: {  	[hbm4b:s23+s3] =	stream.linear.scatter [tilespmem:s16], [sflag:$0x3], $0x80, $0x38;
	[tilespmem:$0xE900] =	vst v63  }
0xca: {  	s23 =	sadd.s32 $0x60, s21;
	s16 =	simm.s32 $0xB930  }
0xcb: {  	[hbm4b:s23+s3] =	stream.linear.scatter [tilespmem:s16], [sflag:$0x3], $0x80, $0x38;
	[tilespmem:$0xE900] =	vst v63  }
0xcc: {  	s21 =	sadd.s32 $0x70, s21;
	s23 =	simm.s32 $0xB9B8  }
0xcd: {  	[hbm4b:s21+s3] =	stream.linear.scatter [tilespmem:s23], [sflag:$0x3], $0x80, $0x38;
	[tilespmem:$0xE900] =	vst v63  }
0xce: {  	s21 =	sadd.s32 s20, s11;
	s23 =	simm.s32 $0xBA40  }
0xcf: {  	[hbm4b:s21+s3] =	stream.linear.scatter [tilespmem:s23], [sflag:$0x3], $0x80, $0x38;
	[tilespmem:$0xE900] =	vst v63  }
0xd0: {  	s16 =	simm.s32 $0xBAC8;
	s23 =	sadd.s32 $0x10, s21  }
0xd1: {  	[hbm4b:s23+s3] =	stream.linear.scatter [tilespmem:s16], [sflag:$0x3], $0x80, $0x38;
	[tilespmem:$0xE900] =	vst v63  }
0xd2: {  	s23 =	sadd.s32 $0x20, s21;
	s16 =	simm.s32 $0xBB50  }
0xd3: {  	[hbm4b:s23+s3] =	stream.linear.scatter [tilespmem:s16], [sflag:$0x3], $0x80, $0x38;
	[tilespmem:$0xE900] =	vst v63  }
0xd4: {  	s23 =	sadd.s32 $0x30, s21;
	s16 =	simm.s32 $0xBBD8  }
0xd5: {  	[hbm4b:s23+s3] =	stream.linear.scatter [tilespmem:s16], [sflag:$0x3], $0x80, $0x38;
	[tilespmem:$0xE900] =	vst v63  }
0xd6: {  	s23 =	sadd.s32 $0x40, s21;
	s16 =	simm.s32 $0xBC60  }
0xd7: {  	[hbm4b:s23+s3] =	stream.linear.scatter [tilespmem:s16], [sflag:$0x3], $0x80, $0x38;
	[tilespmem:$0xE900] =	vst v63  }
0xd8: {  	s23 =	sadd.s32 $0x50, s21;
	s16 =	simm.s32 $0xBCE8  }
0xd9: {  	[hbm4b:s23+s3] =	stream.linear.scatter [tilespmem:s16], [sflag:$0x3], $0x80, $0x38;
	[tilespmem:$0xE900] =	vst v63  }
0xda: {  	s23 =	sadd.s32 $0x60, s21;
	s16 =	simm.s32 $0xBD70  }
0xdb: {  	[hbm4b:s23+s3] =	stream.linear.scatter [tilespmem:s16], [sflag:$0x3], $0x80, $0x38;
	[tilespmem:$0xE900] =	vst v63  }
0xdc: {  	s21 =	sadd.s32 $0x70, s21;
	s23 =	simm.s32 $0xBDF8  }
0xdd: {  	[hbm4b:s21+s3] =	stream.linear.scatter [tilespmem:s23], [sflag:$0x3], $0x80, $0x38;
	[tilespmem:$0xE900] =	vst v63  }
0xde: {  	s21 =	sadd.s32 s20, s12;
	s23 =	simm.s32 $0xBE80  }
0xdf: {  	[hbm4b:s21+s3] =	stream.linear.scatter [tilespmem:s23], [sflag:$0x3], $0x80, $0x38;
	[tilespmem:$0xE900] =	vst v63  }
0xe0: {  	s16 =	simm.s32 $0xBF08;
	s23 =	sadd.s32 $0x10, s21  }
0xe1: {  	[hbm4b:s23+s3] =	stream.linear.scatter [tilespmem:s16], [sflag:$0x3], $0x80, $0x38;
	[tilespmem:$0xE900] =	vst v63  }
0xe2: {  	s23 =	sadd.s32 $0x20, s21;
	s16 =	simm.s32 $0xBF90  }
0xe3: {  	[hbm4b:s23+s3] =	stream.linear.scatter [tilespmem:s16], [sflag:$0x3], $0x80, $0x38;
	[tilespmem:$0xE900] =	vst v63  }
0xe4: {  	s23 =	sadd.s32 $0x30, s21;
	s16 =	simm.s32 $0xC018  }
0xe5: {  	[hbm4b:s23+s3] =	stream.linear.scatter [tilespmem:s16], [sflag:$0x3], $0x80, $0x38;
	[tilespmem:$0xE900] =	vst v63  }
0xe6: {  	s23 =	sadd.s32 $0x40, s21;
	s16 =	simm.s32 $0xC0A0  }
0xe7: {  	[hbm4b:s23+s3] =	stream.linear.scatter [tilespmem:s16], [sflag:$0x3], $0x80, $0x38;
	[tilespmem:$0xE900] =	vst v63  }
0xe8: {  	s23 =	sadd.s32 $0x50, s21;
	s16 =	simm.s32 $0xC128  }
0xe9: {  	[hbm4b:s23+s3] =	stream.linear.scatter [tilespmem:s16], [sflag:$0x3], $0x80, $0x38;
	[tilespmem:$0xE900] =	vst v63  }
0xea: {  	s23 =	sadd.s32 $0x60, s21;
	s16 =	simm.s32 $0xC1B0  }
0xeb: {  	[hbm4b:s23+s3] =	stream.linear.scatter [tilespmem:s16], [sflag:$0x3], $0x80, $0x38;
	[tilespmem:$0xE900] =	vst v63  }
0xec: {  	s21 =	sadd.s32 $0x70, s21;
	s23 =	simm.s32 $0xC238  }
0xed: {  	[hbm4b:s21+s3] =	stream.linear.scatter [tilespmem:s23], [sflag:$0x3], $0x80, $0x38;
	[tilespmem:$0xE900] =	vst v63  }
0xee: {  	s20 =	sadd.s32 s20, s13;
	s23 =	simm.s32 $0xC2C0  }
0xef: {  	[hbm4b:s20+s3] =	stream.linear.scatter [tilespmem:s23], [sflag:$0x3], $0x80, $0x38;
	[tilespmem:$0xE900] =	vst v63  }
0xf0: {  	s16 =	sadd.s32 $0x10, s20;
	s23 =	simm.s32 $0xC348  }
0xf1: {  	[hbm4b:s16+s3] =	stream.linear.scatter [tilespmem:s23], [sflag:$0x3], $0x80, $0x38;
	[tilespmem:$0xE900] =	vst v63  }
0xf2: {  	s16 =	sadd.s32 $0x20, s20;
	s23 =	simm.s32 $0xC3D0  }
0xf3: {  	[hbm4b:s16+s3] =	stream.linear.scatter [tilespmem:s23], [sflag:$0x3], $0x80, $0x38;
	[tilespmem:$0xE900] =	vst v63  }
0xf4: {  	s16 =	sadd.s32 $0x30, s20;
	s23 =	simm.s32 $0xC458  }
0xf5: {  	[hbm4b:s16+s3] =	stream.linear.scatter [tilespmem:s23], [sflag:$0x3], $0x80, $0x38;
	[tilespmem:$0xE900] =	vst v63  }
0xf6: {  	p0 =	seq.s32 s5, $0x63;
	s16 =	sadd.s32 $0x40, s20;
	s23 =	simm.s32 $0xC4E0  }
0xf7: {  	v12 =	vlaneseq.u32 @!p0;
	[hbm4b:s16+s3] =	stream.linear.scatter [tilespmem:s23], [sflag:$0x3], $0x80, $0x38;
	[tilespmem:$0xE900] =	vst v63  }
0xf8: {  	s15 =	sadd.s32 @!p0 $0x2, s15;
	v12 =	vmul.u32 @!p0 $0xC8, v12;
	s16 =	sadd.s32 $0x50, s20;
	s23 =	simm.s32 $0xC568  }
0xf9: {  	[hbm4b:s16+s3] =	stream.linear.scatter [tilespmem:s23], [sflag:$0x3], $0x80, $0x38;
	[tilespmem:$0xE900] =	vst v63  }
0xfa: {  	v13 =	vmov @!p0 s15;
	v14 =	vadd.s32 @!p0 s15, v12;
	s16 =	sadd.s32 $0x60, s20;
	s23 =	simm.s32 $0xC5F0  }
0xfb: {  	v13 =	vand.u32 @!p0 $0x6, v13;
	v14 =	vand.u32 @!p0 $0x1FF8, v14;
	[hbm4b:s16+s3] =	stream.linear.scatter [tilespmem:s23], [sflag:$0x3], $0x80, $0x38;
	[tilespmem:$0xE900] =	vst v63  }
0xfc: {  	v14 =	vor.u32 @!p0 v13, v14;
	s20 =	sadd.s32 $0x70, s20;
	s23 =	simm.s32 $0xC678  }
0xfd: {  	[hbm4b:s20+s3] =	stream.linear.scatter [tilespmem:s23], [sflag:$0x3], $0x80, $0x38;
	[tilespmem:$0xE900] =	vst v63  }
0xfe: {  	_ =	swait.ge [sflag:s17], $0x2000  }
0xff: {  	v15 =	vadd.s32 @!p0 $0xC80, v12;
	[sflag:s17] =	ssyncset.done $0x0  }
0x100: {  	v15 =	vadd.s32 @!p0 s15, v15;
	s20 =	simm.s32 @!p0 $0x0;
	[sflag:s17] =	ssyncadd.s32 $0xFFFFE000  }
0x101: {  	v15 =	vand.u32 @!p0 $0x3FF8, v15;
	v14 =	vld.idx.msk @!p0 [tilespmem:v14+s20+$0x0], $0xffff  }
0x102: {  	v15 =	vor.u32 @!p0 v13, v15;
	_ =	sdelay $0x2  }
0x103: {  	v16 =	vadd.s32 @!p0 $0x1900, v12  }
0x104: {  	[tilespmem:$0x6400] =	vst @!p0 v14;
	v14 =	vadd.s32 @!p0 s15, v16  }
0x105: {  	v15 =	vld.idx.msk @!p0 [tilespmem:v15+s20+$0x0], $0xffff;
	v14 =	vand.u32 @!p0 $0x7FF8, v14  }
0x106: {  	v14 =	vor.u32 @!p0 v13, v14;
	_ =	sdelay $0x2  }
0x107: {  	v16 =	vadd.s32 @!p0 $0x2580, v12  }
0x108: {  	[tilespmem:$0x6410] =	vst @!p0 v15;
	v15 =	vadd.s32 @!p0 s15, v16  }
0x109: {  	v14 =	vld.idx.msk @!p0 [tilespmem:v14+s20+$0x0], $0xffff;
	v15 =	vand.u32 @!p0 $0x7FF8, v15  }
0x10a: {  	v15 =	vor.u32 @!p0 v13, v15;
	_ =	sdelay $0x2  }
0x10b: {  	v16 =	vadd.s32 @!p0 $0x3200, v12  }
0x10c: {  	[tilespmem:$0x6420] =	vst @!p0 v14;
	v14 =	vadd.s32 @!p0 s15, v16  }
0x10d: {  	v15 =	vld.idx.msk @!p0 [tilespmem:v15+s20+$0x0], $0xffff;
	v14 =	vand.u32 @!p0 $0x7FF8, v14  }
0x10e: {  	v14 =	vor.u32 @!p0 v13, v14;
	_ =	sdelay $0x2  }
0x10f: {  	v16 =	vadd.s32 @!p0 $0x3E80, v12  }
0x110: {  	[tilespmem:$0x6430] =	vst @!p0 v15;
	v15 =	vadd.s32 @!p0 s15, v16  }
0x111: {  	v14 =	vld.idx.msk @!p0 [tilespmem:v14+s20+$0x0], $0xffff;
	v15 =	vand.u32 @!p0 $0xFFF8, v15  }
0x112: {  	v15 =	vor.u32 @!p0 v13, v15;
	_ =	sdelay $0x2  }
0x113: {  	v16 =	vadd.s32 @!p0 $0x4B00, v12  }
0x114: {  	[tilespmem:$0x6440] =	vst @!p0 v14;
	v14 =	vadd.s32 @!p0 s15, v16  }
0x115: {  	v15 =	vld.idx.msk @!p0 [tilespmem:v15+s20+$0x0], $0xffff;
	v14 =	vand.u32 @!p0 $0x7FF8, v14  }
0x116: {  	v14 =	vor.u32 @!p0 v13, v14;
	_ =	sdelay $0x2  }
0x117: {  	v12 =	vadd.s32 @!p0 $0x5780, v12  }
0x118: {  	v12 =	vadd.s32 @!p0 s15, v12;
	[tilespmem:$0x6450] =	vst @!p0 v15  }
0x119: {  	v12 =	vand.u32 @!p0 $0xFFF8, v12;
	v14 =	vld.idx.msk @!p0 [tilespmem:v14+s20+$0x0], $0xffff  }
0x11a: {  	v12 =	vor.u32 @!p0 v13, v12;
	_ =	sdelay $0x3  }
0x11b: {  	[tilespmem:$0x6460] =	vst @!p0 v14  }
0x11c: {  	v12 =	vld.idx.msk @!p0 [tilespmem:v12+s20+$0x0], $0xffff;
	_ =	sdelay $0x3  }
0x11d: {  	p1 =	seq.s32 @!p0 s5, $0x0  }
0x11e: {  	s21 =	simm.s32 @!p0 $0x6500;
	s15 =	simm.s32 @!p0 $0x80;
	s20 =	simm.s32 @!p0 $0x6400;
	[tilespmem:$0x6470] =	vst @!p0 v12  }
0x11f: {  	[tilespmem:s21], [sflag:$0x1] =	stream.indirect.gather @!p0 [hbm4b:s4+s15], $0x40, s20, s15, $0xb8;
	[tilespmem:$0xE900] =	vst v63  }
0x120: {  	p0 =	por p0, !p1  }
0x121: {  	_ =	swait.ge @p0 [sflag:s0], $0x400  }
0x122: {  	[sflag:s0] =	ssyncset.done @p0 $0x0  }
0x123: {  	[sflag:s0] =	ssyncadd.s32 @p0 $0xFFFFFC00  }
0x124: {  	_ =	swait.ge @p0 [sflag:s0], $0x400  }
0x125: {  	[sflag:s0] =	ssyncset.done @p0 $0x0  }
0x126: {  	[sflag:s0] =	ssyncadd.s32 @p0 $0xFFFFFC00  }
0x127: {  	_ =	swait.ge @p0 [sflag:s0], $0x400  }
0x128: {  	[sflag:s0] =	ssyncset.done @p0 $0x0  }
0x129: {  	[sflag:s0] =	ssyncadd.s32 @p0 $0xFFFFFC00  }
0x12a: {  	_ =	swait.ge @p0 [sflag:s0], $0x400  }
0x12b: {  	[sflag:s0] =	ssyncset.done @p0 $0x0  }
0x12c: {  	[sflag:s0] =	ssyncadd.s32 @p0 $0xFFFFFC00  }
0x12d: {  	_ =	swait.ge @p0 [sflag:s0], $0x400  }
0x12e: {  	[sflag:s0] =	ssyncset.done @p0 $0x0  }
0x12f: {  	[sflag:s0] =	ssyncadd.s32 @p0 $0xFFFFFC00  }
0x130: {  	_ =	swait.ge @p0 [sflag:s0], $0x400  }
0x131: {  	[sflag:s0] =	ssyncset.done @p0 $0x0  }
0x132: {  	[sflag:s0] =	ssyncadd.s32 @p0 $0xFFFFFC00  }
0x133: {  	_ =	swait.ge @p0 [sflag:s0], $0x400  }
0x134: {  	[sflag:s0] =	ssyncset.done @p0 $0x0  }
0x135: {  	[sflag:s0] =	ssyncadd.s32 @p0 $0xFFFFFC00  }
0x136: {  	s21 =	simm.s32 $0x0;
	_ =	swait.ge @p0 [sflag:s0], $0x400  }
0x137: {  	v12 =	vmov s21;
	[sflag:s0] =	ssyncset.done @p0 $0x0  }
0x138: {  	s15 =	simm.s32 $0x8520;
	v13 =	vand.u32 $0x7F, v12;
	[sflag:s0] =	ssyncadd.s32 @p0 $0xFFFFFC00  }
0x139: {  	v14 =	vadd.s32 v5, v13;
	v12 =	vld [tilespmem:s15+$0xFFFFFFE0];
	_ =	sdelay $0x4  }
0x13a: {  	[tilespmem:v14+s18+$0x0] =	vst.idx.msk $0xffff, v12  }
0x13b: {  	v14 =	vadd.s32 v9, v13;
	v12 =	vld [tilespmem:s15+$0xFFFFFFF0];
	_ =	sdelay $0x4  }
0x13c: {  	[tilespmem:v14+s18+$0x0] =	vst.idx.msk $0xffff, v12  }
0x13d: {  	v14 =	vadd.s32 v10, v13;
	v12 =	vld [tilespmem:s15+$0x0];
	_ =	sdelay $0x4  }
0x13e: {  	[tilespmem:v14+s18+$0x0] =	vst.idx.msk $0xffff, v12  }
0x13f: {  	v13 =	vadd.s32 v11, v13;
	v12 =	vld [tilespmem:s15+$0x10];
	_ =	sdelay $0x2  }
0x140: {  	s23 =	simm.s32 $0x1  }
0x141: {  	s20 =	simm.s32 $0x2;
	v14 =	vmov s23  }
.LBB2_5:
0x142: {  	p0 =	sne.s32 s20, $0x7F;
	v14 =	vand.u32 $0x7F, v14;
	[tilespmem:v13+s18+$0x0] =	vst.idx.msk $0xffff, v12;
	s15 =	sadd.s32 $0x40, s15  }
0x143: {  	v12 =	vld [tilespmem:s15+$0xFFFFFFE0];
	v13 =	vadd.s32 v5, v14;
	_ =	sdelay $0x4  }
0x144: {  	[tilespmem:v13+s18+$0x0] =	vst.idx.msk $0xffff, v12  }
0x145: {  	v13 =	vadd.s32 v9, v14;
	v12 =	vld [tilespmem:s15+$0xFFFFFFF0];
	_ =	sdelay $0x4  }
0x146: {  	[tilespmem:v13+s18+$0x0] =	vst.idx.msk $0xffff, v12  }
0x147: {  	v13 =	vadd.s32 v10, v14;
	v12 =	vld [tilespmem:s15+$0x0];
	_ =	sdelay $0x4  }
0x148: {  	[tilespmem:v13+s18+$0x0] =	vst.idx.msk $0xffff, v12  }
.Ltmp1:
0x149: {  	v13 =	vadd.s32 v11, v14;
	v12 =	vld [tilespmem:s15+$0x10];
	(pc) =	sbr.rel @p0 .LBB2_5-.Ltmp1, $2  }
0x14a: {  	_ =	sdelay $0x2  }
0x14b: {  	v14 =	vmov s20;
	s20 =	sadd.s32 $0x1, s20  }
0x14c: {  	_ =	sdelay $0x3  }
0x14d: {  	v14 =	vand.u32 $0x7F, v14;
	[tilespmem:v13+s18+$0x0] =	vst.idx.msk $0xffff, v12;
	s15 =	sadd.s32 $0x40, s15  }
0x14e: {  	v12 =	vld [tilespmem:s15+$0xFFFFFFE0];
	v60 =	vadd.s32 v5, v14;
	_ =	sdelay $0x4  }
0x14f: {  	[tilespmem:v60+s18+$0x0] =	vst.idx.msk $0xffff, v12  }
0x150: {  	v61 =	vadd.s32 v9, v14;
	v12 =	vld [tilespmem:s15+$0xFFFFFFF0];
	_ =	sdelay $0x4  }
0x151: {  	[tilespmem:v61+s18+$0x0] =	vst.idx.msk $0xffff, v12  }
0x152: {  	v62 =	vadd.s32 v10, v14;
	v12 =	vld [tilespmem:s15+$0x0];
	_ =	sdelay $0x4  }
0x153: {  	[tilespmem:v62+s18+$0x0] =	vst.idx.msk $0xffff, v12  }
0x154: {  	v63 =	vadd.s32 v11, v14;
	v12 =	vld [tilespmem:s15+$0x10];
	_ =	sdelay $0x1  }
0x155: {  	s14 =	sshll.u32 s14, $0x12  }
0x156: {  	s14 =	sor.u32 s6, s14  }
0x157: {  	s14 =	sshrl.u32 s14, $0x3  }
0x158: {  	s15 =	sadd.s32 s2, s14;
	[tilespmem:v63+s18+$0x0] =	vst.idx.msk $0xffff, v12  }
0x159: {  	[hbm4b:s15+s3] =	stream.linear.scatter [tilespmem:s18], [sflag:$0x4], $0x80, $0x38;
	[tilespmem:$0xE900] =	vst v63  }
0x15a: {  	s16 =	simm.s32 $0xC788;
	s20 =	sadd.s32 $0x10, s15  }
0x15b: {  	[hbm4b:s20+s3] =	stream.linear.scatter [tilespmem:s16], [sflag:$0x4], $0x80, $0x38;
	[tilespmem:$0xE900] =	vst v63  }
0x15c: {  	s23 =	simm.s32 $0xC810;
	s21 =	sadd.s32 $0x20, s15  }
0x15d: {  	[hbm4b:s21+s3] =	stream.linear.scatter [tilespmem:s23], [sflag:$0x4], $0x80, $0x38;
	[tilespmem:$0xE900] =	vst v63  }
0x15e: {  	s21 =	sadd.s32 $0x30, s15;
	s23 =	simm.s32 $0xC898  }
0x15f: {  	[hbm4b:s21+s3] =	stream.linear.scatter [tilespmem:s23], [sflag:$0x4], $0x80, $0x38;
	[tilespmem:$0xE900] =	vst v63  }
0x160: {  	s21 =	sadd.s32 $0x40, s15;
	s23 =	simm.s32 $0xC920  }
0x161: {  	[hbm4b:s21+s3] =	stream.linear.scatter [tilespmem:s23], [sflag:$0x4], $0x80, $0x38;
	[tilespmem:$0xE900] =	vst v63  }
0x162: {  	s21 =	sadd.s32 $0x50, s15;
	s23 =	simm.s32 $0xC9A8  }
0x163: {  	[hbm4b:s21+s3] =	stream.linear.scatter [tilespmem:s23], [sflag:$0x4], $0x80, $0x38;
	[tilespmem:$0xE900] =	vst v63  }
0x164: {  	s16 =	sadd.s32 $0x60, s15;
	s21 =	simm.s32 $0xCA30  }
0x165: {  	[hbm4b:s16+s3] =	stream.linear.scatter [tilespmem:s21], [sflag:$0x4], $0x80, $0x38;
	[tilespmem:$0xE900] =	vst v63  }
0x166: {  	s15 =	sadd.s32 $0x70, s15;
	s23 =	simm.s32 $0xCAB8  }
0x167: {  	[hbm4b:s15+s3] =	stream.linear.scatter [tilespmem:s23], [sflag:$0x4], $0x80, $0x38;
	[tilespmem:$0xE900] =	vst v63  }
0x168: {  	s20 =	simm.s32 $0xCB40;
	s15 =	sadd.s32 s14, s7  }
0x169: {  	[hbm4b:s15+s3] =	stream.linear.scatter [tilespmem:s20], [sflag:$0x4], $0x80, $0x38;
	[tilespmem:$0xE900] =	vst v63  }
0x16a: {  	s23 =	simm.s32 $0xCBC8;
	s21 =	sadd.s32 $0x10, s15  }
0x16b: {  	[hbm4b:s21+s3] =	stream.linear.scatter [tilespmem:s23], [sflag:$0x4], $0x80, $0x38;
	[tilespmem:$0xE900] =	vst v63  }
0x16c: {  	s21 =	sadd.s32 $0x20, s15;
	s23 =	simm.s32 $0xCC50  }
0x16d: {  	[hbm4b:s21+s3] =	stream.linear.scatter [tilespmem:s23], [sflag:$0x4], $0x80, $0x38;
	[tilespmem:$0xE900] =	vst v63  }
0x16e: {  	s21 =	sadd.s32 $0x30, s15;
	s23 =	simm.s32 $0xCCD8  }
0x16f: {  	[hbm4b:s21+s3] =	stream.linear.scatter [tilespmem:s23], [sflag:$0x4], $0x80, $0x38;
	[tilespmem:$0xE900] =	vst v63  }
0x170: {  	s21 =	sadd.s32 $0x40, s15;
	s23 =	simm.s32 $0xCD60  }
0x171: {  	[hbm4b:s21+s3] =	stream.linear.scatter [tilespmem:s23], [sflag:$0x4], $0x80, $0x38;
	[tilespmem:$0xE900] =	vst v63  }
0x172: {  	s21 =	sadd.s32 $0x50, s15;
	s23 =	simm.s32 $0xCDE8  }
0x173: {  	[hbm4b:s21+s3] =	stream.linear.scatter [tilespmem:s23], [sflag:$0x4], $0x80, $0x38;
	[tilespmem:$0xE900] =	vst v63  }
0x174: {  	s16 =	sadd.s32 $0x60, s15;
	s21 =	simm.s32 $0xCE70  }
0x175: {  	[hbm4b:s16+s3] =	stream.linear.scatter [tilespmem:s21], [sflag:$0x4], $0x80, $0x38;
	[tilespmem:$0xE900] =	vst v63  }
0x176: {  	s15 =	sadd.s32 $0x70, s15;
	s23 =	simm.s32 $0xCEF8  }
0x177: {  	[hbm4b:s15+s3] =	stream.linear.scatter [tilespmem:s23], [sflag:$0x4], $0x80, $0x38;
	[tilespmem:$0xE900] =	vst v63  }
0x178: {  	s20 =	simm.s32 $0xCF80;
	s15 =	sadd.s32 s14, s8  }
0x179: {  	[hbm4b:s15+s3] =	stream.linear.scatter [tilespmem:s20], [sflag:$0x4], $0x80, $0x38;
	[tilespmem:$0xE900] =	vst v63  }
0x17a: {  	s23 =	simm.s32 $0xD008;
	s21 =	sadd.s32 $0x10, s15  }
0x17b: {  	[hbm4b:s21+s3] =	stream.linear.scatter [tilespmem:s23], [sflag:$0x4], $0x80, $0x38;
	[tilespmem:$0xE900] =	vst v63  }
0x17c: {  	s21 =	sadd.s32 $0x20, s15;
	s23 =	simm.s32 $0xD090  }
0x17d: {  	[hbm4b:s21+s3] =	stream.linear.scatter [tilespmem:s23], [sflag:$0x4], $0x80, $0x38;
	[tilespmem:$0xE900] =	vst v63  }
0x17e: {  	s21 =	sadd.s32 $0x30, s15;
	s23 =	simm.s32 $0xD118  }
0x17f: {  	[hbm4b:s21+s3] =	stream.linear.scatter [tilespmem:s23], [sflag:$0x4], $0x80, $0x38;
	[tilespmem:$0xE900] =	vst v63  }
0x180: {  	s21 =	sadd.s32 $0x40, s15;
	s23 =	simm.s32 $0xD1A0  }
0x181: {  	[hbm4b:s21+s3] =	stream.linear.scatter [tilespmem:s23], [sflag:$0x4], $0x80, $0x38;
	[tilespmem:$0xE900] =	vst v63  }
0x182: {  	s21 =	sadd.s32 $0x50, s15;
	s23 =	simm.s32 $0xD228  }
0x183: {  	[hbm4b:s21+s3] =	stream.linear.scatter [tilespmem:s23], [sflag:$0x4], $0x80, $0x38;
	[tilespmem:$0xE900] =	vst v63  }
0x184: {  	s16 =	sadd.s32 $0x60, s15;
	s21 =	simm.s32 $0xD2B0  }
0x185: {  	[hbm4b:s16+s3] =	stream.linear.scatter [tilespmem:s21], [sflag:$0x4], $0x80, $0x38;
	[tilespmem:$0xE900] =	vst v63  }
0x186: {  	s15 =	sadd.s32 $0x70, s15;
	s23 =	simm.s32 $0xD338  }
0x187: {  	[hbm4b:s15+s3] =	stream.linear.scatter [tilespmem:s23], [sflag:$0x4], $0x80, $0x38;
	[tilespmem:$0xE900] =	vst v63  }
0x188: {  	s20 =	simm.s32 $0xD3C0;
	s15 =	sadd.s32 s14, s9  }
0x189: {  	[hbm4b:s15+s3] =	stream.linear.scatter [tilespmem:s20], [sflag:$0x4], $0x80, $0x38;
	[tilespmem:$0xE900] =	vst v63  }
0x18a: {  	s23 =	simm.s32 $0xD448;
	s21 =	sadd.s32 $0x10, s15  }
0x18b: {  	[hbm4b:s21+s3] =	stream.linear.scatter [tilespmem:s23], [sflag:$0x4], $0x80, $0x38;
	[tilespmem:$0xE900] =	vst v63  }
0x18c: {  	s21 =	sadd.s32 $0x20, s15;
	s23 =	simm.s32 $0xD4D0  }
0x18d: {  	[hbm4b:s21+s3] =	stream.linear.scatter [tilespmem:s23], [sflag:$0x4], $0x80, $0x38;
	[tilespmem:$0xE900] =	vst v63  }
0x18e: {  	s21 =	sadd.s32 $0x30, s15;
	s23 =	simm.s32 $0xD558  }
0x18f: {  	[hbm4b:s21+s3] =	stream.linear.scatter [tilespmem:s23], [sflag:$0x4], $0x80, $0x38;
	[tilespmem:$0xE900] =	vst v63  }
0x190: {  	s21 =	sadd.s32 $0x40, s15;
	s23 =	simm.s32 $0xD5E0  }
0x191: {  	[hbm4b:s21+s3] =	stream.linear.scatter [tilespmem:s23], [sflag:$0x4], $0x80, $0x38;
	[tilespmem:$0xE900] =	vst v63  }
0x192: {  	s21 =	sadd.s32 $0x50, s15;
	s23 =	simm.s32 $0xD668  }
0x193: {  	[hbm4b:s21+s3] =	stream.linear.scatter [tilespmem:s23], [sflag:$0x4], $0x80, $0x38;
	[tilespmem:$0xE900] =	vst v63  }
0x194: {  	s16 =	sadd.s32 $0x60, s15;
	s21 =	simm.s32 $0xD6F0  }
0x195: {  	[hbm4b:s16+s3] =	stream.linear.scatter [tilespmem:s21], [sflag:$0x4], $0x80, $0x38;
	[tilespmem:$0xE900] =	vst v63  }
0x196: {  	s15 =	sadd.s32 $0x70, s15;
	s23 =	simm.s32 $0xD778  }
0x197: {  	[hbm4b:s15+s3] =	stream.linear.scatter [tilespmem:s23], [sflag:$0x4], $0x80, $0x38;
	[tilespmem:$0xE900] =	vst v63  }
0x198: {  	s20 =	simm.s32 $0xD800;
	s15 =	sadd.s32 s14, s10  }
0x199: {  	[hbm4b:s15+s3] =	stream.linear.scatter [tilespmem:s20], [sflag:$0x4], $0x80, $0x38;
	[tilespmem:$0xE900] =	vst v63  }
0x19a: {  	s23 =	simm.s32 $0xD888;
	s21 =	sadd.s32 $0x10, s15  }
0x19b: {  	[hbm4b:s21+s3] =	stream.linear.scatter [tilespmem:s23], [sflag:$0x4], $0x80, $0x38;
	[tilespmem:$0xE900] =	vst v63  }
0x19c: {  	s21 =	sadd.s32 $0x20, s15;
	s23 =	simm.s32 $0xD910  }
0x19d: {  	[hbm4b:s21+s3] =	stream.linear.scatter [tilespmem:s23], [sflag:$0x4], $0x80, $0x38;
	[tilespmem:$0xE900] =	vst v63  }
0x19e: {  	s21 =	sadd.s32 $0x30, s15;
	s23 =	simm.s32 $0xD998  }
0x19f: {  	[hbm4b:s21+s3] =	stream.linear.scatter [tilespmem:s23], [sflag:$0x4], $0x80, $0x38;
	[tilespmem:$0xE900] =	vst v63  }
0x1a0: {  	s21 =	sadd.s32 $0x40, s15;
	s23 =	simm.s32 $0xDA20  }
0x1a1: {  	[hbm4b:s21+s3] =	stream.linear.scatter [tilespmem:s23], [sflag:$0x4], $0x80, $0x38;
	[tilespmem:$0xE900] =	vst v63  }
0x1a2: {  	s21 =	sadd.s32 $0x50, s15;
	s23 =	simm.s32 $0xDAA8  }
0x1a3: {  	[hbm4b:s21+s3] =	stream.linear.scatter [tilespmem:s23], [sflag:$0x4], $0x80, $0x38;
	[tilespmem:$0xE900] =	vst v63  }
0x1a4: {  	s16 =	sadd.s32 $0x60, s15;
	s21 =	simm.s32 $0xDB30  }
0x1a5: {  	[hbm4b:s16+s3] =	stream.linear.scatter [tilespmem:s21], [sflag:$0x4], $0x80, $0x38;
	[tilespmem:$0xE900] =	vst v63  }
0x1a6: {  	s15 =	sadd.s32 $0x70, s15;
	s23 =	simm.s32 $0xDBB8  }
0x1a7: {  	[hbm4b:s15+s3] =	stream.linear.scatter [tilespmem:s23], [sflag:$0x4], $0x80, $0x38;
	[tilespmem:$0xE900] =	vst v63  }
0x1a8: {  	s20 =	simm.s32 $0xDC40;
	s15 =	sadd.s32 s14, s11  }
0x1a9: {  	[hbm4b:s15+s3] =	stream.linear.scatter [tilespmem:s20], [sflag:$0x4], $0x80, $0x38;
	[tilespmem:$0xE900] =	vst v63  }
0x1aa: {  	s23 =	simm.s32 $0xDCC8;
	s21 =	sadd.s32 $0x10, s15  }
0x1ab: {  	[hbm4b:s21+s3] =	stream.linear.scatter [tilespmem:s23], [sflag:$0x4], $0x80, $0x38;
	[tilespmem:$0xE900] =	vst v63  }
0x1ac: {  	s21 =	sadd.s32 $0x20, s15;
	s23 =	simm.s32 $0xDD50  }
0x1ad: {  	[hbm4b:s21+s3] =	stream.linear.scatter [tilespmem:s23], [sflag:$0x4], $0x80, $0x38;
	[tilespmem:$0xE900] =	vst v63  }
0x1ae: {  	s21 =	sadd.s32 $0x30, s15;
	s23 =	simm.s32 $0xDDD8  }
0x1af: {  	[hbm4b:s21+s3] =	stream.linear.scatter [tilespmem:s23], [sflag:$0x4], $0x80, $0x38;
	[tilespmem:$0xE900] =	vst v63  }
0x1b0: {  	s21 =	sadd.s32 $0x40, s15;
	s23 =	simm.s32 $0xDE60  }
0x1b1: {  	[hbm4b:s21+s3] =	stream.linear.scatter [tilespmem:s23], [sflag:$0x4], $0x80, $0x38;
	[tilespmem:$0xE900] =	vst v63  }
0x1b2: {  	s21 =	sadd.s32 $0x50, s15;
	s23 =	simm.s32 $0xDEE8  }
0x1b3: {  	[hbm4b:s21+s3] =	stream.linear.scatter [tilespmem:s23], [sflag:$0x4], $0x80, $0x38;
	[tilespmem:$0xE900] =	vst v63  }
0x1b4: {  	s16 =	sadd.s32 $0x60, s15;
	s21 =	simm.s32 $0xDF70  }
0x1b5: {  	[hbm4b:s16+s3] =	stream.linear.scatter [tilespmem:s21], [sflag:$0x4], $0x80, $0x38;
	[tilespmem:$0xE900] =	vst v63  }
0x1b6: {  	s15 =	sadd.s32 $0x70, s15;
	s23 =	simm.s32 $0xDFF8  }
0x1b7: {  	[hbm4b:s15+s3] =	stream.linear.scatter [tilespmem:s23], [sflag:$0x4], $0x80, $0x38;
	[tilespmem:$0xE900] =	vst v63  }
0x1b8: {  	s20 =	simm.s32 $0xE080;
	s15 =	sadd.s32 s14, s12  }
0x1b9: {  	[hbm4b:s15+s3] =	stream.linear.scatter [tilespmem:s20], [sflag:$0x4], $0x80, $0x38;
	[tilespmem:$0xE900] =	vst v63  }
0x1ba: {  	s23 =	simm.s32 $0xE108;
	s21 =	sadd.s32 $0x10, s15  }
0x1bb: {  	[hbm4b:s21+s3] =	stream.linear.scatter [tilespmem:s23], [sflag:$0x4], $0x80, $0x38;
	[tilespmem:$0xE900] =	vst v63  }
0x1bc: {  	s21 =	sadd.s32 $0x20, s15;
	s23 =	simm.s32 $0xE190  }
0x1bd: {  	[hbm4b:s21+s3] =	stream.linear.scatter [tilespmem:s23], [sflag:$0x4], $0x80, $0x38;
	[tilespmem:$0xE900] =	vst v63  }
0x1be: {  	s21 =	sadd.s32 $0x30, s15;
	s23 =	simm.s32 $0xE218  }
0x1bf: {  	[hbm4b:s21+s3] =	stream.linear.scatter [tilespmem:s23], [sflag:$0x4], $0x80, $0x38;
	[tilespmem:$0xE900] =	vst v63  }
0x1c0: {  	s21 =	sadd.s32 $0x40, s15;
	s23 =	simm.s32 $0xE2A0  }
0x1c1: {  	[hbm4b:s21+s3] =	stream.linear.scatter [tilespmem:s23], [sflag:$0x4], $0x80, $0x38;
	[tilespmem:$0xE900] =	vst v63  }
0x1c2: {  	s21 =	sadd.s32 $0x50, s15;
	s23 =	simm.s32 $0xE328  }
0x1c3: {  	[hbm4b:s21+s3] =	stream.linear.scatter [tilespmem:s23], [sflag:$0x4], $0x80, $0x38;
	[tilespmem:$0xE900] =	vst v63  }
0x1c4: {  	s21 =	sadd.s32 $0x60, s15;
	s23 =	simm.s32 $0xE3B0  }
0x1c5: {  	[hbm4b:s21+s3] =	stream.linear.scatter [tilespmem:s23], [sflag:$0x4], $0x80, $0x38;
	[tilespmem:$0xE900] =	vst v63  }
0x1c6: {  	s20 =	simm.s32 $0xE438;
	s15 =	sadd.s32 $0x70, s15  }
0x1c7: {  	[hbm4b:s15+s3] =	stream.linear.scatter [tilespmem:s20], [sflag:$0x4], $0x80, $0x38;
	[tilespmem:$0xE900] =	vst v63  }
0x1c8: {  	s14 =	sadd.s32 s14, s13  }
0x1c9: {  	[hbm4b:s14+s3] =	stream.linear.scatter [tilespmem:s24], [sflag:$0x4], $0x80, $0x38;
	[tilespmem:$0xE900] =	vst v63  }
0x1ca: {  	s21 =	sadd.s32 $0x10, s14  }
0x1cb: {  	[hbm4b:s21+s3] =	stream.linear.scatter [tilespmem:s25], [sflag:$0x4], $0x80, $0x38;
	[tilespmem:$0xE900] =	vst v63  }
0x1cc: {  	s23 =	sadd.s32 $0x20, s14  }
0x1cd: {  	[hbm4b:s23+s3] =	stream.linear.scatter [tilespmem:s26], [sflag:$0x4], $0x80, $0x38;
	[tilespmem:$0xE900] =	vst v63  }
0x1ce: {  	s16 =	sadd.s32 $0x30, s14  }
0x1cf: {  	[hbm4b:s16+s3] =	stream.linear.scatter [tilespmem:s28], [sflag:$0x4], $0x80, $0x38;
	[tilespmem:$0xE900] =	vst v63  }
0x1d0: {  	s5 =	sadd.s32 $0x1, s5;
	s20 =	sadd.s32 $0x40, s14  }
0x1d1: {  	[hbm4b:s20+s3] =	stream.linear.scatter [tilespmem:s29], [sflag:$0x4], $0x80, $0x38;
	[tilespmem:$0xE900] =	vst v63  }
0x1d2: {  	p0 =	sne.s32 s5, $0x64;
	s21 =	sadd.s32 $0x50, s14  }
0x1d3: {  	[hbm4b:s21+s3] =	stream.linear.scatter [tilespmem:s30], [sflag:$0x4], $0x80, $0x38;
	[tilespmem:$0xE900] =	vst v63  }
.Ltmp2:
0x1d4: {  	_ = 	snop;
	(pc) =	sbr.rel @p0 .LBB2_2-.Ltmp2, $4  }
0x1d5: {  	s23 =	sadd.s32 $0x60, s14  }
0x1d6: {  	[hbm4b:s23+s3] =	stream.linear.scatter [tilespmem:s31], [sflag:$0x4], $0x80, $0x38;
	[tilespmem:$0xE900] =	vst v63  }
0x1d7: {  	s14 =	sadd.s32 $0x70, s14  }
0x1d8: {  	[hbm4b:s14+s3] =	stream.linear.scatter [tilespmem:s1], [sflag:$0x4], $0x80, $0x38;
	[tilespmem:$0xE900] =	vst v63  }
0x1d9: {  	s5 =	simm.s32 $0x3  }
0x1da: {  	_ =	swait.ge [sflag:s5], $0x400  }
0x1db: {  	[sflag:s5] =	ssyncset.done $0x0  }
0x1dc: {  	[sflag:s5] =	ssyncadd.s32 $0xFFFFFC00  }
0x1dd: {  	_ =	swait.ge [sflag:s5], $0x400  }
0x1de: {  	[sflag:s5] =	ssyncset.done $0x0  }
0x1df: {  	[sflag:s5] =	ssyncadd.s32 $0xFFFFFC00  }
0x1e0: {  	_ =	swait.ge [sflag:s5], $0x400  }
0x1e1: {  	[sflag:s5] =	ssyncset.done $0x0  }
0x1e2: {  	[sflag:s5] =	ssyncadd.s32 $0xFFFFFC00  }
0x1e3: {  	_ =	swait.ge [sflag:s5], $0x400  }
0x1e4: {  	[sflag:s5] =	ssyncset.done $0x0  }
0x1e5: {  	[sflag:s5] =	ssyncadd.s32 $0xFFFFFC00  }
0x1e6: {  	_ =	swait.ge [sflag:s5], $0x400  }
0x1e7: {  	[sflag:s5] =	ssyncset.done $0x0  }
0x1e8: {  	[sflag:s5] =	ssyncadd.s32 $0xFFFFFC00  }
0x1e9: {  	_ =	swait.ge [sflag:s5], $0x400  }
0x1ea: {  	[sflag:s5] =	ssyncset.done $0x0  }
0x1eb: {  	[sflag:s5] =	ssyncadd.s32 $0xFFFFFC00  }
0x1ec: {  	_ =	swait.ge [sflag:s5], $0x400  }
0x1ed: {  	[sflag:s5] =	ssyncset.done $0x0  }
0x1ee: {  	[sflag:s5] =	ssyncadd.s32 $0xFFFFFC00  }
0x1ef: {  	_ =	swait.ge [sflag:s5], $0x400  }
0x1f0: {  	[sflag:s5] =	ssyncset.done $0x0  }
0x1f1: {  	[sflag:s5] =	ssyncadd.s32 $0xFFFFFC00  }
0x1f2: {  	_ =	swait.ge [sflag:s0], $0x400  }
0x1f3: {  	[sflag:s0] =	ssyncset.done $0x0  }
0x1f4: {  	[sflag:s0] =	ssyncadd.s32 $0xFFFFFC00  }
0x1f5: {  	_ =	swait.ge [sflag:s0], $0x400  }
0x1f6: {  	[sflag:s0] =	ssyncset.done $0x0  }
0x1f7: {  	[sflag:s0] =	ssyncadd.s32 $0xFFFFFC00  }
0x1f8: {  	_ =	swait.ge [sflag:s0], $0x400  }
0x1f9: {  	[sflag:s0] =	ssyncset.done $0x0  }
0x1fa: {  	[sflag:s0] =	ssyncadd.s32 $0xFFFFFC00  }
0x1fb: {  	_ =	swait.ge [sflag:s0], $0x400  }
0x1fc: {  	[sflag:s0] =	ssyncset.done $0x0  }
0x1fd: {  	[sflag:s0] =	ssyncadd.s32 $0xFFFFFC00  }
0x1fe: {  	_ =	swait.ge [sflag:s0], $0x400  }
0x1ff: {  	[sflag:s0] =	ssyncset.done $0x0  }
0x200: {  	[sflag:s0] =	ssyncadd.s32 $0xFFFFFC00  }
0x201: {  	_ =	swait.ge [sflag:s0], $0x400  }
0x202: {  	[sflag:s0] =	ssyncset.done $0x0  }
0x203: {  	[sflag:s0] =	ssyncadd.s32 $0xFFFFFC00  }
0x204: {  	_ =	swait.ge [sflag:s0], $0x400  }
0x205: {  	[sflag:s0] =	ssyncset.done $0x0  }
0x206: {  	[sflag:s0] =	ssyncadd.s32 $0xFFFFFC00  }
0x207: {  	_ =	swait.ge [sflag:s0], $0x400  }
0x208: {  	s14 =	rddreg [dreg:$0x6]  }
0x209: {  	s23 =	rddreg [dreg:$0x5];
	s14 =	sadd.s32 $0x1, s14  }
0x20a: {  	p0 =	sne.s32 s14, s23  }
.Ltmp3:
0x20b: {  	_ = 	snop;
	(pc) =	sbr.rel @p0 .LBB2_1-.Ltmp3, $3  }
0x20c: {  	_ =	sdelay $0x1  }
0x20d: {  	[sflag:s0] =	ssyncset.done $0x0  }
0x20e: {  	[sflag:s0] =	ssyncadd.s32 $0xFFFFFC00  }
0x20f: {  	_ =	sfence.sel $0x180000  }
0x210: {  	[bflag:$0x0] =	sbarrier.arrive $0xFFFF  }
0x211: {  	_ =	strace $0x9000004A  }
0x212: {  	s0 =	stileid.u32;
	[bflag:$0x2] =	sbarrier.arrive $0xFFFF  }
0x213: {  	p0 =	sne.s32 s0, $0x0;
	s0 =	rddreg [dreg:$0x3]  }
0x214: {  	s0 =	sadd.s32 @!p0 $0x100000, s0  }
0x215: {  	[sflag:s0] =	ssyncadd.tile.s32 @!p0 $0x1;
	_ =	shalt  }
.Lfunc_end2:
_tile_overlayer_lowered:
.L_overlay_start_2:
0x216: {  	(tag) =	ssettag $0x2  }
0x217: {  	s0 =	rddreg [dreg:$0x0];
	s2 =	stileid.u32  }
0x218: {  	s1 =	rddreg [dreg:$0x1];
	p0 =	sne.s32 s2, $0x0  }
0x219: {  	s3 =	rddreg [dreg:$0x2];
	[bflag:$0x3] =	sbarrier.arrive $0xFFFF;
	s2 =	simm.s32 @!p0 $0x1C05  }
0x21a: {  	[timem:s3], [sflag:s2] =	dma.local @!p0 [hbm:s0], s1  }
0x21b: {  	s0 =	simm.s32 @!p0 $0x5  }
0x21c: {  	_ =	swait.ge @!p0 [sflag:s0], s1  }
0x21d: {  	s1 =	ssub.s32 @!p0 $0x0, s1;
	[sflag:s0] =	ssyncset.done @!p0 $0x0  }
0x21e: {  	[sflag:s0] =	ssyncadd.s32 @!p0 s1  }
0x21f: {  	[bflag:$0x3] =	sbarrier.arrive $0xFFFF  }
0x220: {  	_ =	shalt  }

</sc_bundles>
